<compile_context>
chip_gen: v7x
topology: tpu7x:2x2x1
jax: 0.10.2.dev20260603
libtpu: 0.0.44.dev20260713+nightly
codegen_flags: <defaults>
</compile_context>

<pallas_src>
import functools

import jax
import jax.numpy as jnp
from jax.experimental import pallas as pl
from jax.experimental.pallas import tpu as pltpu

V0, V1 = 0.1, 0.2
S = 8
CH = 8


def _fused_kernel(targets_ref, priors_ref, pconf_ref, ploc_ref,
                  locp_ref, con_ref, npos_ref, *, C, P, NOBJ):
    L = P // S
    cx = priors_ref[0]
    cy = priors_ref[1]
    pw = priors_ref[2]
    ph = priors_ref[3]
    pxmin = cx - pw * 0.5
    pymin = cy - ph * 0.5
    pxmax = cx + pw * 0.5
    pymax = cy + ph * 0.5
    area_p = pw * ph

    io = (jax.lax.broadcasted_iota(jnp.int32, (S, L), 0) * L +
          jax.lax.broadcasted_iota(jnp.int32, (S, L), 1))

    best_iou = jnp.full((S, L), -1.0, jnp.float32)
    best_idx = jnp.zeros((S, L), jnp.int32)
    box = []
    for j in range(NOBJ):
        bx0 = targets_ref[0, j, 0]
        by0 = targets_ref[0, j, 1]
        bx1 = targets_ref[0, j, 2]
        by1 = targets_ref[0, j, 3]
        lab = targets_ref[0, j, 4]
        iw = jnp.maximum(jnp.minimum(pxmax, bx1) - jnp.maximum(pxmin, bx0), 0.0)
        ih = jnp.maximum(jnp.minimum(pymax, by1) - jnp.maximum(pymin, by0), 0.0)
        inter = iw * ih
        ab = (bx1 - bx0) * (by1 - by0)
        iou_j = inter / (area_p + ab - inter)
        upd = iou_j > best_iou
        best_idx = jnp.where(upd, j, best_idx)
        best_iou = jnp.where(upd, iou_j, best_iou)
        mj = jnp.max(iou_j, axis=(0, 1), keepdims=True)
        bpi_j = jnp.min(jnp.where(iou_j == mj, io, jnp.int32(P)),
                        axis=(0, 1), keepdims=True)
        box.append((bx0, by0, bx1, by1, lab, bpi_j))

    gi = best_idx
    giou = best_iou
    for j in range(NOBJ):
        m = io == box[j][5]
        gi = jnp.where(m, j, gi)
        giou = jnp.where(m, 2.0, giou)

    mx0 = jnp.zeros((S, L), jnp.float32)
    my0 = jnp.zeros((S, L), jnp.float32)
    mx1 = jnp.zeros((S, L), jnp.float32)
    my1 = jnp.zeros((S, L), jnp.float32)
    mlab = jnp.zeros((S, L), jnp.float32)
    for j in range(NOBJ):
        m = gi == j
        mx0 = jnp.where(m, box[j][0], mx0)
        my0 = jnp.where(m, box[j][1], my0)
        mx1 = jnp.where(m, box[j][2], mx1)
        my1 = jnp.where(m, box[j][3], my1)
        mlab = jnp.where(m, box[j][4], mlab)

    glab = jnp.where(giou > 0.5, mlab.astype(jnp.int32), 0)
    mask = glab > 0
    gx = ((mx0 + mx1) * 0.5 - cx) / (V0 * pw)
    gy = ((my0 + my1) * 0.5 - cy) / (V0 * ph)
    gw = jnp.log((mx1 - mx0) / pw) / V1
    gh = jnp.log((my1 - my0) / ph) / V1

    d = ploc_ref[0] - jnp.stack([gx, gy, gw, gh], axis=0)
    ad = jnp.abs(d)
    sl1 = jnp.where(ad < 1.0, 0.5 * d * d, ad - 0.5)
    lloss = jnp.sum(sl1, axis=0)
    loc_row = jnp.sum(jnp.where(mask, lloss, 0.0))

    labi = [b[4].astype(jnp.int32) for b in box]
    CL = L // CH
    chunks = []
    for c in range(CH):
        sl = slice(c * CL, (c + 1) * CL)
        xs = pconf_ref[0, :, :, sl]
        se = jnp.sum(jnp.exp(xs), axis=0)
        pick = pconf_ref[0, 0, :, sl]
        gch = gi[:, sl]
        mch = mask[:, sl]
        for j in range(NOBJ):
            row = pconf_ref[0, labi[j], :, sl]
            pick = jnp.where(mch & (gch == j), row, pick)
        chunks.append(jnp.log(se) - pick)
    cl = jnp.concatenate(chunks, axis=1)

    npos_i = jnp.sum(mask.astype(jnp.int32), axis=(0, 1), keepdims=True)
    k = jnp.minimum(3 * npos_i, jnp.int32(P))
    bits = jax.lax.bitcast_convert_type(cl, jnp.int32)
    cb = jnp.where(mask, jnp.int32(0), bits)

    def body(i, T):
        cand = T | jnp.left_shift(jnp.int32(1), 30 - i)
        cnt = jnp.sum((cb >= cand).astype(jnp.int32), axis=(0, 1),
                      keepdims=True)
        return jnp.where(cnt >= k, cand, T)

    T = jax.lax.fori_loop(0, 20, body, jnp.zeros((1, 1), jnp.int32))

    gt = cb > T
    c_gt = jnp.sum(gt.astype(jnp.int32), axis=(0, 1), keepdims=True)
    sum_gt = jnp.sum(jnp.where(gt, cl, 0.0))
    rem = k - c_gt
    Lv = jax.lax.bitcast_convert_type(T, jnp.float32)

    def tie_path():
        z = cb == 0

        def body2(i, T2):
            cand = T2 | jnp.left_shift(jnp.int32(1), 15 - i)
            cnt = jnp.sum((z & (io < cand)).astype(jnp.int32), axis=(0, 1),
                          keepdims=True)
            return jnp.where(cnt <= rem, cand, T2)

        T2 = jax.lax.fori_loop(0, 16, body2, jnp.zeros((1, 1), jnp.int32))
        return jnp.sum(jnp.where(z & (io < T2), cl, 0.0))

    def no_tie_path():
        return jnp.sum(rem.astype(jnp.float32) * Lv)

    extra = jax.lax.cond(T[0, 0] > 0, no_tie_path, tie_path)

    pos_closs = jnp.sum(jnp.where(mask, cl, 0.0))
    locp_ref[0] = loc_row.reshape(1, 1)
    con_ref[0] = (pos_closs + sum_gt + extra).reshape(1, 1)
    npos_ref[0] = npos_i.astype(jnp.float32)


def kernel(ploc, pconf, priors, targets):
    B, C, P = pconf.shape
    NOBJ = targets.shape[1]
    L = P // S
    pconf4 = pconf.reshape(B, C, S, L)
    ploc4 = ploc.reshape(B, 4, S, L)
    priors3 = priors.reshape(4, S, L)

    locp, con, npos = pl.pallas_call(
        functools.partial(_fused_kernel, C=C, P=P, NOBJ=NOBJ),
        grid=(B,),
        in_specs=[
            pl.BlockSpec((1, NOBJ, 5), lambda b: (b, 0, 0),
                         memory_space=pltpu.SMEM),
            pl.BlockSpec((4, S, L), lambda b: (0, 0, 0)),
            pl.BlockSpec((1, C, S, L), lambda b: (b, 0, 0, 0)),
            pl.BlockSpec((1, 4, S, L), lambda b: (b, 0, 0, 0)),
        ],
        out_specs=[
            pl.BlockSpec((1, 1, 1), lambda b: (b, 0, 0)),
            pl.BlockSpec((1, 1, 1), lambda b: (b, 0, 0)),
            pl.BlockSpec((1, 1, 1), lambda b: (b, 0, 0)),
        ],
        out_shape=[
            jax.ShapeDtypeStruct((B, 1, 1), jnp.float32),
            jax.ShapeDtypeStruct((B, 1, 1), jnp.float32),
            jax.ShapeDtypeStruct((B, 1, 1), jnp.float32),
        ],
        compiler_params=pltpu.CompilerParams(
            dimension_semantics=("arbitrary",)),
    )(targets, priors3, pconf4, ploc4)

    npos_t = jnp.sum(npos)
    return (jnp.sum(locp) / npos_t, jnp.sum(con) / npos_t)

# --- scband reference (transcript-rebuilt; emitter-appended) ---
"""Pipeline reference for scband-multi-box-loss-47201690583655 (READ-ONLY COPY).

The authoritative reference and input builder live on the scoring server;
editing this copy changes nothing except your own understanding.
"""

import jax, jax.numpy as jnp
import numpy as np

VARIANCES = (0.1, 0.2)
NUM_CLASSES = 81


def _point_form(priors_ct):
    return jnp.concatenate([priors_ct[:, :2] - priors_ct[:, 2:] * 0.5,
                            priors_ct[:, :2] + priors_ct[:, 2:] * 0.5], axis=1)


def _iou(a, b):
    lt = jnp.maximum(a[:, None, :2], b[None, :, :2])
    rb = jnp.minimum(a[:, None, 2:], b[None, :, 2:])
    wh = jnp.clip(rb - lt, 0.0, None)
    inter = wh[..., 0] * wh[..., 1]
    area_a = (a[:, 2] - a[:, 0]) * (a[:, 3] - a[:, 1])
    area_b = (b[:, 2] - b[:, 0]) * (b[:, 3] - b[:, 1])
    return inter / (area_a[:, None] + area_b[None, :] - inter)


def _encode(priors_pt, boxes, labels, threshold=0.5):
    n = boxes.shape[0]
    ious = _iou(priors_pt, boxes)
    best_gt_iou = ious.max(axis=1)
    best_gt_idx = ious.argmax(axis=1)
    best_prior_idx = ious.argmax(axis=0)
    best_gt_iou = best_gt_iou.at[best_prior_idx].set(2.0)
    best_gt_idx = best_gt_idx.at[best_prior_idx].set(jnp.arange(n))
    matched = boxes[best_gt_idx]
    lab = jnp.where(best_gt_iou > threshold, labels[best_gt_idx].astype(jnp.int32), 0)
    cxcy = (matched[:, :2] + matched[:, 2:]) * 0.5
    wh = matched[:, 2:] - matched[:, :2]
    gloc = jnp.concatenate([cxcy, wh], axis=1).T
    return gloc, lab


def _smooth_l1(x):
    ax = jnp.abs(x)
    return jnp.where(ax < 1.0, 0.5 * x * x, ax - 0.5)


def setup_inputs(seed: int = 0):
    key = jax.random.key(seed)
    B, P, C, NOBJ = 32, 32768, NUM_CLASSES, 16
    k1, k2, k3, k4, k5, k6 = jax.random.split(key, 6)
    ploc = jax.random.normal(k1, (B, 4, P), dtype=jnp.float32)
    pconf = jax.random.normal(k2, (B, C, P), dtype=jnp.float32)
    cxy = jax.random.uniform(k3, (2, P), minval=0.05, maxval=0.95)
    pwh = jax.random.uniform(k4, (2, P), minval=0.05, maxval=0.5)
    priors = jnp.concatenate([cxy, pwh], axis=0).astype(jnp.float32)
    xy = jax.random.uniform(k5, (B, NOBJ, 2), minval=0.05, maxval=0.6)
    wh = jax.random.uniform(k6, (B, NOBJ, 2), minval=0.05, maxval=0.35)
    lab = jax.random.randint(jax.random.fold_in(key, 7), (B, NOBJ, 1), 1, C).astype(jnp.float32)
    targets = jnp.concatenate([xy, xy + wh, lab], axis=2).astype(jnp.float32)
    return {"ploc": ploc, "pconf": pconf, "priors": priors, "targets": targets}


def reference(ploc, pconf, priors, targets):
    v0, v1 = VARIANCES
    priors_ct = priors.T
    priors_pt = _point_form(priors_ct)

    def enc(t):
        return _encode(priors_pt, t[:, :4], t[:, 4])

    gloc, glabel = jax.vmap(enc)(targets)
    mask = glabel > 0
    num_pos = mask.sum(axis=1)

    pr = priors[None]
    dxy = pr[:, :2, :]
    dwh = pr[:, 2:, :]
    gxy = (gloc[:, :2, :] - dxy) / (v0 * dwh)
    gwh = jnp.log(gloc[:, 2:, :] / dwh) / v1
    gloc_off = jnp.concatenate([gxy, gwh], axis=1)

    loc_loss = _smooth_l1(ploc - gloc_off).sum(axis=1)
    loc_loss = (mask.astype(jnp.float32) * loc_loss).sum()

    logp = jax.nn.log_softmax(pconf, axis=1)
    closs = -jnp.take_along_axis(logp, glabel[:, None, :], axis=1)[:, 0, :]

    con_neg = jnp.where(mask, 0.0, closs)
    con_idx = jnp.argsort(-con_neg, axis=1)
    con_rank = jnp.argsort(con_idx, axis=1)
    neg_num = jnp.minimum(3 * num_pos, mask.shape[1])[:, None]
    neg_mask = con_rank < neg_num
    con_loss = (closs * (mask.astype(jnp.float32) + neg_mask.astype(jnp.float32))).sum()

    npos = num_pos.sum().astype(jnp.float32)
    return (loc_loss / npos, con_loss / npos)

if __name__ == "__main__":
    import jax
    _d = setup_inputs()
    print(jax.jit(kernel)(*tuple(_d.values())))

</pallas_src>

<mosaic_0001>
module attributes {stable_mosaic.version = 14 : i64} {
  func.func @_fused_kernel(%arg0: i32, %arg1: memref<1x16x5xf32, #tpu.memory_space<smem>>, %arg2: memref<4x8x4096xf32, #tpu.memory_space<vmem>>, %arg3: memref<1x81x8x4096xf32, #tpu.memory_space<vmem>>, %arg4: memref<1x4x8x4096xf32, #tpu.memory_space<vmem>>, %arg5: memref<1x1x1xf32, #tpu.memory_space<vmem>>, %arg6: memref<1x1x1xf32, #tpu.memory_space<vmem>>, %arg7: memref<1x1x1xf32, #tpu.memory_space<vmem>>) attributes {dimension_semantics = [#tpu.dimension_semantics<arbitrary>], iteration_bounds = array<i64: 32>, scalar_prefetch = 0 : i64, scratch_operands = 0 : i64, tpu.core_type = #tpu.core_type<tc>, window_params = [{transform_indices = @transform_0, window_bounds = array<i64: 1, 16, 5>}, {pipeline_mode = #tpu.pipeline_mode<synchronous>, transform_indices = @transform_1, window_bounds = array<i64: 4, 8, 4096>}, {transform_indices = @transform_2, window_bounds = array<i64: 1, 81, 8, 4096>}, {transform_indices = @transform_3, window_bounds = array<i64: 1, 4, 8, 4096>}, {transform_indices = @transform_4, window_bounds = array<i64: 1, 1, 1>}, {transform_indices = @transform_5, window_bounds = array<i64: 1, 1, 1>}, {transform_indices = @transform_6, window_bounds = array<i64: 1, 1, 1>}]} {
    %get3A = arith.constant 0 : index
    %get3A_0 = arith.constant 0 : index
    %get3A_1 = arith.constant 0 : index
    %get3A_2 = vector.load %arg2[%get3A, %get3A_0, %get3A_1] : memref<4x8x4096xf32, #tpu.memory_space<vmem>>, vector<1x8x4096xf32>
    %get3A_3 = vector.shape_cast %get3A_2 : vector<1x8x4096xf32> to vector<8x4096xf32>
    %get3A_4 = arith.constant 1 : index
    %get3A_5 = arith.constant 0 : index
    %get3A_6 = arith.constant 0 : index
    %get3A_7 = vector.load %arg2[%get3A_4, %get3A_5, %get3A_6] : memref<4x8x4096xf32, #tpu.memory_space<vmem>>, vector<1x8x4096xf32>
    %get3A_8 = vector.shape_cast %get3A_7 : vector<1x8x4096xf32> to vector<8x4096xf32>
    %get3A_9 = arith.constant 2 : index
    %get3A_10 = arith.constant 0 : index
    %get3A_11 = arith.constant 0 : index
    %get3A_12 = vector.load %arg2[%get3A_9, %get3A_10, %get3A_11] : memref<4x8x4096xf32, #tpu.memory_space<vmem>>, vector<1x8x4096xf32>
    %get3A_13 = vector.shape_cast %get3A_12 : vector<1x8x4096xf32> to vector<8x4096xf32>
    %get3A_14 = arith.constant 3 : index
    %get3A_15 = arith.constant 0 : index
    %get3A_16 = arith.constant 0 : index
    %get3A_17 = vector.load %arg2[%get3A_14, %get3A_15, %get3A_16] : memref<4x8x4096xf32, #tpu.memory_space<vmem>>, vector<1x8x4096xf32>
    %get3A_18 = vector.shape_cast %get3A_17 : vector<1x8x4096xf32> to vector<8x4096xf32>
    %mul3A = arith.constant 5.000000e-01 : f32
    %mul3A_19 = vector.broadcast %mul3A : f32 to vector<8x4096xf32>
    %mul3A_20 = arith.mulf %get3A_13, %mul3A_19 : vector<8x4096xf32>
    %sub3A = arith.subf %get3A_3, %mul3A_20 : vector<8x4096xf32>
    %mul3A_21 = arith.constant 5.000000e-01 : f32
    %mul3A_22 = vector.broadcast %mul3A_21 : f32 to vector<8x4096xf32>
    %mul3A_23 = arith.mulf %get3A_18, %mul3A_22 : vector<8x4096xf32>
    %sub3A_24 = arith.subf %get3A_8, %mul3A_23 : vector<8x4096xf32>
    %mul3A_25 = arith.constant 5.000000e-01 : f32
    %mul3A_26 = vector.broadcast %mul3A_25 : f32 to vector<8x4096xf32>
    %mul3A_27 = arith.mulf %get3A_13, %mul3A_26 : vector<8x4096xf32>
    %add3A = arith.addf %get3A_3, %mul3A_27 : vector<8x4096xf32>
    %mul3A_28 = arith.constant 5.000000e-01 : f32
    %mul3A_29 = vector.broadcast %mul3A_28 : f32 to vector<8x4096xf32>
    %mul3A_30 = arith.mulf %get3A_18, %mul3A_29 : vector<8x4096xf32>
    %add3A_31 = arith.addf %get3A_8, %mul3A_30 : vector<8x4096xf32>
    %mul3A_32 = arith.mulf %get3A_13, %get3A_18 : vector<8x4096xf32>
    %iota3A = tpu.iota {dimensions = array<i32: 0>} : vector<8x4096xi32>
    %mul3A_33 = arith.constant 4096 : i32
    %mul3A_34 = vector.broadcast %mul3A_33 : i32 to vector<8x4096xi32>
    %mul3A_35 = arith.muli %iota3A, %mul3A_34 : vector<8x4096xi32>
    %iota3A_36 = tpu.iota {dimensions = array<i32: 1>} : vector<8x4096xi32>
    %add3A_37 = arith.addi %mul3A_35, %iota3A_36 : vector<8x4096xi32>
    %broadcast_in_dim3A = arith.constant -1.000000e+00 : f32
    %broadcast_in_dim3A_38 = vector.broadcast %broadcast_in_dim3A : f32 to vector<8x4096xf32>
    %broadcast_in_dim3A_39 = arith.constant 0 : i32
    %broadcast_in_dim3A_40 = vector.broadcast %broadcast_in_dim3A_39 : i32 to vector<8x4096xi32>
    %get3A_41 = arith.constant 0 : index
    %get3A_42 = arith.constant 0 : index
    %get3A_43 = arith.constant 0 : index
    %get3A_44 = memref.load %arg1[%get3A_41, %get3A_42, %get3A_43] : memref<1x16x5xf32, #tpu.memory_space<smem>>
    %get3A_45 = arith.constant 0 : index
    %get3A_46 = arith.constant 0 : index
    %get3A_47 = arith.constant 1 : index
    %get3A_48 = memref.load %arg1[%get3A_45, %get3A_46, %get3A_47] : memref<1x16x5xf32, #tpu.memory_space<smem>>
    %get3A_49 = arith.constant 0 : index
    %get3A_50 = arith.constant 0 : index
    %get3A_51 = arith.constant 2 : index
    %get3A_52 = memref.load %arg1[%get3A_49, %get3A_50, %get3A_51] : memref<1x16x5xf32, #tpu.memory_space<smem>>
    %get3A_53 = arith.constant 0 : index
    %get3A_54 = arith.constant 0 : index
    %get3A_55 = arith.constant 3 : index
    %get3A_56 = memref.load %arg1[%get3A_53, %get3A_54, %get3A_55] : memref<1x16x5xf32, #tpu.memory_space<smem>>
    %get3A_57 = arith.constant 0 : index
    %get3A_58 = arith.constant 0 : index
    %get3A_59 = arith.constant 4 : index
    %get3A_60 = memref.load %arg1[%get3A_57, %get3A_58, %get3A_59] : memref<1x16x5xf32, #tpu.memory_space<smem>>
    %min3A = vector.broadcast %get3A_52 : f32 to vector<8x4096xf32>
    %min3A_61 = arith.minimumf %add3A, %min3A : vector<8x4096xf32>
    %max3A = vector.broadcast %get3A_44 : f32 to vector<8x4096xf32>
    %max3A_62 = arith.maximumf %sub3A, %max3A : vector<8x4096xf32>
    %sub3A_63 = arith.subf %min3A_61, %max3A_62 : vector<8x4096xf32>
    %max3A_64 = arith.constant 0.000000e+00 : f32
    %max3A_65 = vector.broadcast %max3A_64 : f32 to vector<8x4096xf32>
    %max3A_66 = arith.maximumf %sub3A_63, %max3A_65 : vector<8x4096xf32>
    %min3A_67 = vector.broadcast %get3A_56 : f32 to vector<8x4096xf32>
    %min3A_68 = arith.minimumf %add3A_31, %min3A_67 : vector<8x4096xf32>
    %max3A_69 = vector.broadcast %get3A_48 : f32 to vector<8x4096xf32>
    %max3A_70 = arith.maximumf %sub3A_24, %max3A_69 : vector<8x4096xf32>
    %sub3A_71 = arith.subf %min3A_68, %max3A_70 : vector<8x4096xf32>
    %max3A_72 = arith.constant 0.000000e+00 : f32
    %max3A_73 = vector.broadcast %max3A_72 : f32 to vector<8x4096xf32>
    %max3A_74 = arith.maximumf %sub3A_71, %max3A_73 : vector<8x4096xf32>
    %mul3A_75 = arith.mulf %max3A_66, %max3A_74 : vector<8x4096xf32>
    %sub3A_76 = arith.subf %get3A_52, %get3A_44 : f32
    %sub3A_77 = arith.subf %get3A_56, %get3A_48 : f32
    %mul3A_78 = arith.mulf %sub3A_76, %sub3A_77 : f32
    %add3A_79 = vector.broadcast %mul3A_78 : f32 to vector<8x4096xf32>
    %add3A_80 = arith.addf %mul3A_32, %add3A_79 : vector<8x4096xf32>
    %sub3A_81 = arith.subf %add3A_80, %mul3A_75 : vector<8x4096xf32>
    %div3A = arith.divf %mul3A_75, %sub3A_81 : vector<8x4096xf32>
    %gt3A = arith.cmpf ogt, %div3A, %broadcast_in_dim3A_38 : vector<8x4096xf32>
    %jit3A = arith.constant 0 : i32
    %broadcast_in_dim3A_82 = vector.broadcast %jit3A : i32 to vector<8x4096xi32>
    %select_n3A = arith.select %gt3A, %broadcast_in_dim3A_82, %broadcast_in_dim3A_40 : vector<8x4096xi1>, vector<8x4096xi32>
    %select_n3A_83 = arith.select %gt3A, %div3A, %broadcast_in_dim3A_38 : vector<8x4096xi1>, vector<8x4096xf32>
    %reduce_max3A = vector.shape_cast %div3A : vector<8x4096xf32> to vector<1x8x4096xf32>
    %reduce_max3A_84 = arith.constant dense<0xFF800000> : vector<1xf32>
    %reduce_max3A_85 = vector.multi_reduction <maximumf>, %reduce_max3A, %reduce_max3A_84 [1, 2] : vector<1x8x4096xf32> to vector<1xf32>
    %reduce_max3A_86 = vector.shape_cast %reduce_max3A_85 : vector<1xf32> to vector<1x1x1xf32>
    %reduce_max3A_87 = vector.extract %reduce_max3A_86[0, 0, 0] : f32 from vector<1x1x1xf32>
    %broadcast_in_dim3A_88 = vector.broadcast %reduce_max3A_87 : f32 to vector<1x1xf32>
    %eq3A = vector.broadcast %broadcast_in_dim3A_88 : vector<1x1xf32> to vector<8x4096xf32>
    %eq3A_89 = arith.cmpf oeq, %div3A, %eq3A : vector<8x4096xf32>
    %jit3A_90 = arith.constant 32768 : i32
    %broadcast_in_dim3A_91 = vector.broadcast %jit3A_90 : i32 to vector<8x4096xi32>
    %select_n3A_92 = arith.select %eq3A_89, %add3A_37, %broadcast_in_dim3A_91 : vector<8x4096xi1>, vector<8x4096xi32>
    %reduce_min3A = vector.shape_cast %select_n3A_92 : vector<8x4096xi32> to vector<1x8x4096xi32>
    %reduce_min3A_93 = arith.constant dense<2147483647> : vector<1xi32>
    %reduce_min3A_94 = vector.multi_reduction <minsi>, %reduce_min3A, %reduce_min3A_93 [1, 2] : vector<1x8x4096xi32> to vector<1xi32>
    %reduce_min3A_95 = vector.shape_cast %reduce_min3A_94 : vector<1xi32> to vector<1x1x1xi32>
    %reduce_min3A_96 = vector.extract %reduce_min3A_95[0, 0, 0] : i32 from vector<1x1x1xi32>
    %broadcast_in_dim3A_97 = vector.broadcast %reduce_min3A_96 : i32 to vector<1x1xi32>
    %get3A_98 = arith.constant 0 : index
    %get3A_99 = arith.constant 1 : index
    %get3A_100 = arith.constant 0 : index
    %get3A_101 = memref.load %arg1[%get3A_98, %get3A_99, %get3A_100] : memref<1x16x5xf32, #tpu.memory_space<smem>>
    %get3A_102 = arith.constant 0 : index
    %get3A_103 = arith.constant 1 : index
    %get3A_104 = arith.constant 1 : index
    %get3A_105 = memref.load %arg1[%get3A_102, %get3A_103, %get3A_104] : memref<1x16x5xf32, #tpu.memory_space<smem>>
    %get3A_106 = arith.constant 0 : index
    %get3A_107 = arith.constant 1 : index
    %get3A_108 = arith.constant 2 : index
    %get3A_109 = memref.load %arg1[%get3A_106, %get3A_107, %get3A_108] : memref<1x16x5xf32, #tpu.memory_space<smem>>
    %get3A_110 = arith.constant 0 : index
    %get3A_111 = arith.constant 1 : index
    %get3A_112 = arith.constant 3 : index
    %get3A_113 = memref.load %arg1[%get3A_110, %get3A_111, %get3A_112] : memref<1x16x5xf32, #tpu.memory_space<smem>>
    %get3A_114 = arith.constant 0 : index
    %get3A_115 = arith.constant 1 : index
    %get3A_116 = arith.constant 4 : index
    %get3A_117 = memref.load %arg1[%get3A_114, %get3A_115, %get3A_116] : memref<1x16x5xf32, #tpu.memory_space<smem>>
    %min3A_118 = vector.broadcast %get3A_109 : f32 to vector<8x4096xf32>
    %min3A_119 = arith.minimumf %add3A, %min3A_118 : vector<8x4096xf32>
    %max3A_120 = vector.broadcast %get3A_101 : f32 to vector<8x4096xf32>
    %max3A_121 = arith.maximumf %sub3A, %max3A_120 : vector<8x4096xf32>
    %sub3A_122 = arith.subf %min3A_119, %max3A_121 : vector<8x4096xf32>
    %max3A_123 = arith.constant 0.000000e+00 : f32
    %max3A_124 = vector.broadcast %max3A_123 : f32 to vector<8x4096xf32>
    %max3A_125 = arith.maximumf %sub3A_122, %max3A_124 : vector<8x4096xf32>
    %min3A_126 = vector.broadcast %get3A_113 : f32 to vector<8x4096xf32>
    %min3A_127 = arith.minimumf %add3A_31, %min3A_126 : vector<8x4096xf32>
    %max3A_128 = vector.broadcast %get3A_105 : f32 to vector<8x4096xf32>
    %max3A_129 = arith.maximumf %sub3A_24, %max3A_128 : vector<8x4096xf32>
    %sub3A_130 = arith.subf %min3A_127, %max3A_129 : vector<8x4096xf32>
    %max3A_131 = arith.constant 0.000000e+00 : f32
    %max3A_132 = vector.broadcast %max3A_131 : f32 to vector<8x4096xf32>
    %max3A_133 = arith.maximumf %sub3A_130, %max3A_132 : vector<8x4096xf32>
    %mul3A_134 = arith.mulf %max3A_125, %max3A_133 : vector<8x4096xf32>
    %sub3A_135 = arith.subf %get3A_109, %get3A_101 : f32
    %sub3A_136 = arith.subf %get3A_113, %get3A_105 : f32
    %mul3A_137 = arith.mulf %sub3A_135, %sub3A_136 : f32
    %add3A_138 = vector.broadcast %mul3A_137 : f32 to vector<8x4096xf32>
    %add3A_139 = arith.addf %mul3A_32, %add3A_138 : vector<8x4096xf32>
    %sub3A_140 = arith.subf %add3A_139, %mul3A_134 : vector<8x4096xf32>
    %div3A_141 = arith.divf %mul3A_134, %sub3A_140 : vector<8x4096xf32>
    %gt3A_142 = arith.cmpf ogt, %div3A_141, %select_n3A_83 : vector<8x4096xf32>
    %jit3A_143 = arith.constant 1 : i32
    %broadcast_in_dim3A_144 = vector.broadcast %jit3A_143 : i32 to vector<8x4096xi32>
    %select_n3A_145 = arith.select %gt3A_142, %broadcast_in_dim3A_144, %select_n3A : vector<8x4096xi1>, vector<8x4096xi32>
    %select_n3A_146 = arith.select %gt3A_142, %div3A_141, %select_n3A_83 : vector<8x4096xi1>, vector<8x4096xf32>
    %reduce_max3A_147 = vector.shape_cast %div3A_141 : vector<8x4096xf32> to vector<1x8x4096xf32>
    %reduce_max3A_148 = arith.constant dense<0xFF800000> : vector<1xf32>
    %reduce_max3A_149 = vector.multi_reduction <maximumf>, %reduce_max3A_147, %reduce_max3A_148 [1, 2] : vector<1x8x4096xf32> to vector<1xf32>
    %reduce_max3A_150 = vector.shape_cast %reduce_max3A_149 : vector<1xf32> to vector<1x1x1xf32>
    %reduce_max3A_151 = vector.extract %reduce_max3A_150[0, 0, 0] : f32 from vector<1x1x1xf32>
    %broadcast_in_dim3A_152 = vector.broadcast %reduce_max3A_151 : f32 to vector<1x1xf32>
    %eq3A_153 = vector.broadcast %broadcast_in_dim3A_152 : vector<1x1xf32> to vector<8x4096xf32>
    %eq3A_154 = arith.cmpf oeq, %div3A_141, %eq3A_153 : vector<8x4096xf32>
    %jit3A_155 = arith.constant 32768 : i32
    %broadcast_in_dim3A_156 = vector.broadcast %jit3A_155 : i32 to vector<8x4096xi32>
    %select_n3A_157 = arith.select %eq3A_154, %add3A_37, %broadcast_in_dim3A_156 : vector<8x4096xi1>, vector<8x4096xi32>
    %reduce_min3A_158 = vector.shape_cast %select_n3A_157 : vector<8x4096xi32> to vector<1x8x4096xi32>
    %reduce_min3A_159 = arith.constant dense<2147483647> : vector<1xi32>
    %reduce_min3A_160 = vector.multi_reduction <minsi>, %reduce_min3A_158, %reduce_min3A_159 [1, 2] : vector<1x8x4096xi32> to vector<1xi32>
    %reduce_min3A_161 = vector.shape_cast %reduce_min3A_160 : vector<1xi32> to vector<1x1x1xi32>
    %reduce_min3A_162 = vector.extract %reduce_min3A_161[0, 0, 0] : i32 from vector<1x1x1xi32>
    %broadcast_in_dim3A_163 = vector.broadcast %reduce_min3A_162 : i32 to vector<1x1xi32>
    %get3A_164 = arith.constant 0 : index
    %get3A_165 = arith.constant 2 : index
    %get3A_166 = arith.constant 0 : index
    %get3A_167 = memref.load %arg1[%get3A_164, %get3A_165, %get3A_166] : memref<1x16x5xf32, #tpu.memory_space<smem>>
    %get3A_168 = arith.constant 0 : index
    %get3A_169 = arith.constant 2 : index
    %get3A_170 = arith.constant 1 : index
    %get3A_171 = memref.load %arg1[%get3A_168, %get3A_169, %get3A_170] : memref<1x16x5xf32, #tpu.memory_space<smem>>
    %get3A_172 = arith.constant 0 : index
    %get3A_173 = arith.constant 2 : index
    %get3A_174 = arith.constant 2 : index
    %get3A_175 = memref.load %arg1[%get3A_172, %get3A_173, %get3A_174] : memref<1x16x5xf32, #tpu.memory_space<smem>>
    %get3A_176 = arith.constant 0 : index
    %get3A_177 = arith.constant 2 : index
    %get3A_178 = arith.constant 3 : index
    %get3A_179 = memref.load %arg1[%get3A_176, %get3A_177, %get3A_178] : memref<1x16x5xf32, #tpu.memory_space<smem>>
    %get3A_180 = arith.constant 0 : index
    %get3A_181 = arith.constant 2 : index
    %get3A_182 = arith.constant 4 : index
    %get3A_183 = memref.load %arg1[%get3A_180, %get3A_181, %get3A_182] : memref<1x16x5xf32, #tpu.memory_space<smem>>
    %min3A_184 = vector.broadcast %get3A_175 : f32 to vector<8x4096xf32>
    %min3A_185 = arith.minimumf %add3A, %min3A_184 : vector<8x4096xf32>
    %max3A_186 = vector.broadcast %get3A_167 : f32 to vector<8x4096xf32>
    %max3A_187 = arith.maximumf %sub3A, %max3A_186 : vector<8x4096xf32>
    %sub3A_188 = arith.subf %min3A_185, %max3A_187 : vector<8x4096xf32>
    %max3A_189 = arith.constant 0.000000e+00 : f32
    %max3A_190 = vector.broadcast %max3A_189 : f32 to vector<8x4096xf32>
    %max3A_191 = arith.maximumf %sub3A_188, %max3A_190 : vector<8x4096xf32>
    %min3A_192 = vector.broadcast %get3A_179 : f32 to vector<8x4096xf32>
    %min3A_193 = arith.minimumf %add3A_31, %min3A_192 : vector<8x4096xf32>
    %max3A_194 = vector.broadcast %get3A_171 : f32 to vector<8x4096xf32>
    %max3A_195 = arith.maximumf %sub3A_24, %max3A_194 : vector<8x4096xf32>
    %sub3A_196 = arith.subf %min3A_193, %max3A_195 : vector<8x4096xf32>
    %max3A_197 = arith.constant 0.000000e+00 : f32
    %max3A_198 = vector.broadcast %max3A_197 : f32 to vector<8x4096xf32>
    %max3A_199 = arith.maximumf %sub3A_196, %max3A_198 : vector<8x4096xf32>
    %mul3A_200 = arith.mulf %max3A_191, %max3A_199 : vector<8x4096xf32>
    %sub3A_201 = arith.subf %get3A_175, %get3A_167 : f32
    %sub3A_202 = arith.subf %get3A_179, %get3A_171 : f32
    %mul3A_203 = arith.mulf %sub3A_201, %sub3A_202 : f32
    %add3A_204 = vector.broadcast %mul3A_203 : f32 to vector<8x4096xf32>
    %add3A_205 = arith.addf %mul3A_32, %add3A_204 : vector<8x4096xf32>
    %sub3A_206 = arith.subf %add3A_205, %mul3A_200 : vector<8x4096xf32>
    %div3A_207 = arith.divf %mul3A_200, %sub3A_206 : vector<8x4096xf32>
    %gt3A_208 = arith.cmpf ogt, %div3A_207, %select_n3A_146 : vector<8x4096xf32>
    %jit3A_209 = arith.constant 2 : i32
    %broadcast_in_dim3A_210 = vector.broadcast %jit3A_209 : i32 to vector<8x4096xi32>
    %select_n3A_211 = arith.select %gt3A_208, %broadcast_in_dim3A_210, %select_n3A_145 : vector<8x4096xi1>, vector<8x4096xi32>
    %select_n3A_212 = arith.select %gt3A_208, %div3A_207, %select_n3A_146 : vector<8x4096xi1>, vector<8x4096xf32>
    %reduce_max3A_213 = vector.shape_cast %div3A_207 : vector<8x4096xf32> to vector<1x8x4096xf32>
    %reduce_max3A_214 = arith.constant dense<0xFF800000> : vector<1xf32>
    %reduce_max3A_215 = vector.multi_reduction <maximumf>, %reduce_max3A_213, %reduce_max3A_214 [1, 2] : vector<1x8x4096xf32> to vector<1xf32>
    %reduce_max3A_216 = vector.shape_cast %reduce_max3A_215 : vector<1xf32> to vector<1x1x1xf32>
    %reduce_max3A_217 = vector.extract %reduce_max3A_216[0, 0, 0] : f32 from vector<1x1x1xf32>
    %broadcast_in_dim3A_218 = vector.broadcast %reduce_max3A_217 : f32 to vector<1x1xf32>
    %eq3A_219 = vector.broadcast %broadcast_in_dim3A_218 : vector<1x1xf32> to vector<8x4096xf32>
    %eq3A_220 = arith.cmpf oeq, %div3A_207, %eq3A_219 : vector<8x4096xf32>
    %jit3A_221 = arith.constant 32768 : i32
    %broadcast_in_dim3A_222 = vector.broadcast %jit3A_221 : i32 to vector<8x4096xi32>
    %select_n3A_223 = arith.select %eq3A_220, %add3A_37, %broadcast_in_dim3A_222 : vector<8x4096xi1>, vector<8x4096xi32>
    %reduce_min3A_224 = vector.shape_cast %select_n3A_223 : vector<8x4096xi32> to vector<1x8x4096xi32>
    %reduce_min3A_225 = arith.constant dense<2147483647> : vector<1xi32>
    %reduce_min3A_226 = vector.multi_reduction <minsi>, %reduce_min3A_224, %reduce_min3A_225 [1, 2] : vector<1x8x4096xi32> to vector<1xi32>
    %reduce_min3A_227 = vector.shape_cast %reduce_min3A_226 : vector<1xi32> to vector<1x1x1xi32>
    %reduce_min3A_228 = vector.extract %reduce_min3A_227[0, 0, 0] : i32 from vector<1x1x1xi32>
    %broadcast_in_dim3A_229 = vector.broadcast %reduce_min3A_228 : i32 to vector<1x1xi32>
    %get3A_230 = arith.constant 0 : index
    %get3A_231 = arith.constant 3 : index
    %get3A_232 = arith.constant 0 : index
    %get3A_233 = memref.load %arg1[%get3A_230, %get3A_231, %get3A_232] : memref<1x16x5xf32, #tpu.memory_space<smem>>
    %get3A_234 = arith.constant 0 : index
    %get3A_235 = arith.constant 3 : index
    %get3A_236 = arith.constant 1 : index
    %get3A_237 = memref.load %arg1[%get3A_234, %get3A_235, %get3A_236] : memref<1x16x5xf32, #tpu.memory_space<smem>>
    %get3A_238 = arith.constant 0 : index
    %get3A_239 = arith.constant 3 : index
    %get3A_240 = arith.constant 2 : index
    %get3A_241 = memref.load %arg1[%get3A_238, %get3A_239, %get3A_240] : memref<1x16x5xf32, #tpu.memory_space<smem>>
    %get3A_242 = arith.constant 0 : index
    %get3A_243 = arith.constant 3 : index
    %get3A_244 = arith.constant 3 : index
    %get3A_245 = memref.load %arg1[%get3A_242, %get3A_243, %get3A_244] : memref<1x16x5xf32, #tpu.memory_space<smem>>
    %get3A_246 = arith.constant 0 : index
    %get3A_247 = arith.constant 3 : index
    %get3A_248 = arith.constant 4 : index
    %get3A_249 = memref.load %arg1[%get3A_246, %get3A_247, %get3A_248] : memref<1x16x5xf32, #tpu.memory_space<smem>>
    %min3A_250 = vector.broadcast %get3A_241 : f32 to vector<8x4096xf32>
    %min3A_251 = arith.minimumf %add3A, %min3A_250 : vector<8x4096xf32>
    %max3A_252 = vector.broadcast %get3A_233 : f32 to vector<8x4096xf32>
    %max3A_253 = arith.maximumf %sub3A, %max3A_252 : vector<8x4096xf32>
    %sub3A_254 = arith.subf %min3A_251, %max3A_253 : vector<8x4096xf32>
    %max3A_255 = arith.constant 0.000000e+00 : f32
    %max3A_256 = vector.broadcast %max3A_255 : f32 to vector<8x4096xf32>
    %max3A_257 = arith.maximumf %sub3A_254, %max3A_256 : vector<8x4096xf32>
    %min3A_258 = vector.broadcast %get3A_245 : f32 to vector<8x4096xf32>
    %min3A_259 = arith.minimumf %add3A_31, %min3A_258 : vector<8x4096xf32>
    %max3A_260 = vector.broadcast %get3A_237 : f32 to vector<8x4096xf32>
    %max3A_261 = arith.maximumf %sub3A_24, %max3A_260 : vector<8x4096xf32>
    %sub3A_262 = arith.subf %min3A_259, %max3A_261 : vector<8x4096xf32>
    %max3A_263 = arith.constant 0.000000e+00 : f32
    %max3A_264 = vector.broadcast %max3A_263 : f32 to vector<8x4096xf32>
    %max3A_265 = arith.maximumf %sub3A_262, %max3A_264 : vector<8x4096xf32>
    %mul3A_266 = arith.mulf %max3A_257, %max3A_265 : vector<8x4096xf32>
    %sub3A_267 = arith.subf %get3A_241, %get3A_233 : f32
    %sub3A_268 = arith.subf %get3A_245, %get3A_237 : f32
    %mul3A_269 = arith.mulf %sub3A_267, %sub3A_268 : f32
    %add3A_270 = vector.broadcast %mul3A_269 : f32 to vector<8x4096xf32>
    %add3A_271 = arith.addf %mul3A_32, %add3A_270 : vector<8x4096xf32>
    %sub3A_272 = arith.subf %add3A_271, %mul3A_266 : vector<8x4096xf32>
    %div3A_273 = arith.divf %mul3A_266, %sub3A_272 : vector<8x4096xf32>
    %gt3A_274 = arith.cmpf ogt, %div3A_273, %select_n3A_212 : vector<8x4096xf32>
    %jit3A_275 = arith.constant 3 : i32
    %broadcast_in_dim3A_276 = vector.broadcast %jit3A_275 : i32 to vector<8x4096xi32>
    %select_n3A_277 = arith.select %gt3A_274, %broadcast_in_dim3A_276, %select_n3A_211 : vector<8x4096xi1>, vector<8x4096xi32>
    %select_n3A_278 = arith.select %gt3A_274, %div3A_273, %select_n3A_212 : vector<8x4096xi1>, vector<8x4096xf32>
    %reduce_max3A_279 = vector.shape_cast %div3A_273 : vector<8x4096xf32> to vector<1x8x4096xf32>
    %reduce_max3A_280 = arith.constant dense<0xFF800000> : vector<1xf32>
    %reduce_max3A_281 = vector.multi_reduction <maximumf>, %reduce_max3A_279, %reduce_max3A_280 [1, 2] : vector<1x8x4096xf32> to vector<1xf32>
    %reduce_max3A_282 = vector.shape_cast %reduce_max3A_281 : vector<1xf32> to vector<1x1x1xf32>
    %reduce_max3A_283 = vector.extract %reduce_max3A_282[0, 0, 0] : f32 from vector<1x1x1xf32>
    %broadcast_in_dim3A_284 = vector.broadcast %reduce_max3A_283 : f32 to vector<1x1xf32>
    %eq3A_285 = vector.broadcast %broadcast_in_dim3A_284 : vector<1x1xf32> to vector<8x4096xf32>
    %eq3A_286 = arith.cmpf oeq, %div3A_273, %eq3A_285 : vector<8x4096xf32>
    %jit3A_287 = arith.constant 32768 : i32
    %broadcast_in_dim3A_288 = vector.broadcast %jit3A_287 : i32 to vector<8x4096xi32>
    %select_n3A_289 = arith.select %eq3A_286, %add3A_37, %broadcast_in_dim3A_288 : vector<8x4096xi1>, vector<8x4096xi32>
    %reduce_min3A_290 = vector.shape_cast %select_n3A_289 : vector<8x4096xi32> to vector<1x8x4096xi32>
    %reduce_min3A_291 = arith.constant dense<2147483647> : vector<1xi32>
    %reduce_min3A_292 = vector.multi_reduction <minsi>, %reduce_min3A_290, %reduce_min3A_291 [1, 2] : vector<1x8x4096xi32> to vector<1xi32>
    %reduce_min3A_293 = vector.shape_cast %reduce_min3A_292 : vector<1xi32> to vector<1x1x1xi32>
    %reduce_min3A_294 = vector.extract %reduce_min3A_293[0, 0, 0] : i32 from vector<1x1x1xi32>
    %broadcast_in_dim3A_295 = vector.broadcast %reduce_min3A_294 : i32 to vector<1x1xi32>
    %get3A_296 = arith.constant 0 : index
    %get3A_297 = arith.constant 4 : index
    %get3A_298 = arith.constant 0 : index
    %get3A_299 = memref.load %arg1[%get3A_296, %get3A_297, %get3A_298] : memref<1x16x5xf32, #tpu.memory_space<smem>>
    %get3A_300 = arith.constant 0 : index
    %get3A_301 = arith.constant 4 : index
    %get3A_302 = arith.constant 1 : index
    %get3A_303 = memref.load %arg1[%get3A_300, %get3A_301, %get3A_302] : memref<1x16x5xf32, #tpu.memory_space<smem>>
    %get3A_304 = arith.constant 0 : index
    %get3A_305 = arith.constant 4 : index
    %get3A_306 = arith.constant 2 : index
    %get3A_307 = memref.load %arg1[%get3A_304, %get3A_305, %get3A_306] : memref<1x16x5xf32, #tpu.memory_space<smem>>
    %get3A_308 = arith.constant 0 : index
    %get3A_309 = arith.constant 4 : index
    %get3A_310 = arith.constant 3 : index
    %get3A_311 = memref.load %arg1[%get3A_308, %get3A_309, %get3A_310] : memref<1x16x5xf32, #tpu.memory_space<smem>>
    %get3A_312 = arith.constant 0 : index
    %get3A_313 = arith.constant 4 : index
    %get3A_314 = arith.constant 4 : index
    %get3A_315 = memref.load %arg1[%get3A_312, %get3A_313, %get3A_314] : memref<1x16x5xf32, #tpu.memory_space<smem>>
    %min3A_316 = vector.broadcast %get3A_307 : f32 to vector<8x4096xf32>
    %min3A_317 = arith.minimumf %add3A, %min3A_316 : vector<8x4096xf32>
    %max3A_318 = vector.broadcast %get3A_299 : f32 to vector<8x4096xf32>
    %max3A_319 = arith.maximumf %sub3A, %max3A_318 : vector<8x4096xf32>
    %sub3A_320 = arith.subf %min3A_317, %max3A_319 : vector<8x4096xf32>
    %max3A_321 = arith.constant 0.000000e+00 : f32
    %max3A_322 = vector.broadcast %max3A_321 : f32 to vector<8x4096xf32>
    %max3A_323 = arith.maximumf %sub3A_320, %max3A_322 : vector<8x4096xf32>
    %min3A_324 = vector.broadcast %get3A_311 : f32 to vector<8x4096xf32>
    %min3A_325 = arith.minimumf %add3A_31, %min3A_324 : vector<8x4096xf32>
    %max3A_326 = vector.broadcast %get3A_303 : f32 to vector<8x4096xf32>
    %max3A_327 = arith.maximumf %sub3A_24, %max3A_326 : vector<8x4096xf32>
    %sub3A_328 = arith.subf %min3A_325, %max3A_327 : vector<8x4096xf32>
    %max3A_329 = arith.constant 0.000000e+00 : f32
    %max3A_330 = vector.broadcast %max3A_329 : f32 to vector<8x4096xf32>
    %max3A_331 = arith.maximumf %sub3A_328, %max3A_330 : vector<8x4096xf32>
    %mul3A_332 = arith.mulf %max3A_323, %max3A_331 : vector<8x4096xf32>
    %sub3A_333 = arith.subf %get3A_307, %get3A_299 : f32
    %sub3A_334 = arith.subf %get3A_311, %get3A_303 : f32
    %mul3A_335 = arith.mulf %sub3A_333, %sub3A_334 : f32
    %add3A_336 = vector.broadcast %mul3A_335 : f32 to vector<8x4096xf32>
    %add3A_337 = arith.addf %mul3A_32, %add3A_336 : vector<8x4096xf32>
    %sub3A_338 = arith.subf %add3A_337, %mul3A_332 : vector<8x4096xf32>
    %div3A_339 = arith.divf %mul3A_332, %sub3A_338 : vector<8x4096xf32>
    %gt3A_340 = arith.cmpf ogt, %div3A_339, %select_n3A_278 : vector<8x4096xf32>
    %jit3A_341 = arith.constant 4 : i32
    %broadcast_in_dim3A_342 = vector.broadcast %jit3A_341 : i32 to vector<8x4096xi32>
    %select_n3A_343 = arith.select %gt3A_340, %broadcast_in_dim3A_342, %select_n3A_277 : vector<8x4096xi1>, vector<8x4096xi32>
    %select_n3A_344 = arith.select %gt3A_340, %div3A_339, %select_n3A_278 : vector<8x4096xi1>, vector<8x4096xf32>
    %reduce_max3A_345 = vector.shape_cast %div3A_339 : vector<8x4096xf32> to vector<1x8x4096xf32>
    %reduce_max3A_346 = arith.constant dense<0xFF800000> : vector<1xf32>
    %reduce_max3A_347 = vector.multi_reduction <maximumf>, %reduce_max3A_345, %reduce_max3A_346 [1, 2] : vector<1x8x4096xf32> to vector<1xf32>
    %reduce_max3A_348 = vector.shape_cast %reduce_max3A_347 : vector<1xf32> to vector<1x1x1xf32>
    %reduce_max3A_349 = vector.extract %reduce_max3A_348[0, 0, 0] : f32 from vector<1x1x1xf32>
    %broadcast_in_dim3A_350 = vector.broadcast %reduce_max3A_349 : f32 to vector<1x1xf32>
    %eq3A_351 = vector.broadcast %broadcast_in_dim3A_350 : vector<1x1xf32> to vector<8x4096xf32>
    %eq3A_352 = arith.cmpf oeq, %div3A_339, %eq3A_351 : vector<8x4096xf32>
    %jit3A_353 = arith.constant 32768 : i32
    %broadcast_in_dim3A_354 = vector.broadcast %jit3A_353 : i32 to vector<8x4096xi32>
    %select_n3A_355 = arith.select %eq3A_352, %add3A_37, %broadcast_in_dim3A_354 : vector<8x4096xi1>, vector<8x4096xi32>
    %reduce_min3A_356 = vector.shape_cast %select_n3A_355 : vector<8x4096xi32> to vector<1x8x4096xi32>
    %reduce_min3A_357 = arith.constant dense<2147483647> : vector<1xi32>
    %reduce_min3A_358 = vector.multi_reduction <minsi>, %reduce_min3A_356, %reduce_min3A_357 [1, 2] : vector<1x8x4096xi32> to vector<1xi32>
    %reduce_min3A_359 = vector.shape_cast %reduce_min3A_358 : vector<1xi32> to vector<1x1x1xi32>
    %reduce_min3A_360 = vector.extract %reduce_min3A_359[0, 0, 0] : i32 from vector<1x1x1xi32>
    %broadcast_in_dim3A_361 = vector.broadcast %reduce_min3A_360 : i32 to vector<1x1xi32>
    %get3A_362 = arith.constant 0 : index
    %get3A_363 = arith.constant 5 : index
    %get3A_364 = arith.constant 0 : index
    %get3A_365 = memref.load %arg1[%get3A_362, %get3A_363, %get3A_364] : memref<1x16x5xf32, #tpu.memory_space<smem>>
    %get3A_366 = arith.constant 0 : index
    %get3A_367 = arith.constant 5 : index
    %get3A_368 = arith.constant 1 : index
    %get3A_369 = memref.load %arg1[%get3A_366, %get3A_367, %get3A_368] : memref<1x16x5xf32, #tpu.memory_space<smem>>
    %get3A_370 = arith.constant 0 : index
    %get3A_371 = arith.constant 5 : index
    %get3A_372 = arith.constant 2 : index
    %get3A_373 = memref.load %arg1[%get3A_370, %get3A_371, %get3A_372] : memref<1x16x5xf32, #tpu.memory_space<smem>>
    %get3A_374 = arith.constant 0 : index
    %get3A_375 = arith.constant 5 : index
    %get3A_376 = arith.constant 3 : index
    %get3A_377 = memref.load %arg1[%get3A_374, %get3A_375, %get3A_376] : memref<1x16x5xf32, #tpu.memory_space<smem>>
    %get3A_378 = arith.constant 0 : index
    %get3A_379 = arith.constant 5 : index
    %get3A_380 = arith.constant 4 : index
    %get3A_381 = memref.load %arg1[%get3A_378, %get3A_379, %get3A_380] : memref<1x16x5xf32, #tpu.memory_space<smem>>
    %min3A_382 = vector.broadcast %get3A_373 : f32 to vector<8x4096xf32>
    %min3A_383 = arith.minimumf %add3A, %min3A_382 : vector<8x4096xf32>
    %max3A_384 = vector.broadcast %get3A_365 : f32 to vector<8x4096xf32>
    %max3A_385 = arith.maximumf %sub3A, %max3A_384 : vector<8x4096xf32>
    %sub3A_386 = arith.subf %min3A_383, %max3A_385 : vector<8x4096xf32>
    %max3A_387 = arith.constant 0.000000e+00 : f32
    %max3A_388 = vector.broadcast %max3A_387 : f32 to vector<8x4096xf32>
    %max3A_389 = arith.maximumf %sub3A_386, %max3A_388 : vector<8x4096xf32>
    %min3A_390 = vector.broadcast %get3A_377 : f32 to vector<8x4096xf32>
    %min3A_391 = arith.minimumf %add3A_31, %min3A_390 : vector<8x4096xf32>
    %max3A_392 = vector.broadcast %get3A_369 : f32 to vector<8x4096xf32>
    %max3A_393 = arith.maximumf %sub3A_24, %max3A_392 : vector<8x4096xf32>
    %sub3A_394 = arith.subf %min3A_391, %max3A_393 : vector<8x4096xf32>
    %max3A_395 = arith.constant 0.000000e+00 : f32
    %max3A_396 = vector.broadcast %max3A_395 : f32 to vector<8x4096xf32>
    %max3A_397 = arith.maximumf %sub3A_394, %max3A_396 : vector<8x4096xf32>
    %mul3A_398 = arith.mulf %max3A_389, %max3A_397 : vector<8x4096xf32>
    %sub3A_399 = arith.subf %get3A_373, %get3A_365 : f32
    %sub3A_400 = arith.subf %get3A_377, %get3A_369 : f32
    %mul3A_401 = arith.mulf %sub3A_399, %sub3A_400 : f32
    %add3A_402 = vector.broadcast %mul3A_401 : f32 to vector<8x4096xf32>
    %add3A_403 = arith.addf %mul3A_32, %add3A_402 : vector<8x4096xf32>
    %sub3A_404 = arith.subf %add3A_403, %mul3A_398 : vector<8x4096xf32>
    %div3A_405 = arith.divf %mul3A_398, %sub3A_404 : vector<8x4096xf32>
    %gt3A_406 = arith.cmpf ogt, %div3A_405, %select_n3A_344 : vector<8x4096xf32>
    %jit3A_407 = arith.constant 5 : i32
    %broadcast_in_dim3A_408 = vector.broadcast %jit3A_407 : i32 to vector<8x4096xi32>
    %select_n3A_409 = arith.select %gt3A_406, %broadcast_in_dim3A_408, %select_n3A_343 : vector<8x4096xi1>, vector<8x4096xi32>
    %select_n3A_410 = arith.select %gt3A_406, %div3A_405, %select_n3A_344 : vector<8x4096xi1>, vector<8x4096xf32>
    %reduce_max3A_411 = vector.shape_cast %div3A_405 : vector<8x4096xf32> to vector<1x8x4096xf32>
    %reduce_max3A_412 = arith.constant dense<0xFF800000> : vector<1xf32>
    %reduce_max3A_413 = vector.multi_reduction <maximumf>, %reduce_max3A_411, %reduce_max3A_412 [1, 2] : vector<1x8x4096xf32> to vector<1xf32>
    %reduce_max3A_414 = vector.shape_cast %reduce_max3A_413 : vector<1xf32> to vector<1x1x1xf32>
    %reduce_max3A_415 = vector.extract %reduce_max3A_414[0, 0, 0] : f32 from vector<1x1x1xf32>
    %broadcast_in_dim3A_416 = vector.broadcast %reduce_max3A_415 : f32 to vector<1x1xf32>
    %eq3A_417 = vector.broadcast %broadcast_in_dim3A_416 : vector<1x1xf32> to vector<8x4096xf32>
    %eq3A_418 = arith.cmpf oeq, %div3A_405, %eq3A_417 : vector<8x4096xf32>
    %jit3A_419 = arith.constant 32768 : i32
    %broadcast_in_dim3A_420 = vector.broadcast %jit3A_419 : i32 to vector<8x4096xi32>
    %select_n3A_421 = arith.select %eq3A_418, %add3A_37, %broadcast_in_dim3A_420 : vector<8x4096xi1>, vector<8x4096xi32>
    %reduce_min3A_422 = vector.shape_cast %select_n3A_421 : vector<8x4096xi32> to vector<1x8x4096xi32>
    %reduce_min3A_423 = arith.constant dense<2147483647> : vector<1xi32>
    %reduce_min3A_424 = vector.multi_reduction <minsi>, %reduce_min3A_422, %reduce_min3A_423 [1, 2] : vector<1x8x4096xi32> to vector<1xi32>
    %reduce_min3A_425 = vector.shape_cast %reduce_min3A_424 : vector<1xi32> to vector<1x1x1xi32>
    %reduce_min3A_426 = vector.extract %reduce_min3A_425[0, 0, 0] : i32 from vector<1x1x1xi32>
    %broadcast_in_dim3A_427 = vector.broadcast %reduce_min3A_426 : i32 to vector<1x1xi32>
    %get3A_428 = arith.constant 0 : index
    %get3A_429 = arith.constant 6 : index
    %get3A_430 = arith.constant 0 : index
    %get3A_431 = memref.load %arg1[%get3A_428, %get3A_429, %get3A_430] : memref<1x16x5xf32, #tpu.memory_space<smem>>
    %get3A_432 = arith.constant 0 : index
    %get3A_433 = arith.constant 6 : index
    %get3A_434 = arith.constant 1 : index
    %get3A_435 = memref.load %arg1[%get3A_432, %get3A_433, %get3A_434] : memref<1x16x5xf32, #tpu.memory_space<smem>>
    %get3A_436 = arith.constant 0 : index
    %get3A_437 = arith.constant 6 : index
    %get3A_438 = arith.constant 2 : index
    %get3A_439 = memref.load %arg1[%get3A_436, %get3A_437, %get3A_438] : memref<1x16x5xf32, #tpu.memory_space<smem>>
    %get3A_440 = arith.constant 0 : index
    %get3A_441 = arith.constant 6 : index
    %get3A_442 = arith.constant 3 : index
    %get3A_443 = memref.load %arg1[%get3A_440, %get3A_441, %get3A_442] : memref<1x16x5xf32, #tpu.memory_space<smem>>
    %get3A_444 = arith.constant 0 : index
    %get3A_445 = arith.constant 6 : index
    %get3A_446 = arith.constant 4 : index
    %get3A_447 = memref.load %arg1[%get3A_444, %get3A_445, %get3A_446] : memref<1x16x5xf32, #tpu.memory_space<smem>>
    %min3A_448 = vector.broadcast %get3A_439 : f32 to vector<8x4096xf32>
    %min3A_449 = arith.minimumf %add3A, %min3A_448 : vector<8x4096xf32>
    %max3A_450 = vector.broadcast %get3A_431 : f32 to vector<8x4096xf32>
    %max3A_451 = arith.maximumf %sub3A, %max3A_450 : vector<8x4096xf32>
    %sub3A_452 = arith.subf %min3A_449, %max3A_451 : vector<8x4096xf32>
    %max3A_453 = arith.constant 0.000000e+00 : f32
    %max3A_454 = vector.broadcast %max3A_453 : f32 to vector<8x4096xf32>
    %max3A_455 = arith.maximumf %sub3A_452, %max3A_454 : vector<8x4096xf32>
    %min3A_456 = vector.broadcast %get3A_443 : f32 to vector<8x4096xf32>
    %min3A_457 = arith.minimumf %add3A_31, %min3A_456 : vector<8x4096xf32>
    %max3A_458 = vector.broadcast %get3A_435 : f32 to vector<8x4096xf32>
    %max3A_459 = arith.maximumf %sub3A_24, %max3A_458 : vector<8x4096xf32>
    %sub3A_460 = arith.subf %min3A_457, %max3A_459 : vector<8x4096xf32>
    %max3A_461 = arith.constant 0.000000e+00 : f32
    %max3A_462 = vector.broadcast %max3A_461 : f32 to vector<8x4096xf32>
    %max3A_463 = arith.maximumf %sub3A_460, %max3A_462 : vector<8x4096xf32>
    %mul3A_464 = arith.mulf %max3A_455, %max3A_463 : vector<8x4096xf32>
    %sub3A_465 = arith.subf %get3A_439, %get3A_431 : f32
    %sub3A_466 = arith.subf %get3A_443, %get3A_435 : f32
    %mul3A_467 = arith.mulf %sub3A_465, %sub3A_466 : f32
    %add3A_468 = vector.broadcast %mul3A_467 : f32 to vector<8x4096xf32>
    %add3A_469 = arith.addf %mul3A_32, %add3A_468 : vector<8x4096xf32>
    %sub3A_470 = arith.subf %add3A_469, %mul3A_464 : vector<8x4096xf32>
    %div3A_471 = arith.divf %mul3A_464, %sub3A_470 : vector<8x4096xf32>
    %gt3A_472 = arith.cmpf ogt, %div3A_471, %select_n3A_410 : vector<8x4096xf32>
    %jit3A_473 = arith.constant 6 : i32
    %broadcast_in_dim3A_474 = vector.broadcast %jit3A_473 : i32 to vector<8x4096xi32>
    %select_n3A_475 = arith.select %gt3A_472, %broadcast_in_dim3A_474, %select_n3A_409 : vector<8x4096xi1>, vector<8x4096xi32>
    %select_n3A_476 = arith.select %gt3A_472, %div3A_471, %select_n3A_410 : vector<8x4096xi1>, vector<8x4096xf32>
    %reduce_max3A_477 = vector.shape_cast %div3A_471 : vector<8x4096xf32> to vector<1x8x4096xf32>
    %reduce_max3A_478 = arith.constant dense<0xFF800000> : vector<1xf32>
    %reduce_max3A_479 = vector.multi_reduction <maximumf>, %reduce_max3A_477, %reduce_max3A_478 [1, 2] : vector<1x8x4096xf32> to vector<1xf32>
    %reduce_max3A_480 = vector.shape_cast %reduce_max3A_479 : vector<1xf32> to vector<1x1x1xf32>
    %reduce_max3A_481 = vector.extract %reduce_max3A_480[0, 0, 0] : f32 from vector<1x1x1xf32>
    %broadcast_in_dim3A_482 = vector.broadcast %reduce_max3A_481 : f32 to vector<1x1xf32>
    %eq3A_483 = vector.broadcast %broadcast_in_dim3A_482 : vector<1x1xf32> to vector<8x4096xf32>
    %eq3A_484 = arith.cmpf oeq, %div3A_471, %eq3A_483 : vector<8x4096xf32>
    %jit3A_485 = arith.constant 32768 : i32
    %broadcast_in_dim3A_486 = vector.broadcast %jit3A_485 : i32 to vector<8x4096xi32>
    %select_n3A_487 = arith.select %eq3A_484, %add3A_37, %broadcast_in_dim3A_486 : vector<8x4096xi1>, vector<8x4096xi32>
    %reduce_min3A_488 = vector.shape_cast %select_n3A_487 : vector<8x4096xi32> to vector<1x8x4096xi32>
    %reduce_min3A_489 = arith.constant dense<2147483647> : vector<1xi32>
    %reduce_min3A_490 = vector.multi_reduction <minsi>, %reduce_min3A_488, %reduce_min3A_489 [1, 2] : vector<1x8x4096xi32> to vector<1xi32>
    %reduce_min3A_491 = vector.shape_cast %reduce_min3A_490 : vector<1xi32> to vector<1x1x1xi32>
    %reduce_min3A_492 = vector.extract %reduce_min3A_491[0, 0, 0] : i32 from vector<1x1x1xi32>
    %broadcast_in_dim3A_493 = vector.broadcast %reduce_min3A_492 : i32 to vector<1x1xi32>
    %get3A_494 = arith.constant 0 : index
    %get3A_495 = arith.constant 7 : index
    %get3A_496 = arith.constant 0 : index
    %get3A_497 = memref.load %arg1[%get3A_494, %get3A_495, %get3A_496] : memref<1x16x5xf32, #tpu.memory_space<smem>>
    %get3A_498 = arith.constant 0 : index
    %get3A_499 = arith.constant 7 : index
    %get3A_500 = arith.constant 1 : index
    %get3A_501 = memref.load %arg1[%get3A_498, %get3A_499, %get3A_500] : memref<1x16x5xf32, #tpu.memory_space<smem>>
    %get3A_502 = arith.constant 0 : index
    %get3A_503 = arith.constant 7 : index
    %get3A_504 = arith.constant 2 : index
    %get3A_505 = memref.load %arg1[%get3A_502, %get3A_503, %get3A_504] : memref<1x16x5xf32, #tpu.memory_space<smem>>
    %get3A_506 = arith.constant 0 : index
    %get3A_507 = arith.constant 7 : index
    %get3A_508 = arith.constant 3 : index
    %get3A_509 = memref.load %arg1[%get3A_506, %get3A_507, %get3A_508] : memref<1x16x5xf32, #tpu.memory_space<smem>>
    %get3A_510 = arith.constant 0 : index
    %get3A_511 = arith.constant 7 : index
    %get3A_512 = arith.constant 4 : index
    %get3A_513 = memref.load %arg1[%get3A_510, %get3A_511, %get3A_512] : memref<1x16x5xf32, #tpu.memory_space<smem>>
    %min3A_514 = vector.broadcast %get3A_505 : f32 to vector<8x4096xf32>
    %min3A_515 = arith.minimumf %add3A, %min3A_514 : vector<8x4096xf32>
    %max3A_516 = vector.broadcast %get3A_497 : f32 to vector<8x4096xf32>
    %max3A_517 = arith.maximumf %sub3A, %max3A_516 : vector<8x4096xf32>
    %sub3A_518 = arith.subf %min3A_515, %max3A_517 : vector<8x4096xf32>
    %max3A_519 = arith.constant 0.000000e+00 : f32
    %max3A_520 = vector.broadcast %max3A_519 : f32 to vector<8x4096xf32>
    %max3A_521 = arith.maximumf %sub3A_518, %max3A_520 : vector<8x4096xf32>
    %min3A_522 = vector.broadcast %get3A_509 : f32 to vector<8x4096xf32>
    %min3A_523 = arith.minimumf %add3A_31, %min3A_522 : vector<8x4096xf32>
    %max3A_524 = vector.broadcast %get3A_501 : f32 to vector<8x4096xf32>
    %max3A_525 = arith.maximumf %sub3A_24, %max3A_524 : vector<8x4096xf32>
    %sub3A_526 = arith.subf %min3A_523, %max3A_525 : vector<8x4096xf32>
    %max3A_527 = arith.constant 0.000000e+00 : f32
    %max3A_528 = vector.broadcast %max3A_527 : f32 to vector<8x4096xf32>
    %max3A_529 = arith.maximumf %sub3A_526, %max3A_528 : vector<8x4096xf32>
    %mul3A_530 = arith.mulf %max3A_521, %max3A_529 : vector<8x4096xf32>
    %sub3A_531 = arith.subf %get3A_505, %get3A_497 : f32
    %sub3A_532 = arith.subf %get3A_509, %get3A_501 : f32
    %mul3A_533 = arith.mulf %sub3A_531, %sub3A_532 : f32
    %add3A_534 = vector.broadcast %mul3A_533 : f32 to vector<8x4096xf32>
    %add3A_535 = arith.addf %mul3A_32, %add3A_534 : vector<8x4096xf32>
    %sub3A_536 = arith.subf %add3A_535, %mul3A_530 : vector<8x4096xf32>
    %div3A_537 = arith.divf %mul3A_530, %sub3A_536 : vector<8x4096xf32>
    %gt3A_538 = arith.cmpf ogt, %div3A_537, %select_n3A_476 : vector<8x4096xf32>
    %jit3A_539 = arith.constant 7 : i32
    %broadcast_in_dim3A_540 = vector.broadcast %jit3A_539 : i32 to vector<8x4096xi32>
    %select_n3A_541 = arith.select %gt3A_538, %broadcast_in_dim3A_540, %select_n3A_475 : vector<8x4096xi1>, vector<8x4096xi32>
    %select_n3A_542 = arith.select %gt3A_538, %div3A_537, %select_n3A_476 : vector<8x4096xi1>, vector<8x4096xf32>
    %reduce_max3A_543 = vector.shape_cast %div3A_537 : vector<8x4096xf32> to vector<1x8x4096xf32>
    %reduce_max3A_544 = arith.constant dense<0xFF800000> : vector<1xf32>
    %reduce_max3A_545 = vector.multi_reduction <maximumf>, %reduce_max3A_543, %reduce_max3A_544 [1, 2] : vector<1x8x4096xf32> to vector<1xf32>
    %reduce_max3A_546 = vector.shape_cast %reduce_max3A_545 : vector<1xf32> to vector<1x1x1xf32>
    %reduce_max3A_547 = vector.extract %reduce_max3A_546[0, 0, 0] : f32 from vector<1x1x1xf32>
    %broadcast_in_dim3A_548 = vector.broadcast %reduce_max3A_547 : f32 to vector<1x1xf32>
    %eq3A_549 = vector.broadcast %broadcast_in_dim3A_548 : vector<1x1xf32> to vector<8x4096xf32>
    %eq3A_550 = arith.cmpf oeq, %div3A_537, %eq3A_549 : vector<8x4096xf32>
    %jit3A_551 = arith.constant 32768 : i32
    %broadcast_in_dim3A_552 = vector.broadcast %jit3A_551 : i32 to vector<8x4096xi32>
    %select_n3A_553 = arith.select %eq3A_550, %add3A_37, %broadcast_in_dim3A_552 : vector<8x4096xi1>, vector<8x4096xi32>
    %reduce_min3A_554 = vector.shape_cast %select_n3A_553 : vector<8x4096xi32> to vector<1x8x4096xi32>
    %reduce_min3A_555 = arith.constant dense<2147483647> : vector<1xi32>
    %reduce_min3A_556 = vector.multi_reduction <minsi>, %reduce_min3A_554, %reduce_min3A_555 [1, 2] : vector<1x8x4096xi32> to vector<1xi32>
    %reduce_min3A_557 = vector.shape_cast %reduce_min3A_556 : vector<1xi32> to vector<1x1x1xi32>
    %reduce_min3A_558 = vector.extract %reduce_min3A_557[0, 0, 0] : i32 from vector<1x1x1xi32>
    %broadcast_in_dim3A_559 = vector.broadcast %reduce_min3A_558 : i32 to vector<1x1xi32>
    %get3A_560 = arith.constant 0 : index
    %get3A_561 = arith.constant 8 : index
    %get3A_562 = arith.constant 0 : index
    %get3A_563 = memref.load %arg1[%get3A_560, %get3A_561, %get3A_562] : memref<1x16x5xf32, #tpu.memory_space<smem>>
    %get3A_564 = arith.constant 0 : index
    %get3A_565 = arith.constant 8 : index
    %get3A_566 = arith.constant 1 : index
    %get3A_567 = memref.load %arg1[%get3A_564, %get3A_565, %get3A_566] : memref<1x16x5xf32, #tpu.memory_space<smem>>
    %get3A_568 = arith.constant 0 : index
    %get3A_569 = arith.constant 8 : index
    %get3A_570 = arith.constant 2 : index
    %get3A_571 = memref.load %arg1[%get3A_568, %get3A_569, %get3A_570] : memref<1x16x5xf32, #tpu.memory_space<smem>>
    %get3A_572 = arith.constant 0 : index
    %get3A_573 = arith.constant 8 : index
    %get3A_574 = arith.constant 3 : index
    %get3A_575 = memref.load %arg1[%get3A_572, %get3A_573, %get3A_574] : memref<1x16x5xf32, #tpu.memory_space<smem>>
    %get3A_576 = arith.constant 0 : index
    %get3A_577 = arith.constant 8 : index
    %get3A_578 = arith.constant 4 : index
    %get3A_579 = memref.load %arg1[%get3A_576, %get3A_577, %get3A_578] : memref<1x16x5xf32, #tpu.memory_space<smem>>
    %min3A_580 = vector.broadcast %get3A_571 : f32 to vector<8x4096xf32>
    %min3A_581 = arith.minimumf %add3A, %min3A_580 : vector<8x4096xf32>
    %max3A_582 = vector.broadcast %get3A_563 : f32 to vector<8x4096xf32>
    %max3A_583 = arith.maximumf %sub3A, %max3A_582 : vector<8x4096xf32>
    %sub3A_584 = arith.subf %min3A_581, %max3A_583 : vector<8x4096xf32>
    %max3A_585 = arith.constant 0.000000e+00 : f32
    %max3A_586 = vector.broadcast %max3A_585 : f32 to vector<8x4096xf32>
    %max3A_587 = arith.maximumf %sub3A_584, %max3A_586 : vector<8x4096xf32>
    %min3A_588 = vector.broadcast %get3A_575 : f32 to vector<8x4096xf32>
    %min3A_589 = arith.minimumf %add3A_31, %min3A_588 : vector<8x4096xf32>
    %max3A_590 = vector.broadcast %get3A_567 : f32 to vector<8x4096xf32>
    %max3A_591 = arith.maximumf %sub3A_24, %max3A_590 : vector<8x4096xf32>
    %sub3A_592 = arith.subf %min3A_589, %max3A_591 : vector<8x4096xf32>
    %max3A_593 = arith.constant 0.000000e+00 : f32
    %max3A_594 = vector.broadcast %max3A_593 : f32 to vector<8x4096xf32>
    %max3A_595 = arith.maximumf %sub3A_592, %max3A_594 : vector<8x4096xf32>
    %mul3A_596 = arith.mulf %max3A_587, %max3A_595 : vector<8x4096xf32>
    %sub3A_597 = arith.subf %get3A_571, %get3A_563 : f32
    %sub3A_598 = arith.subf %get3A_575, %get3A_567 : f32
    %mul3A_599 = arith.mulf %sub3A_597, %sub3A_598 : f32
    %add3A_600 = vector.broadcast %mul3A_599 : f32 to vector<8x4096xf32>
    %add3A_601 = arith.addf %mul3A_32, %add3A_600 : vector<8x4096xf32>
    %sub3A_602 = arith.subf %add3A_601, %mul3A_596 : vector<8x4096xf32>
    %div3A_603 = arith.divf %mul3A_596, %sub3A_602 : vector<8x4096xf32>
    %gt3A_604 = arith.cmpf ogt, %div3A_603, %select_n3A_542 : vector<8x4096xf32>
    %jit3A_605 = arith.constant 8 : i32
    %broadcast_in_dim3A_606 = vector.broadcast %jit3A_605 : i32 to vector<8x4096xi32>
    %select_n3A_607 = arith.select %gt3A_604, %broadcast_in_dim3A_606, %select_n3A_541 : vector<8x4096xi1>, vector<8x4096xi32>
    %select_n3A_608 = arith.select %gt3A_604, %div3A_603, %select_n3A_542 : vector<8x4096xi1>, vector<8x4096xf32>
    %reduce_max3A_609 = vector.shape_cast %div3A_603 : vector<8x4096xf32> to vector<1x8x4096xf32>
    %reduce_max3A_610 = arith.constant dense<0xFF800000> : vector<1xf32>
    %reduce_max3A_611 = vector.multi_reduction <maximumf>, %reduce_max3A_609, %reduce_max3A_610 [1, 2] : vector<1x8x4096xf32> to vector<1xf32>
    %reduce_max3A_612 = vector.shape_cast %reduce_max3A_611 : vector<1xf32> to vector<1x1x1xf32>
    %reduce_max3A_613 = vector.extract %reduce_max3A_612[0, 0, 0] : f32 from vector<1x1x1xf32>
    %broadcast_in_dim3A_614 = vector.broadcast %reduce_max3A_613 : f32 to vector<1x1xf32>
    %eq3A_615 = vector.broadcast %broadcast_in_dim3A_614 : vector<1x1xf32> to vector<8x4096xf32>
    %eq3A_616 = arith.cmpf oeq, %div3A_603, %eq3A_615 : vector<8x4096xf32>
    %jit3A_617 = arith.constant 32768 : i32
    %broadcast_in_dim3A_618 = vector.broadcast %jit3A_617 : i32 to vector<8x4096xi32>
    %select_n3A_619 = arith.select %eq3A_616, %add3A_37, %broadcast_in_dim3A_618 : vector<8x4096xi1>, vector<8x4096xi32>
    %reduce_min3A_620 = vector.shape_cast %select_n3A_619 : vector<8x4096xi32> to vector<1x8x4096xi32>
    %reduce_min3A_621 = arith.constant dense<2147483647> : vector<1xi32>
    %reduce_min3A_622 = vector.multi_reduction <minsi>, %reduce_min3A_620, %reduce_min3A_621 [1, 2] : vector<1x8x4096xi32> to vector<1xi32>
    %reduce_min3A_623 = vector.shape_cast %reduce_min3A_622 : vector<1xi32> to vector<1x1x1xi32>
    %reduce_min3A_624 = vector.extract %reduce_min3A_623[0, 0, 0] : i32 from vector<1x1x1xi32>
    %broadcast_in_dim3A_625 = vector.broadcast %reduce_min3A_624 : i32 to vector<1x1xi32>
    %get3A_626 = arith.constant 0 : index
    %get3A_627 = arith.constant 9 : index
    %get3A_628 = arith.constant 0 : index
    %get3A_629 = memref.load %arg1[%get3A_626, %get3A_627, %get3A_628] : memref<1x16x5xf32, #tpu.memory_space<smem>>
    %get3A_630 = arith.constant 0 : index
    %get3A_631 = arith.constant 9 : index
    %get3A_632 = arith.constant 1 : index
    %get3A_633 = memref.load %arg1[%get3A_630, %get3A_631, %get3A_632] : memref<1x16x5xf32, #tpu.memory_space<smem>>
    %get3A_634 = arith.constant 0 : index
    %get3A_635 = arith.constant 9 : index
    %get3A_636 = arith.constant 2 : index
    %get3A_637 = memref.load %arg1[%get3A_634, %get3A_635, %get3A_636] : memref<1x16x5xf32, #tpu.memory_space<smem>>
    %get3A_638 = arith.constant 0 : index
    %get3A_639 = arith.constant 9 : index
    %get3A_640 = arith.constant 3 : index
    %get3A_641 = memref.load %arg1[%get3A_638, %get3A_639, %get3A_640] : memref<1x16x5xf32, #tpu.memory_space<smem>>
    %get3A_642 = arith.constant 0 : index
    %get3A_643 = arith.constant 9 : index
    %get3A_644 = arith.constant 4 : index
    %get3A_645 = memref.load %arg1[%get3A_642, %get3A_643, %get3A_644] : memref<1x16x5xf32, #tpu.memory_space<smem>>
    %min3A_646 = vector.broadcast %get3A_637 : f32 to vector<8x4096xf32>
    %min3A_647 = arith.minimumf %add3A, %min3A_646 : vector<8x4096xf32>
    %max3A_648 = vector.broadcast %get3A_629 : f32 to vector<8x4096xf32>
    %max3A_649 = arith.maximumf %sub3A, %max3A_648 : vector<8x4096xf32>
    %sub3A_650 = arith.subf %min3A_647, %max3A_649 : vector<8x4096xf32>
    %max3A_651 = arith.constant 0.000000e+00 : f32
    %max3A_652 = vector.broadcast %max3A_651 : f32 to vector<8x4096xf32>
    %max3A_653 = arith.maximumf %sub3A_650, %max3A_652 : vector<8x4096xf32>
    %min3A_654 = vector.broadcast %get3A_641 : f32 to vector<8x4096xf32>
    %min3A_655 = arith.minimumf %add3A_31, %min3A_654 : vector<8x4096xf32>
    %max3A_656 = vector.broadcast %get3A_633 : f32 to vector<8x4096xf32>
    %max3A_657 = arith.maximumf %sub3A_24, %max3A_656 : vector<8x4096xf32>
    %sub3A_658 = arith.subf %min3A_655, %max3A_657 : vector<8x4096xf32>
    %max3A_659 = arith.constant 0.000000e+00 : f32
    %max3A_660 = vector.broadcast %max3A_659 : f32 to vector<8x4096xf32>
    %max3A_661 = arith.maximumf %sub3A_658, %max3A_660 : vector<8x4096xf32>
    %mul3A_662 = arith.mulf %max3A_653, %max3A_661 : vector<8x4096xf32>
    %sub3A_663 = arith.subf %get3A_637, %get3A_629 : f32
    %sub3A_664 = arith.subf %get3A_641, %get3A_633 : f32
    %mul3A_665 = arith.mulf %sub3A_663, %sub3A_664 : f32
    %add3A_666 = vector.broadcast %mul3A_665 : f32 to vector<8x4096xf32>
    %add3A_667 = arith.addf %mul3A_32, %add3A_666 : vector<8x4096xf32>
    %sub3A_668 = arith.subf %add3A_667, %mul3A_662 : vector<8x4096xf32>
    %div3A_669 = arith.divf %mul3A_662, %sub3A_668 : vector<8x4096xf32>
    %gt3A_670 = arith.cmpf ogt, %div3A_669, %select_n3A_608 : vector<8x4096xf32>
    %jit3A_671 = arith.constant 9 : i32
    %broadcast_in_dim3A_672 = vector.broadcast %jit3A_671 : i32 to vector<8x4096xi32>
    %select_n3A_673 = arith.select %gt3A_670, %broadcast_in_dim3A_672, %select_n3A_607 : vector<8x4096xi1>, vector<8x4096xi32>
    %select_n3A_674 = arith.select %gt3A_670, %div3A_669, %select_n3A_608 : vector<8x4096xi1>, vector<8x4096xf32>
    %reduce_max3A_675 = vector.shape_cast %div3A_669 : vector<8x4096xf32> to vector<1x8x4096xf32>
    %reduce_max3A_676 = arith.constant dense<0xFF800000> : vector<1xf32>
    %reduce_max3A_677 = vector.multi_reduction <maximumf>, %reduce_max3A_675, %reduce_max3A_676 [1, 2] : vector<1x8x4096xf32> to vector<1xf32>
    %reduce_max3A_678 = vector.shape_cast %reduce_max3A_677 : vector<1xf32> to vector<1x1x1xf32>
    %reduce_max3A_679 = vector.extract %reduce_max3A_678[0, 0, 0] : f32 from vector<1x1x1xf32>
    %broadcast_in_dim3A_680 = vector.broadcast %reduce_max3A_679 : f32 to vector<1x1xf32>
    %eq3A_681 = vector.broadcast %broadcast_in_dim3A_680 : vector<1x1xf32> to vector<8x4096xf32>
    %eq3A_682 = arith.cmpf oeq, %div3A_669, %eq3A_681 : vector<8x4096xf32>
    %jit3A_683 = arith.constant 32768 : i32
    %broadcast_in_dim3A_684 = vector.broadcast %jit3A_683 : i32 to vector<8x4096xi32>
    %select_n3A_685 = arith.select %eq3A_682, %add3A_37, %broadcast_in_dim3A_684 : vector<8x4096xi1>, vector<8x4096xi32>
    %reduce_min3A_686 = vector.shape_cast %select_n3A_685 : vector<8x4096xi32> to vector<1x8x4096xi32>
    %reduce_min3A_687 = arith.constant dense<2147483647> : vector<1xi32>
    %reduce_min3A_688 = vector.multi_reduction <minsi>, %reduce_min3A_686, %reduce_min3A_687 [1, 2] : vector<1x8x4096xi32> to vector<1xi32>
    %reduce_min3A_689 = vector.shape_cast %reduce_min3A_688 : vector<1xi32> to vector<1x1x1xi32>
    %reduce_min3A_690 = vector.extract %reduce_min3A_689[0, 0, 0] : i32 from vector<1x1x1xi32>
    %broadcast_in_dim3A_691 = vector.broadcast %reduce_min3A_690 : i32 to vector<1x1xi32>
    %get3A_692 = arith.constant 0 : index
    %get3A_693 = arith.constant 10 : index
    %get3A_694 = arith.constant 0 : index
    %get3A_695 = memref.load %arg1[%get3A_692, %get3A_693, %get3A_694] : memref<1x16x5xf32, #tpu.memory_space<smem>>
    %get3A_696 = arith.constant 0 : index
    %get3A_697 = arith.constant 10 : index
    %get3A_698 = arith.constant 1 : index
    %get3A_699 = memref.load %arg1[%get3A_696, %get3A_697, %get3A_698] : memref<1x16x5xf32, #tpu.memory_space<smem>>
    %get3A_700 = arith.constant 0 : index
    %get3A_701 = arith.constant 10 : index
    %get3A_702 = arith.constant 2 : index
    %get3A_703 = memref.load %arg1[%get3A_700, %get3A_701, %get3A_702] : memref<1x16x5xf32, #tpu.memory_space<smem>>
    %get3A_704 = arith.constant 0 : index
    %get3A_705 = arith.constant 10 : index
    %get3A_706 = arith.constant 3 : index
    %get3A_707 = memref.load %arg1[%get3A_704, %get3A_705, %get3A_706] : memref<1x16x5xf32, #tpu.memory_space<smem>>
    %get3A_708 = arith.constant 0 : index
    %get3A_709 = arith.constant 10 : index
    %get3A_710 = arith.constant 4 : index
    %get3A_711 = memref.load %arg1[%get3A_708, %get3A_709, %get3A_710] : memref<1x16x5xf32, #tpu.memory_space<smem>>
    %min3A_712 = vector.broadcast %get3A_703 : f32 to vector<8x4096xf32>
    %min3A_713 = arith.minimumf %add3A, %min3A_712 : vector<8x4096xf32>
    %max3A_714 = vector.broadcast %get3A_695 : f32 to vector<8x4096xf32>
    %max3A_715 = arith.maximumf %sub3A, %max3A_714 : vector<8x4096xf32>
    %sub3A_716 = arith.subf %min3A_713, %max3A_715 : vector<8x4096xf32>
    %max3A_717 = arith.constant 0.000000e+00 : f32
    %max3A_718 = vector.broadcast %max3A_717 : f32 to vector<8x4096xf32>
    %max3A_719 = arith.maximumf %sub3A_716, %max3A_718 : vector<8x4096xf32>
    %min3A_720 = vector.broadcast %get3A_707 : f32 to vector<8x4096xf32>
    %min3A_721 = arith.minimumf %add3A_31, %min3A_720 : vector<8x4096xf32>
    %max3A_722 = vector.broadcast %get3A_699 : f32 to vector<8x4096xf32>
    %max3A_723 = arith.maximumf %sub3A_24, %max3A_722 : vector<8x4096xf32>
    %sub3A_724 = arith.subf %min3A_721, %max3A_723 : vector<8x4096xf32>
    %max3A_725 = arith.constant 0.000000e+00 : f32
    %max3A_726 = vector.broadcast %max3A_725 : f32 to vector<8x4096xf32>
    %max3A_727 = arith.maximumf %sub3A_724, %max3A_726 : vector<8x4096xf32>
    %mul3A_728 = arith.mulf %max3A_719, %max3A_727 : vector<8x4096xf32>
    %sub3A_729 = arith.subf %get3A_703, %get3A_695 : f32
    %sub3A_730 = arith.subf %get3A_707, %get3A_699 : f32
    %mul3A_731 = arith.mulf %sub3A_729, %sub3A_730 : f32
    %add3A_732 = vector.broadcast %mul3A_731 : f32 to vector<8x4096xf32>
    %add3A_733 = arith.addf %mul3A_32, %add3A_732 : vector<8x4096xf32>
    %sub3A_734 = arith.subf %add3A_733, %mul3A_728 : vector<8x4096xf32>
    %div3A_735 = arith.divf %mul3A_728, %sub3A_734 : vector<8x4096xf32>
    %gt3A_736 = arith.cmpf ogt, %div3A_735, %select_n3A_674 : vector<8x4096xf32>
    %jit3A_737 = arith.constant 10 : i32
    %broadcast_in_dim3A_738 = vector.broadcast %jit3A_737 : i32 to vector<8x4096xi32>
    %select_n3A_739 = arith.select %gt3A_736, %broadcast_in_dim3A_738, %select_n3A_673 : vector<8x4096xi1>, vector<8x4096xi32>
    %select_n3A_740 = arith.select %gt3A_736, %div3A_735, %select_n3A_674 : vector<8x4096xi1>, vector<8x4096xf32>
    %reduce_max3A_741 = vector.shape_cast %div3A_735 : vector<8x4096xf32> to vector<1x8x4096xf32>
    %reduce_max3A_742 = arith.constant dense<0xFF800000> : vector<1xf32>
    %reduce_max3A_743 = vector.multi_reduction <maximumf>, %reduce_max3A_741, %reduce_max3A_742 [1, 2] : vector<1x8x4096xf32> to vector<1xf32>
    %reduce_max3A_744 = vector.shape_cast %reduce_max3A_743 : vector<1xf32> to vector<1x1x1xf32>
    %reduce_max3A_745 = vector.extract %reduce_max3A_744[0, 0, 0] : f32 from vector<1x1x1xf32>
    %broadcast_in_dim3A_746 = vector.broadcast %reduce_max3A_745 : f32 to vector<1x1xf32>
    %eq3A_747 = vector.broadcast %broadcast_in_dim3A_746 : vector<1x1xf32> to vector<8x4096xf32>
    %eq3A_748 = arith.cmpf oeq, %div3A_735, %eq3A_747 : vector<8x4096xf32>
    %jit3A_749 = arith.constant 32768 : i32
    %broadcast_in_dim3A_750 = vector.broadcast %jit3A_749 : i32 to vector<8x4096xi32>
    %select_n3A_751 = arith.select %eq3A_748, %add3A_37, %broadcast_in_dim3A_750 : vector<8x4096xi1>, vector<8x4096xi32>
    %reduce_min3A_752 = vector.shape_cast %select_n3A_751 : vector<8x4096xi32> to vector<1x8x4096xi32>
    %reduce_min3A_753 = arith.constant dense<2147483647> : vector<1xi32>
    %reduce_min3A_754 = vector.multi_reduction <minsi>, %reduce_min3A_752, %reduce_min3A_753 [1, 2] : vector<1x8x4096xi32> to vector<1xi32>
    %reduce_min3A_755 = vector.shape_cast %reduce_min3A_754 : vector<1xi32> to vector<1x1x1xi32>
    %reduce_min3A_756 = vector.extract %reduce_min3A_755[0, 0, 0] : i32 from vector<1x1x1xi32>
    %broadcast_in_dim3A_757 = vector.broadcast %reduce_min3A_756 : i32 to vector<1x1xi32>
    %get3A_758 = arith.constant 0 : index
    %get3A_759 = arith.constant 11 : index
    %get3A_760 = arith.constant 0 : index
    %get3A_761 = memref.load %arg1[%get3A_758, %get3A_759, %get3A_760] : memref<1x16x5xf32, #tpu.memory_space<smem>>
    %get3A_762 = arith.constant 0 : index
    %get3A_763 = arith.constant 11 : index
    %get3A_764 = arith.constant 1 : index
    %get3A_765 = memref.load %arg1[%get3A_762, %get3A_763, %get3A_764] : memref<1x16x5xf32, #tpu.memory_space<smem>>
    %get3A_766 = arith.constant 0 : index
    %get3A_767 = arith.constant 11 : index
    %get3A_768 = arith.constant 2 : index
    %get3A_769 = memref.load %arg1[%get3A_766, %get3A_767, %get3A_768] : memref<1x16x5xf32, #tpu.memory_space<smem>>
    %get3A_770 = arith.constant 0 : index
    %get3A_771 = arith.constant 11 : index
    %get3A_772 = arith.constant 3 : index
    %get3A_773 = memref.load %arg1[%get3A_770, %get3A_771, %get3A_772] : memref<1x16x5xf32, #tpu.memory_space<smem>>
    %get3A_774 = arith.constant 0 : index
    %get3A_775 = arith.constant 11 : index
    %get3A_776 = arith.constant 4 : index
    %get3A_777 = memref.load %arg1[%get3A_774, %get3A_775, %get3A_776] : memref<1x16x5xf32, #tpu.memory_space<smem>>
    %min3A_778 = vector.broadcast %get3A_769 : f32 to vector<8x4096xf32>
    %min3A_779 = arith.minimumf %add3A, %min3A_778 : vector<8x4096xf32>
    %max3A_780 = vector.broadcast %get3A_761 : f32 to vector<8x4096xf32>
    %max3A_781 = arith.maximumf %sub3A, %max3A_780 : vector<8x4096xf32>
    %sub3A_782 = arith.subf %min3A_779, %max3A_781 : vector<8x4096xf32>
    %max3A_783 = arith.constant 0.000000e+00 : f32
    %max3A_784 = vector.broadcast %max3A_783 : f32 to vector<8x4096xf32>
    %max3A_785 = arith.maximumf %sub3A_782, %max3A_784 : vector<8x4096xf32>
    %min3A_786 = vector.broadcast %get3A_773 : f32 to vector<8x4096xf32>
    %min3A_787 = arith.minimumf %add3A_31, %min3A_786 : vector<8x4096xf32>
    %max3A_788 = vector.broadcast %get3A_765 : f32 to vector<8x4096xf32>
    %max3A_789 = arith.maximumf %sub3A_24, %max3A_788 : vector<8x4096xf32>
    %sub3A_790 = arith.subf %min3A_787, %max3A_789 : vector<8x4096xf32>
    %max3A_791 = arith.constant 0.000000e+00 : f32
    %max3A_792 = vector.broadcast %max3A_791 : f32 to vector<8x4096xf32>
    %max3A_793 = arith.maximumf %sub3A_790, %max3A_792 : vector<8x4096xf32>
    %mul3A_794 = arith.mulf %max3A_785, %max3A_793 : vector<8x4096xf32>
    %sub3A_795 = arith.subf %get3A_769, %get3A_761 : f32
    %sub3A_796 = arith.subf %get3A_773, %get3A_765 : f32
    %mul3A_797 = arith.mulf %sub3A_795, %sub3A_796 : f32
    %add3A_798 = vector.broadcast %mul3A_797 : f32 to vector<8x4096xf32>
    %add3A_799 = arith.addf %mul3A_32, %add3A_798 : vector<8x4096xf32>
    %sub3A_800 = arith.subf %add3A_799, %mul3A_794 : vector<8x4096xf32>
    %div3A_801 = arith.divf %mul3A_794, %sub3A_800 : vector<8x4096xf32>
    %gt3A_802 = arith.cmpf ogt, %div3A_801, %select_n3A_740 : vector<8x4096xf32>
    %jit3A_803 = arith.constant 11 : i32
    %broadcast_in_dim3A_804 = vector.broadcast %jit3A_803 : i32 to vector<8x4096xi32>
    %select_n3A_805 = arith.select %gt3A_802, %broadcast_in_dim3A_804, %select_n3A_739 : vector<8x4096xi1>, vector<8x4096xi32>
    %select_n3A_806 = arith.select %gt3A_802, %div3A_801, %select_n3A_740 : vector<8x4096xi1>, vector<8x4096xf32>
    %reduce_max3A_807 = vector.shape_cast %div3A_801 : vector<8x4096xf32> to vector<1x8x4096xf32>
    %reduce_max3A_808 = arith.constant dense<0xFF800000> : vector<1xf32>
    %reduce_max3A_809 = vector.multi_reduction <maximumf>, %reduce_max3A_807, %reduce_max3A_808 [1, 2] : vector<1x8x4096xf32> to vector<1xf32>
    %reduce_max3A_810 = vector.shape_cast %reduce_max3A_809 : vector<1xf32> to vector<1x1x1xf32>
    %reduce_max3A_811 = vector.extract %reduce_max3A_810[0, 0, 0] : f32 from vector<1x1x1xf32>
    %broadcast_in_dim3A_812 = vector.broadcast %reduce_max3A_811 : f32 to vector<1x1xf32>
    %eq3A_813 = vector.broadcast %broadcast_in_dim3A_812 : vector<1x1xf32> to vector<8x4096xf32>
    %eq3A_814 = arith.cmpf oeq, %div3A_801, %eq3A_813 : vector<8x4096xf32>
    %jit3A_815 = arith.constant 32768 : i32
    %broadcast_in_dim3A_816 = vector.broadcast %jit3A_815 : i32 to vector<8x4096xi32>
    %select_n3A_817 = arith.select %eq3A_814, %add3A_37, %broadcast_in_dim3A_816 : vector<8x4096xi1>, vector<8x4096xi32>
    %reduce_min3A_818 = vector.shape_cast %select_n3A_817 : vector<8x4096xi32> to vector<1x8x4096xi32>
    %reduce_min3A_819 = arith.constant dense<2147483647> : vector<1xi32>
    %reduce_min3A_820 = vector.multi_reduction <minsi>, %reduce_min3A_818, %reduce_min3A_819 [1, 2] : vector<1x8x4096xi32> to vector<1xi32>
    %reduce_min3A_821 = vector.shape_cast %reduce_min3A_820 : vector<1xi32> to vector<1x1x1xi32>
    %reduce_min3A_822 = vector.extract %reduce_min3A_821[0, 0, 0] : i32 from vector<1x1x1xi32>
    %broadcast_in_dim3A_823 = vector.broadcast %reduce_min3A_822 : i32 to vector<1x1xi32>
    %get3A_824 = arith.constant 0 : index
    %get3A_825 = arith.constant 12 : index
    %get3A_826 = arith.constant 0 : index
    %get3A_827 = memref.load %arg1[%get3A_824, %get3A_825, %get3A_826] : memref<1x16x5xf32, #tpu.memory_space<smem>>
    %get3A_828 = arith.constant 0 : index
    %get3A_829 = arith.constant 12 : index
    %get3A_830 = arith.constant 1 : index
    %get3A_831 = memref.load %arg1[%get3A_828, %get3A_829, %get3A_830] : memref<1x16x5xf32, #tpu.memory_space<smem>>
    %get3A_832 = arith.constant 0 : index
    %get3A_833 = arith.constant 12 : index
    %get3A_834 = arith.constant 2 : index
    %get3A_835 = memref.load %arg1[%get3A_832, %get3A_833, %get3A_834] : memref<1x16x5xf32, #tpu.memory_space<smem>>
    %get3A_836 = arith.constant 0 : index
    %get3A_837 = arith.constant 12 : index
    %get3A_838 = arith.constant 3 : index
    %get3A_839 = memref.load %arg1[%get3A_836, %get3A_837, %get3A_838] : memref<1x16x5xf32, #tpu.memory_space<smem>>
    %get3A_840 = arith.constant 0 : index
    %get3A_841 = arith.constant 12 : index
    %get3A_842 = arith.constant 4 : index
    %get3A_843 = memref.load %arg1[%get3A_840, %get3A_841, %get3A_842] : memref<1x16x5xf32, #tpu.memory_space<smem>>
    %min3A_844 = vector.broadcast %get3A_835 : f32 to vector<8x4096xf32>
    %min3A_845 = arith.minimumf %add3A, %min3A_844 : vector<8x4096xf32>
    %max3A_846 = vector.broadcast %get3A_827 : f32 to vector<8x4096xf32>
    %max3A_847 = arith.maximumf %sub3A, %max3A_846 : vector<8x4096xf32>
    %sub3A_848 = arith.subf %min3A_845, %max3A_847 : vector<8x4096xf32>
    %max3A_849 = arith.constant 0.000000e+00 : f32
    %max3A_850 = vector.broadcast %max3A_849 : f32 to vector<8x4096xf32>
    %max3A_851 = arith.maximumf %sub3A_848, %max3A_850 : vector<8x4096xf32>
    %min3A_852 = vector.broadcast %get3A_839 : f32 to vector<8x4096xf32>
    %min3A_853 = arith.minimumf %add3A_31, %min3A_852 : vector<8x4096xf32>
    %max3A_854 = vector.broadcast %get3A_831 : f32 to vector<8x4096xf32>
    %max3A_855 = arith.maximumf %sub3A_24, %max3A_854 : vector<8x4096xf32>
    %sub3A_856 = arith.subf %min3A_853, %max3A_855 : vector<8x4096xf32>
    %max3A_857 = arith.constant 0.000000e+00 : f32
    %max3A_858 = vector.broadcast %max3A_857 : f32 to vector<8x4096xf32>
    %max3A_859 = arith.maximumf %sub3A_856, %max3A_858 : vector<8x4096xf32>
    %mul3A_860 = arith.mulf %max3A_851, %max3A_859 : vector<8x4096xf32>
    %sub3A_861 = arith.subf %get3A_835, %get3A_827 : f32
    %sub3A_862 = arith.subf %get3A_839, %get3A_831 : f32
    %mul3A_863 = arith.mulf %sub3A_861, %sub3A_862 : f32
    %add3A_864 = vector.broadcast %mul3A_863 : f32 to vector<8x4096xf32>
    %add3A_865 = arith.addf %mul3A_32, %add3A_864 : vector<8x4096xf32>
    %sub3A_866 = arith.subf %add3A_865, %mul3A_860 : vector<8x4096xf32>
    %div3A_867 = arith.divf %mul3A_860, %sub3A_866 : vector<8x4096xf32>
    %gt3A_868 = arith.cmpf ogt, %div3A_867, %select_n3A_806 : vector<8x4096xf32>
    %jit3A_869 = arith.constant 12 : i32
    %broadcast_in_dim3A_870 = vector.broadcast %jit3A_869 : i32 to vector<8x4096xi32>
    %select_n3A_871 = arith.select %gt3A_868, %broadcast_in_dim3A_870, %select_n3A_805 : vector<8x4096xi1>, vector<8x4096xi32>
    %select_n3A_872 = arith.select %gt3A_868, %div3A_867, %select_n3A_806 : vector<8x4096xi1>, vector<8x4096xf32>
    %reduce_max3A_873 = vector.shape_cast %div3A_867 : vector<8x4096xf32> to vector<1x8x4096xf32>
    %reduce_max3A_874 = arith.constant dense<0xFF800000> : vector<1xf32>
    %reduce_max3A_875 = vector.multi_reduction <maximumf>, %reduce_max3A_873, %reduce_max3A_874 [1, 2] : vector<1x8x4096xf32> to vector<1xf32>
    %reduce_max3A_876 = vector.shape_cast %reduce_max3A_875 : vector<1xf32> to vector<1x1x1xf32>
    %reduce_max3A_877 = vector.extract %reduce_max3A_876[0, 0, 0] : f32 from vector<1x1x1xf32>
    %broadcast_in_dim3A_878 = vector.broadcast %reduce_max3A_877 : f32 to vector<1x1xf32>
    %eq3A_879 = vector.broadcast %broadcast_in_dim3A_878 : vector<1x1xf32> to vector<8x4096xf32>
    %eq3A_880 = arith.cmpf oeq, %div3A_867, %eq3A_879 : vector<8x4096xf32>
    %jit3A_881 = arith.constant 32768 : i32
    %broadcast_in_dim3A_882 = vector.broadcast %jit3A_881 : i32 to vector<8x4096xi32>
    %select_n3A_883 = arith.select %eq3A_880, %add3A_37, %broadcast_in_dim3A_882 : vector<8x4096xi1>, vector<8x4096xi32>
    %reduce_min3A_884 = vector.shape_cast %select_n3A_883 : vector<8x4096xi32> to vector<1x8x4096xi32>
    %reduce_min3A_885 = arith.constant dense<2147483647> : vector<1xi32>
    %reduce_min3A_886 = vector.multi_reduction <minsi>, %reduce_min3A_884, %reduce_min3A_885 [1, 2] : vector<1x8x4096xi32> to vector<1xi32>
    %reduce_min3A_887 = vector.shape_cast %reduce_min3A_886 : vector<1xi32> to vector<1x1x1xi32>
    %reduce_min3A_888 = vector.extract %reduce_min3A_887[0, 0, 0] : i32 from vector<1x1x1xi32>
    %broadcast_in_dim3A_889 = vector.broadcast %reduce_min3A_888 : i32 to vector<1x1xi32>
    %get3A_890 = arith.constant 0 : index
    %get3A_891 = arith.constant 13 : index
    %get3A_892 = arith.constant 0 : index
    %get3A_893 = memref.load %arg1[%get3A_890, %get3A_891, %get3A_892] : memref<1x16x5xf32, #tpu.memory_space<smem>>
    %get3A_894 = arith.constant 0 : index
    %get3A_895 = arith.constant 13 : index
    %get3A_896 = arith.constant 1 : index
    %get3A_897 = memref.load %arg1[%get3A_894, %get3A_895, %get3A_896] : memref<1x16x5xf32, #tpu.memory_space<smem>>
    %get3A_898 = arith.constant 0 : index
    %get3A_899 = arith.constant 13 : index
    %get3A_900 = arith.constant 2 : index
    %get3A_901 = memref.load %arg1[%get3A_898, %get3A_899, %get3A_900] : memref<1x16x5xf32, #tpu.memory_space<smem>>
    %get3A_902 = arith.constant 0 : index
    %get3A_903 = arith.constant 13 : index
    %get3A_904 = arith.constant 3 : index
    %get3A_905 = memref.load %arg1[%get3A_902, %get3A_903, %get3A_904] : memref<1x16x5xf32, #tpu.memory_space<smem>>
    %get3A_906 = arith.constant 0 : index
    %get3A_907 = arith.constant 13 : index
    %get3A_908 = arith.constant 4 : index
    %get3A_909 = memref.load %arg1[%get3A_906, %get3A_907, %get3A_908] : memref<1x16x5xf32, #tpu.memory_space<smem>>
    %min3A_910 = vector.broadcast %get3A_901 : f32 to vector<8x4096xf32>
    %min3A_911 = arith.minimumf %add3A, %min3A_910 : vector<8x4096xf32>
    %max3A_912 = vector.broadcast %get3A_893 : f32 to vector<8x4096xf32>
    %max3A_913 = arith.maximumf %sub3A, %max3A_912 : vector<8x4096xf32>
    %sub3A_914 = arith.subf %min3A_911, %max3A_913 : vector<8x4096xf32>
    %max3A_915 = arith.constant 0.000000e+00 : f32
    %max3A_916 = vector.broadcast %max3A_915 : f32 to vector<8x4096xf32>
    %max3A_917 = arith.maximumf %sub3A_914, %max3A_916 : vector<8x4096xf32>
    %min3A_918 = vector.broadcast %get3A_905 : f32 to vector<8x4096xf32>
    %min3A_919 = arith.minimumf %add3A_31, %min3A_918 : vector<8x4096xf32>
    %max3A_920 = vector.broadcast %get3A_897 : f32 to vector<8x4096xf32>
    %max3A_921 = arith.maximumf %sub3A_24, %max3A_920 : vector<8x4096xf32>
    %sub3A_922 = arith.subf %min3A_919, %max3A_921 : vector<8x4096xf32>
    %max3A_923 = arith.constant 0.000000e+00 : f32
    %max3A_924 = vector.broadcast %max3A_923 : f32 to vector<8x4096xf32>
    %max3A_925 = arith.maximumf %sub3A_922, %max3A_924 : vector<8x4096xf32>
    %mul3A_926 = arith.mulf %max3A_917, %max3A_925 : vector<8x4096xf32>
    %sub3A_927 = arith.subf %get3A_901, %get3A_893 : f32
    %sub3A_928 = arith.subf %get3A_905, %get3A_897 : f32
    %mul3A_929 = arith.mulf %sub3A_927, %sub3A_928 : f32
    %add3A_930 = vector.broadcast %mul3A_929 : f32 to vector<8x4096xf32>
    %add3A_931 = arith.addf %mul3A_32, %add3A_930 : vector<8x4096xf32>
    %sub3A_932 = arith.subf %add3A_931, %mul3A_926 : vector<8x4096xf32>
    %div3A_933 = arith.divf %mul3A_926, %sub3A_932 : vector<8x4096xf32>
    %gt3A_934 = arith.cmpf ogt, %div3A_933, %select_n3A_872 : vector<8x4096xf32>
    %jit3A_935 = arith.constant 13 : i32
    %broadcast_in_dim3A_936 = vector.broadcast %jit3A_935 : i32 to vector<8x4096xi32>
    %select_n3A_937 = arith.select %gt3A_934, %broadcast_in_dim3A_936, %select_n3A_871 : vector<8x4096xi1>, vector<8x4096xi32>
    %select_n3A_938 = arith.select %gt3A_934, %div3A_933, %select_n3A_872 : vector<8x4096xi1>, vector<8x4096xf32>
    %reduce_max3A_939 = vector.shape_cast %div3A_933 : vector<8x4096xf32> to vector<1x8x4096xf32>
    %reduce_max3A_940 = arith.constant dense<0xFF800000> : vector<1xf32>
    %reduce_max3A_941 = vector.multi_reduction <maximumf>, %reduce_max3A_939, %reduce_max3A_940 [1, 2] : vector<1x8x4096xf32> to vector<1xf32>
    %reduce_max3A_942 = vector.shape_cast %reduce_max3A_941 : vector<1xf32> to vector<1x1x1xf32>
    %reduce_max3A_943 = vector.extract %reduce_max3A_942[0, 0, 0] : f32 from vector<1x1x1xf32>
    %broadcast_in_dim3A_944 = vector.broadcast %reduce_max3A_943 : f32 to vector<1x1xf32>
    %eq3A_945 = vector.broadcast %broadcast_in_dim3A_944 : vector<1x1xf32> to vector<8x4096xf32>
    %eq3A_946 = arith.cmpf oeq, %div3A_933, %eq3A_945 : vector<8x4096xf32>
    %jit3A_947 = arith.constant 32768 : i32
    %broadcast_in_dim3A_948 = vector.broadcast %jit3A_947 : i32 to vector<8x4096xi32>
    %select_n3A_949 = arith.select %eq3A_946, %add3A_37, %broadcast_in_dim3A_948 : vector<8x4096xi1>, vector<8x4096xi32>
    %reduce_min3A_950 = vector.shape_cast %select_n3A_949 : vector<8x4096xi32> to vector<1x8x4096xi32>
    %reduce_min3A_951 = arith.constant dense<2147483647> : vector<1xi32>
    %reduce_min3A_952 = vector.multi_reduction <minsi>, %reduce_min3A_950, %reduce_min3A_951 [1, 2] : vector<1x8x4096xi32> to vector<1xi32>
    %reduce_min3A_953 = vector.shape_cast %reduce_min3A_952 : vector<1xi32> to vector<1x1x1xi32>
    %reduce_min3A_954 = vector.extract %reduce_min3A_953[0, 0, 0] : i32 from vector<1x1x1xi32>
    %broadcast_in_dim3A_955 = vector.broadcast %reduce_min3A_954 : i32 to vector<1x1xi32>
    %get3A_956 = arith.constant 0 : index
    %get3A_957 = arith.constant 14 : index
    %get3A_958 = arith.constant 0 : index
    %get3A_959 = memref.load %arg1[%get3A_956, %get3A_957, %get3A_958] : memref<1x16x5xf32, #tpu.memory_space<smem>>
    %get3A_960 = arith.constant 0 : index
    %get3A_961 = arith.constant 14 : index
    %get3A_962 = arith.constant 1 : index
    %get3A_963 = memref.load %arg1[%get3A_960, %get3A_961, %get3A_962] : memref<1x16x5xf32, #tpu.memory_space<smem>>
    %get3A_964 = arith.constant 0 : index
    %get3A_965 = arith.constant 14 : index
    %get3A_966 = arith.constant 2 : index
    %get3A_967 = memref.load %arg1[%get3A_964, %get3A_965, %get3A_966] : memref<1x16x5xf32, #tpu.memory_space<smem>>
    %get3A_968 = arith.constant 0 : index
    %get3A_969 = arith.constant 14 : index
    %get3A_970 = arith.constant 3 : index
    %get3A_971 = memref.load %arg1[%get3A_968, %get3A_969, %get3A_970] : memref<1x16x5xf32, #tpu.memory_space<smem>>
    %get3A_972 = arith.constant 0 : index
    %get3A_973 = arith.constant 14 : index
    %get3A_974 = arith.constant 4 : index
    %get3A_975 = memref.load %arg1[%get3A_972, %get3A_973, %get3A_974] : memref<1x16x5xf32, #tpu.memory_space<smem>>
    %min3A_976 = vector.broadcast %get3A_967 : f32 to vector<8x4096xf32>
    %min3A_977 = arith.minimumf %add3A, %min3A_976 : vector<8x4096xf32>
    %max3A_978 = vector.broadcast %get3A_959 : f32 to vector<8x4096xf32>
    %max3A_979 = arith.maximumf %sub3A, %max3A_978 : vector<8x4096xf32>
    %sub3A_980 = arith.subf %min3A_977, %max3A_979 : vector<8x4096xf32>
    %max3A_981 = arith.constant 0.000000e+00 : f32
    %max3A_982 = vector.broadcast %max3A_981 : f32 to vector<8x4096xf32>
    %max3A_983 = arith.maximumf %sub3A_980, %max3A_982 : vector<8x4096xf32>
    %min3A_984 = vector.broadcast %get3A_971 : f32 to vector<8x4096xf32>
    %min3A_985 = arith.minimumf %add3A_31, %min3A_984 : vector<8x4096xf32>
    %max3A_986 = vector.broadcast %get3A_963 : f32 to vector<8x4096xf32>
    %max3A_987 = arith.maximumf %sub3A_24, %max3A_986 : vector<8x4096xf32>
    %sub3A_988 = arith.subf %min3A_985, %max3A_987 : vector<8x4096xf32>
    %max3A_989 = arith.constant 0.000000e+00 : f32
    %max3A_990 = vector.broadcast %max3A_989 : f32 to vector<8x4096xf32>
    %max3A_991 = arith.maximumf %sub3A_988, %max3A_990 : vector<8x4096xf32>
    %mul3A_992 = arith.mulf %max3A_983, %max3A_991 : vector<8x4096xf32>
    %sub3A_993 = arith.subf %get3A_967, %get3A_959 : f32
    %sub3A_994 = arith.subf %get3A_971, %get3A_963 : f32
    %mul3A_995 = arith.mulf %sub3A_993, %sub3A_994 : f32
    %add3A_996 = vector.broadcast %mul3A_995 : f32 to vector<8x4096xf32>
    %add3A_997 = arith.addf %mul3A_32, %add3A_996 : vector<8x4096xf32>
    %sub3A_998 = arith.subf %add3A_997, %mul3A_992 : vector<8x4096xf32>
    %div3A_999 = arith.divf %mul3A_992, %sub3A_998 : vector<8x4096xf32>
    %gt3A_1000 = arith.cmpf ogt, %div3A_999, %select_n3A_938 : vector<8x4096xf32>
    %jit3A_1001 = arith.constant 14 : i32
    %broadcast_in_dim3A_1002 = vector.broadcast %jit3A_1001 : i32 to vector<8x4096xi32>
    %select_n3A_1003 = arith.select %gt3A_1000, %broadcast_in_dim3A_1002, %select_n3A_937 : vector<8x4096xi1>, vector<8x4096xi32>
    %select_n3A_1004 = arith.select %gt3A_1000, %div3A_999, %select_n3A_938 : vector<8x4096xi1>, vector<8x4096xf32>
    %reduce_max3A_1005 = vector.shape_cast %div3A_999 : vector<8x4096xf32> to vector<1x8x4096xf32>
    %reduce_max3A_1006 = arith.constant dense<0xFF800000> : vector<1xf32>
    %reduce_max3A_1007 = vector.multi_reduction <maximumf>, %reduce_max3A_1005, %reduce_max3A_1006 [1, 2] : vector<1x8x4096xf32> to vector<1xf32>
    %reduce_max3A_1008 = vector.shape_cast %reduce_max3A_1007 : vector<1xf32> to vector<1x1x1xf32>
    %reduce_max3A_1009 = vector.extract %reduce_max3A_1008[0, 0, 0] : f32 from vector<1x1x1xf32>
    %broadcast_in_dim3A_1010 = vector.broadcast %reduce_max3A_1009 : f32 to vector<1x1xf32>
    %eq3A_1011 = vector.broadcast %broadcast_in_dim3A_1010 : vector<1x1xf32> to vector<8x4096xf32>
    %eq3A_1012 = arith.cmpf oeq, %div3A_999, %eq3A_1011 : vector<8x4096xf32>
    %jit3A_1013 = arith.constant 32768 : i32
    %broadcast_in_dim3A_1014 = vector.broadcast %jit3A_1013 : i32 to vector<8x4096xi32>
    %select_n3A_1015 = arith.select %eq3A_1012, %add3A_37, %broadcast_in_dim3A_1014 : vector<8x4096xi1>, vector<8x4096xi32>
    %reduce_min3A_1016 = vector.shape_cast %select_n3A_1015 : vector<8x4096xi32> to vector<1x8x4096xi32>
    %reduce_min3A_1017 = arith.constant dense<2147483647> : vector<1xi32>
    %reduce_min3A_1018 = vector.multi_reduction <minsi>, %reduce_min3A_1016, %reduce_min3A_1017 [1, 2] : vector<1x8x4096xi32> to vector<1xi32>
    %reduce_min3A_1019 = vector.shape_cast %reduce_min3A_1018 : vector<1xi32> to vector<1x1x1xi32>
    %reduce_min3A_1020 = vector.extract %reduce_min3A_1019[0, 0, 0] : i32 from vector<1x1x1xi32>
    %broadcast_in_dim3A_1021 = vector.broadcast %reduce_min3A_1020 : i32 to vector<1x1xi32>
    %get3A_1022 = arith.constant 0 : index
    %get3A_1023 = arith.constant 15 : index
    %get3A_1024 = arith.constant 0 : index
    %get3A_1025 = memref.load %arg1[%get3A_1022, %get3A_1023, %get3A_1024] : memref<1x16x5xf32, #tpu.memory_space<smem>>
    %get3A_1026 = arith.constant 0 : index
    %get3A_1027 = arith.constant 15 : index
    %get3A_1028 = arith.constant 1 : index
    %get3A_1029 = memref.load %arg1[%get3A_1026, %get3A_1027, %get3A_1028] : memref<1x16x5xf32, #tpu.memory_space<smem>>
    %get3A_1030 = arith.constant 0 : index
    %get3A_1031 = arith.constant 15 : index
    %get3A_1032 = arith.constant 2 : index
    %get3A_1033 = memref.load %arg1[%get3A_1030, %get3A_1031, %get3A_1032] : memref<1x16x5xf32, #tpu.memory_space<smem>>
    %get3A_1034 = arith.constant 0 : index
    %get3A_1035 = arith.constant 15 : index
    %get3A_1036 = arith.constant 3 : index
    %get3A_1037 = memref.load %arg1[%get3A_1034, %get3A_1035, %get3A_1036] : memref<1x16x5xf32, #tpu.memory_space<smem>>
    %get3A_1038 = arith.constant 0 : index
    %get3A_1039 = arith.constant 15 : index
    %get3A_1040 = arith.constant 4 : index
    %get3A_1041 = memref.load %arg1[%get3A_1038, %get3A_1039, %get3A_1040] : memref<1x16x5xf32, #tpu.memory_space<smem>>
    %min3A_1042 = vector.broadcast %get3A_1033 : f32 to vector<8x4096xf32>
    %min3A_1043 = arith.minimumf %add3A, %min3A_1042 : vector<8x4096xf32>
    %max3A_1044 = vector.broadcast %get3A_1025 : f32 to vector<8x4096xf32>
    %max3A_1045 = arith.maximumf %sub3A, %max3A_1044 : vector<8x4096xf32>
    %sub3A_1046 = arith.subf %min3A_1043, %max3A_1045 : vector<8x4096xf32>
    %max3A_1047 = arith.constant 0.000000e+00 : f32
    %max3A_1048 = vector.broadcast %max3A_1047 : f32 to vector<8x4096xf32>
    %max3A_1049 = arith.maximumf %sub3A_1046, %max3A_1048 : vector<8x4096xf32>
    %min3A_1050 = vector.broadcast %get3A_1037 : f32 to vector<8x4096xf32>
    %min3A_1051 = arith.minimumf %add3A_31, %min3A_1050 : vector<8x4096xf32>
    %max3A_1052 = vector.broadcast %get3A_1029 : f32 to vector<8x4096xf32>
    %max3A_1053 = arith.maximumf %sub3A_24, %max3A_1052 : vector<8x4096xf32>
    %sub3A_1054 = arith.subf %min3A_1051, %max3A_1053 : vector<8x4096xf32>
    %max3A_1055 = arith.constant 0.000000e+00 : f32
    %max3A_1056 = vector.broadcast %max3A_1055 : f32 to vector<8x4096xf32>
    %max3A_1057 = arith.maximumf %sub3A_1054, %max3A_1056 : vector<8x4096xf32>
    %mul3A_1058 = arith.mulf %max3A_1049, %max3A_1057 : vector<8x4096xf32>
    %sub3A_1059 = arith.subf %get3A_1033, %get3A_1025 : f32
    %sub3A_1060 = arith.subf %get3A_1037, %get3A_1029 : f32
    %mul3A_1061 = arith.mulf %sub3A_1059, %sub3A_1060 : f32
    %add3A_1062 = vector.broadcast %mul3A_1061 : f32 to vector<8x4096xf32>
    %add3A_1063 = arith.addf %mul3A_32, %add3A_1062 : vector<8x4096xf32>
    %sub3A_1064 = arith.subf %add3A_1063, %mul3A_1058 : vector<8x4096xf32>
    %div3A_1065 = arith.divf %mul3A_1058, %sub3A_1064 : vector<8x4096xf32>
    %gt3A_1066 = arith.cmpf ogt, %div3A_1065, %select_n3A_1004 : vector<8x4096xf32>
    %jit3A_1067 = arith.constant 15 : i32
    %broadcast_in_dim3A_1068 = vector.broadcast %jit3A_1067 : i32 to vector<8x4096xi32>
    %select_n3A_1069 = arith.select %gt3A_1066, %broadcast_in_dim3A_1068, %select_n3A_1003 : vector<8x4096xi1>, vector<8x4096xi32>
    %select_n3A_1070 = arith.select %gt3A_1066, %div3A_1065, %select_n3A_1004 : vector<8x4096xi1>, vector<8x4096xf32>
    %reduce_max3A_1071 = vector.shape_cast %div3A_1065 : vector<8x4096xf32> to vector<1x8x4096xf32>
    %reduce_max3A_1072 = arith.constant dense<0xFF800000> : vector<1xf32>
    %reduce_max3A_1073 = vector.multi_reduction <maximumf>, %reduce_max3A_1071, %reduce_max3A_1072 [1, 2] : vector<1x8x4096xf32> to vector<1xf32>
    %reduce_max3A_1074 = vector.shape_cast %reduce_max3A_1073 : vector<1xf32> to vector<1x1x1xf32>
    %reduce_max3A_1075 = vector.extract %reduce_max3A_1074[0, 0, 0] : f32 from vector<1x1x1xf32>
    %broadcast_in_dim3A_1076 = vector.broadcast %reduce_max3A_1075 : f32 to vector<1x1xf32>
    %eq3A_1077 = vector.broadcast %broadcast_in_dim3A_1076 : vector<1x1xf32> to vector<8x4096xf32>
    %eq3A_1078 = arith.cmpf oeq, %div3A_1065, %eq3A_1077 : vector<8x4096xf32>
    %jit3A_1079 = arith.constant 32768 : i32
    %broadcast_in_dim3A_1080 = vector.broadcast %jit3A_1079 : i32 to vector<8x4096xi32>
    %select_n3A_1081 = arith.select %eq3A_1078, %add3A_37, %broadcast_in_dim3A_1080 : vector<8x4096xi1>, vector<8x4096xi32>
    %reduce_min3A_1082 = vector.shape_cast %select_n3A_1081 : vector<8x4096xi32> to vector<1x8x4096xi32>
    %reduce_min3A_1083 = arith.constant dense<2147483647> : vector<1xi32>
    %reduce_min3A_1084 = vector.multi_reduction <minsi>, %reduce_min3A_1082, %reduce_min3A_1083 [1, 2] : vector<1x8x4096xi32> to vector<1xi32>
    %reduce_min3A_1085 = vector.shape_cast %reduce_min3A_1084 : vector<1xi32> to vector<1x1x1xi32>
    %reduce_min3A_1086 = vector.extract %reduce_min3A_1085[0, 0, 0] : i32 from vector<1x1x1xi32>
    %broadcast_in_dim3A_1087 = vector.broadcast %reduce_min3A_1086 : i32 to vector<1x1xi32>
    %eq3A_1088 = vector.broadcast %broadcast_in_dim3A_97 : vector<1x1xi32> to vector<8x4096xi32>
    %eq3A_1089 = arith.cmpi eq, %add3A_37, %eq3A_1088 : vector<8x4096xi32>
    %jit3A_1090 = arith.constant 0 : i32
    %broadcast_in_dim3A_1091 = vector.broadcast %jit3A_1090 : i32 to vector<8x4096xi32>
    %select_n3A_1092 = arith.select %eq3A_1089, %broadcast_in_dim3A_1091, %select_n3A_1069 : vector<8x4096xi1>, vector<8x4096xi32>
    %jit3A_1093 = arith.constant 2.000000e+00 : f32
    %broadcast_in_dim3A_1094 = vector.broadcast %jit3A_1093 : f32 to vector<8x4096xf32>
    %select_n3A_1095 = arith.select %eq3A_1089, %broadcast_in_dim3A_1094, %select_n3A_1070 : vector<8x4096xi1>, vector<8x4096xf32>
    %eq3A_1096 = vector.broadcast %broadcast_in_dim3A_163 : vector<1x1xi32> to vector<8x4096xi32>
    %eq3A_1097 = arith.cmpi eq, %add3A_37, %eq3A_1096 : vector<8x4096xi32>
    %jit3A_1098 = arith.constant 1 : i32
    %broadcast_in_dim3A_1099 = vector.broadcast %jit3A_1098 : i32 to vector<8x4096xi32>
    %select_n3A_1100 = arith.select %eq3A_1097, %broadcast_in_dim3A_1099, %select_n3A_1092 : vector<8x4096xi1>, vector<8x4096xi32>
    %jit3A_1101 = arith.constant 2.000000e+00 : f32
    %broadcast_in_dim3A_1102 = vector.broadcast %jit3A_1101 : f32 to vector<8x4096xf32>
    %select_n3A_1103 = arith.select %eq3A_1097, %broadcast_in_dim3A_1102, %select_n3A_1095 : vector<8x4096xi1>, vector<8x4096xf32>
    %eq3A_1104 = vector.broadcast %broadcast_in_dim3A_229 : vector<1x1xi32> to vector<8x4096xi32>
    %eq3A_1105 = arith.cmpi eq, %add3A_37, %eq3A_1104 : vector<8x4096xi32>
    %jit3A_1106 = arith.constant 2 : i32
    %broadcast_in_dim3A_1107 = vector.broadcast %jit3A_1106 : i32 to vector<8x4096xi32>
    %select_n3A_1108 = arith.select %eq3A_1105, %broadcast_in_dim3A_1107, %select_n3A_1100 : vector<8x4096xi1>, vector<8x4096xi32>
    %jit3A_1109 = arith.constant 2.000000e+00 : f32
    %broadcast_in_dim3A_1110 = vector.broadcast %jit3A_1109 : f32 to vector<8x4096xf32>
    %select_n3A_1111 = arith.select %eq3A_1105, %broadcast_in_dim3A_1110, %select_n3A_1103 : vector<8x4096xi1>, vector<8x4096xf32>
    %eq3A_1112 = vector.broadcast %broadcast_in_dim3A_295 : vector<1x1xi32> to vector<8x4096xi32>
    %eq3A_1113 = arith.cmpi eq, %add3A_37, %eq3A_1112 : vector<8x4096xi32>
    %jit3A_1114 = arith.constant 3 : i32
    %broadcast_in_dim3A_1115 = vector.broadcast %jit3A_1114 : i32 to vector<8x4096xi32>
    %select_n3A_1116 = arith.select %eq3A_1113, %broadcast_in_dim3A_1115, %select_n3A_1108 : vector<8x4096xi1>, vector<8x4096xi32>
    %jit3A_1117 = arith.constant 2.000000e+00 : f32
    %broadcast_in_dim3A_1118 = vector.broadcast %jit3A_1117 : f32 to vector<8x4096xf32>
    %select_n3A_1119 = arith.select %eq3A_1113, %broadcast_in_dim3A_1118, %select_n3A_1111 : vector<8x4096xi1>, vector<8x4096xf32>
    %eq3A_1120 = vector.broadcast %broadcast_in_dim3A_361 : vector<1x1xi32> to vector<8x4096xi32>
    %eq3A_1121 = arith.cmpi eq, %add3A_37, %eq3A_1120 : vector<8x4096xi32>
    %jit3A_1122 = arith.constant 4 : i32
    %broadcast_in_dim3A_1123 = vector.broadcast %jit3A_1122 : i32 to vector<8x4096xi32>
    %select_n3A_1124 = arith.select %eq3A_1121, %broadcast_in_dim3A_1123, %select_n3A_1116 : vector<8x4096xi1>, vector<8x4096xi32>
    %jit3A_1125 = arith.constant 2.000000e+00 : f32
    %broadcast_in_dim3A_1126 = vector.broadcast %jit3A_1125 : f32 to vector<8x4096xf32>
    %select_n3A_1127 = arith.select %eq3A_1121, %broadcast_in_dim3A_1126, %select_n3A_1119 : vector<8x4096xi1>, vector<8x4096xf32>
    %eq3A_1128 = vector.broadcast %broadcast_in_dim3A_427 : vector<1x1xi32> to vector<8x4096xi32>
    %eq3A_1129 = arith.cmpi eq, %add3A_37, %eq3A_1128 : vector<8x4096xi32>
    %jit3A_1130 = arith.constant 5 : i32
    %broadcast_in_dim3A_1131 = vector.broadcast %jit3A_1130 : i32 to vector<8x4096xi32>
    %select_n3A_1132 = arith.select %eq3A_1129, %broadcast_in_dim3A_1131, %select_n3A_1124 : vector<8x4096xi1>, vector<8x4096xi32>
    %jit3A_1133 = arith.constant 2.000000e+00 : f32
    %broadcast_in_dim3A_1134 = vector.broadcast %jit3A_1133 : f32 to vector<8x4096xf32>
    %select_n3A_1135 = arith.select %eq3A_1129, %broadcast_in_dim3A_1134, %select_n3A_1127 : vector<8x4096xi1>, vector<8x4096xf32>
    %eq3A_1136 = vector.broadcast %broadcast_in_dim3A_493 : vector<1x1xi32> to vector<8x4096xi32>
    %eq3A_1137 = arith.cmpi eq, %add3A_37, %eq3A_1136 : vector<8x4096xi32>
    %jit3A_1138 = arith.constant 6 : i32
    %broadcast_in_dim3A_1139 = vector.broadcast %jit3A_1138 : i32 to vector<8x4096xi32>
    %select_n3A_1140 = arith.select %eq3A_1137, %broadcast_in_dim3A_1139, %select_n3A_1132 : vector<8x4096xi1>, vector<8x4096xi32>
    %jit3A_1141 = arith.constant 2.000000e+00 : f32
    %broadcast_in_dim3A_1142 = vector.broadcast %jit3A_1141 : f32 to vector<8x4096xf32>
    %select_n3A_1143 = arith.select %eq3A_1137, %broadcast_in_dim3A_1142, %select_n3A_1135 : vector<8x4096xi1>, vector<8x4096xf32>
    %eq3A_1144 = vector.broadcast %broadcast_in_dim3A_559 : vector<1x1xi32> to vector<8x4096xi32>
    %eq3A_1145 = arith.cmpi eq, %add3A_37, %eq3A_1144 : vector<8x4096xi32>
    %jit3A_1146 = arith.constant 7 : i32
    %broadcast_in_dim3A_1147 = vector.broadcast %jit3A_1146 : i32 to vector<8x4096xi32>
    %select_n3A_1148 = arith.select %eq3A_1145, %broadcast_in_dim3A_1147, %select_n3A_1140 : vector<8x4096xi1>, vector<8x4096xi32>
    %jit3A_1149 = arith.constant 2.000000e+00 : f32
    %broadcast_in_dim3A_1150 = vector.broadcast %jit3A_1149 : f32 to vector<8x4096xf32>
    %select_n3A_1151 = arith.select %eq3A_1145, %broadcast_in_dim3A_1150, %select_n3A_1143 : vector<8x4096xi1>, vector<8x4096xf32>
    %eq3A_1152 = vector.broadcast %broadcast_in_dim3A_625 : vector<1x1xi32> to vector<8x4096xi32>
    %eq3A_1153 = arith.cmpi eq, %add3A_37, %eq3A_1152 : vector<8x4096xi32>
    %jit3A_1154 = arith.constant 8 : i32
    %broadcast_in_dim3A_1155 = vector.broadcast %jit3A_1154 : i32 to vector<8x4096xi32>
    %select_n3A_1156 = arith.select %eq3A_1153, %broadcast_in_dim3A_1155, %select_n3A_1148 : vector<8x4096xi1>, vector<8x4096xi32>
    %jit3A_1157 = arith.constant 2.000000e+00 : f32
    %broadcast_in_dim3A_1158 = vector.broadcast %jit3A_1157 : f32 to vector<8x4096xf32>
    %select_n3A_1159 = arith.select %eq3A_1153, %broadcast_in_dim3A_1158, %select_n3A_1151 : vector<8x4096xi1>, vector<8x4096xf32>
    %eq3A_1160 = vector.broadcast %broadcast_in_dim3A_691 : vector<1x1xi32> to vector<8x4096xi32>
    %eq3A_1161 = arith.cmpi eq, %add3A_37, %eq3A_1160 : vector<8x4096xi32>
    %jit3A_1162 = arith.constant 9 : i32
    %broadcast_in_dim3A_1163 = vector.broadcast %jit3A_1162 : i32 to vector<8x4096xi32>
    %select_n3A_1164 = arith.select %eq3A_1161, %broadcast_in_dim3A_1163, %select_n3A_1156 : vector<8x4096xi1>, vector<8x4096xi32>
    %jit3A_1165 = arith.constant 2.000000e+00 : f32
    %broadcast_in_dim3A_1166 = vector.broadcast %jit3A_1165 : f32 to vector<8x4096xf32>
    %select_n3A_1167 = arith.select %eq3A_1161, %broadcast_in_dim3A_1166, %select_n3A_1159 : vector<8x4096xi1>, vector<8x4096xf32>
    %eq3A_1168 = vector.broadcast %broadcast_in_dim3A_757 : vector<1x1xi32> to vector<8x4096xi32>
    %eq3A_1169 = arith.cmpi eq, %add3A_37, %eq3A_1168 : vector<8x4096xi32>
    %jit3A_1170 = arith.constant 10 : i32
    %broadcast_in_dim3A_1171 = vector.broadcast %jit3A_1170 : i32 to vector<8x4096xi32>
    %select_n3A_1172 = arith.select %eq3A_1169, %broadcast_in_dim3A_1171, %select_n3A_1164 : vector<8x4096xi1>, vector<8x4096xi32>
    %jit3A_1173 = arith.constant 2.000000e+00 : f32
    %broadcast_in_dim3A_1174 = vector.broadcast %jit3A_1173 : f32 to vector<8x4096xf32>
    %select_n3A_1175 = arith.select %eq3A_1169, %broadcast_in_dim3A_1174, %select_n3A_1167 : vector<8x4096xi1>, vector<8x4096xf32>
    %eq3A_1176 = vector.broadcast %broadcast_in_dim3A_823 : vector<1x1xi32> to vector<8x4096xi32>
    %eq3A_1177 = arith.cmpi eq, %add3A_37, %eq3A_1176 : vector<8x4096xi32>
    %jit3A_1178 = arith.constant 11 : i32
    %broadcast_in_dim3A_1179 = vector.broadcast %jit3A_1178 : i32 to vector<8x4096xi32>
    %select_n3A_1180 = arith.select %eq3A_1177, %broadcast_in_dim3A_1179, %select_n3A_1172 : vector<8x4096xi1>, vector<8x4096xi32>
    %jit3A_1181 = arith.constant 2.000000e+00 : f32
    %broadcast_in_dim3A_1182 = vector.broadcast %jit3A_1181 : f32 to vector<8x4096xf32>
    %select_n3A_1183 = arith.select %eq3A_1177, %broadcast_in_dim3A_1182, %select_n3A_1175 : vector<8x4096xi1>, vector<8x4096xf32>
    %eq3A_1184 = vector.broadcast %broadcast_in_dim3A_889 : vector<1x1xi32> to vector<8x4096xi32>
    %eq3A_1185 = arith.cmpi eq, %add3A_37, %eq3A_1184 : vector<8x4096xi32>
    %jit3A_1186 = arith.constant 12 : i32
    %broadcast_in_dim3A_1187 = vector.broadcast %jit3A_1186 : i32 to vector<8x4096xi32>
    %select_n3A_1188 = arith.select %eq3A_1185, %broadcast_in_dim3A_1187, %select_n3A_1180 : vector<8x4096xi1>, vector<8x4096xi32>
    %jit3A_1189 = arith.constant 2.000000e+00 : f32
    %broadcast_in_dim3A_1190 = vector.broadcast %jit3A_1189 : f32 to vector<8x4096xf32>
    %select_n3A_1191 = arith.select %eq3A_1185, %broadcast_in_dim3A_1190, %select_n3A_1183 : vector<8x4096xi1>, vector<8x4096xf32>
    %eq3A_1192 = vector.broadcast %broadcast_in_dim3A_955 : vector<1x1xi32> to vector<8x4096xi32>
    %eq3A_1193 = arith.cmpi eq, %add3A_37, %eq3A_1192 : vector<8x4096xi32>
    %jit3A_1194 = arith.constant 13 : i32
    %broadcast_in_dim3A_1195 = vector.broadcast %jit3A_1194 : i32 to vector<8x4096xi32>
    %select_n3A_1196 = arith.select %eq3A_1193, %broadcast_in_dim3A_1195, %select_n3A_1188 : vector<8x4096xi1>, vector<8x4096xi32>
    %jit3A_1197 = arith.constant 2.000000e+00 : f32
    %broadcast_in_dim3A_1198 = vector.broadcast %jit3A_1197 : f32 to vector<8x4096xf32>
    %select_n3A_1199 = arith.select %eq3A_1193, %broadcast_in_dim3A_1198, %select_n3A_1191 : vector<8x4096xi1>, vector<8x4096xf32>
    %eq3A_1200 = vector.broadcast %broadcast_in_dim3A_1021 : vector<1x1xi32> to vector<8x4096xi32>
    %eq3A_1201 = arith.cmpi eq, %add3A_37, %eq3A_1200 : vector<8x4096xi32>
    %jit3A_1202 = arith.constant 14 : i32
    %broadcast_in_dim3A_1203 = vector.broadcast %jit3A_1202 : i32 to vector<8x4096xi32>
    %select_n3A_1204 = arith.select %eq3A_1201, %broadcast_in_dim3A_1203, %select_n3A_1196 : vector<8x4096xi1>, vector<8x4096xi32>
    %jit3A_1205 = arith.constant 2.000000e+00 : f32
    %broadcast_in_dim3A_1206 = vector.broadcast %jit3A_1205 : f32 to vector<8x4096xf32>
    %select_n3A_1207 = arith.select %eq3A_1201, %broadcast_in_dim3A_1206, %select_n3A_1199 : vector<8x4096xi1>, vector<8x4096xf32>
    %eq3A_1208 = vector.broadcast %broadcast_in_dim3A_1087 : vector<1x1xi32> to vector<8x4096xi32>
    %eq3A_1209 = arith.cmpi eq, %add3A_37, %eq3A_1208 : vector<8x4096xi32>
    %jit3A_1210 = arith.constant 15 : i32
    %broadcast_in_dim3A_1211 = vector.broadcast %jit3A_1210 : i32 to vector<8x4096xi32>
    %select_n3A_1212 = arith.select %eq3A_1209, %broadcast_in_dim3A_1211, %select_n3A_1204 : vector<8x4096xi1>, vector<8x4096xi32>
    %jit3A_1213 = arith.constant 2.000000e+00 : f32
    %broadcast_in_dim3A_1214 = vector.broadcast %jit3A_1213 : f32 to vector<8x4096xf32>
    %select_n3A_1215 = arith.select %eq3A_1209, %broadcast_in_dim3A_1214, %select_n3A_1207 : vector<8x4096xi1>, vector<8x4096xf32>
    %broadcast_in_dim3A_1216 = arith.constant 0.000000e+00 : f32
    %broadcast_in_dim3A_1217 = vector.broadcast %broadcast_in_dim3A_1216 : f32 to vector<8x4096xf32>
    %broadcast_in_dim3A_1218 = arith.constant 0.000000e+00 : f32
    %broadcast_in_dim3A_1219 = vector.broadcast %broadcast_in_dim3A_1218 : f32 to vector<8x4096xf32>
    %broadcast_in_dim3A_1220 = arith.constant 0.000000e+00 : f32
    %broadcast_in_dim3A_1221 = vector.broadcast %broadcast_in_dim3A_1220 : f32 to vector<8x4096xf32>
    %broadcast_in_dim3A_1222 = arith.constant 0.000000e+00 : f32
    %broadcast_in_dim3A_1223 = vector.broadcast %broadcast_in_dim3A_1222 : f32 to vector<8x4096xf32>
    %broadcast_in_dim3A_1224 = arith.constant 0.000000e+00 : f32
    %broadcast_in_dim3A_1225 = vector.broadcast %broadcast_in_dim3A_1224 : f32 to vector<8x4096xf32>
    %eq3A_1226 = arith.constant 0 : i32
    %eq3A_1227 = vector.broadcast %eq3A_1226 : i32 to vector<8x4096xi32>
    %eq3A_1228 = arith.cmpi eq, %select_n3A_1212, %eq3A_1227 : vector<8x4096xi32>
    %broadcast_in_dim3A_1229 = vector.broadcast %get3A_44 : f32 to vector<8x4096xf32>
    %select_n3A_1230 = arith.select %eq3A_1228, %broadcast_in_dim3A_1229, %broadcast_in_dim3A_1217 : vector<8x4096xi1>, vector<8x4096xf32>
    %broadcast_in_dim3A_1231 = vector.broadcast %get3A_48 : f32 to vector<8x4096xf32>
    %select_n3A_1232 = arith.select %eq3A_1228, %broadcast_in_dim3A_1231, %broadcast_in_dim3A_1219 : vector<8x4096xi1>, vector<8x4096xf32>
    %broadcast_in_dim3A_1233 = vector.broadcast %get3A_52 : f32 to vector<8x4096xf32>
    %select_n3A_1234 = arith.select %eq3A_1228, %broadcast_in_dim3A_1233, %broadcast_in_dim3A_1221 : vector<8x4096xi1>, vector<8x4096xf32>
    %broadcast_in_dim3A_1235 = vector.broadcast %get3A_56 : f32 to vector<8x4096xf32>
    %select_n3A_1236 = arith.select %eq3A_1228, %broadcast_in_dim3A_1235, %broadcast_in_dim3A_1223 : vector<8x4096xi1>, vector<8x4096xf32>
    %broadcast_in_dim3A_1237 = vector.broadcast %get3A_60 : f32 to vector<8x4096xf32>
    %select_n3A_1238 = arith.select %eq3A_1228, %broadcast_in_dim3A_1237, %broadcast_in_dim3A_1225 : vector<8x4096xi1>, vector<8x4096xf32>
    %eq3A_1239 = arith.constant 1 : i32
    %eq3A_1240 = vector.broadcast %eq3A_1239 : i32 to vector<8x4096xi32>
    %eq3A_1241 = arith.cmpi eq, %select_n3A_1212, %eq3A_1240 : vector<8x4096xi32>
    %broadcast_in_dim3A_1242 = vector.broadcast %get3A_101 : f32 to vector<8x4096xf32>
    %select_n3A_1243 = arith.select %eq3A_1241, %broadcast_in_dim3A_1242, %select_n3A_1230 : vector<8x4096xi1>, vector<8x4096xf32>
    %broadcast_in_dim3A_1244 = vector.broadcast %get3A_105 : f32 to vector<8x4096xf32>
    %select_n3A_1245 = arith.select %eq3A_1241, %broadcast_in_dim3A_1244, %select_n3A_1232 : vector<8x4096xi1>, vector<8x4096xf32>
    %broadcast_in_dim3A_1246 = vector.broadcast %get3A_109 : f32 to vector<8x4096xf32>
    %select_n3A_1247 = arith.select %eq3A_1241, %broadcast_in_dim3A_1246, %select_n3A_1234 : vector<8x4096xi1>, vector<8x4096xf32>
    %broadcast_in_dim3A_1248 = vector.broadcast %get3A_113 : f32 to vector<8x4096xf32>
    %select_n3A_1249 = arith.select %eq3A_1241, %broadcast_in_dim3A_1248, %select_n3A_1236 : vector<8x4096xi1>, vector<8x4096xf32>
    %broadcast_in_dim3A_1250 = vector.broadcast %get3A_117 : f32 to vector<8x4096xf32>
    %select_n3A_1251 = arith.select %eq3A_1241, %broadcast_in_dim3A_1250, %select_n3A_1238 : vector<8x4096xi1>, vector<8x4096xf32>
    %eq3A_1252 = arith.constant 2 : i32
    %eq3A_1253 = vector.broadcast %eq3A_1252 : i32 to vector<8x4096xi32>
    %eq3A_1254 = arith.cmpi eq, %select_n3A_1212, %eq3A_1253 : vector<8x4096xi32>
    %broadcast_in_dim3A_1255 = vector.broadcast %get3A_167 : f32 to vector<8x4096xf32>
    %select_n3A_1256 = arith.select %eq3A_1254, %broadcast_in_dim3A_1255, %select_n3A_1243 : vector<8x4096xi1>, vector<8x4096xf32>
    %broadcast_in_dim3A_1257 = vector.broadcast %get3A_171 : f32 to vector<8x4096xf32>
    %select_n3A_1258 = arith.select %eq3A_1254, %broadcast_in_dim3A_1257, %select_n3A_1245 : vector<8x4096xi1>, vector<8x4096xf32>
    %broadcast_in_dim3A_1259 = vector.broadcast %get3A_175 : f32 to vector<8x4096xf32>
    %select_n3A_1260 = arith.select %eq3A_1254, %broadcast_in_dim3A_1259, %select_n3A_1247 : vector<8x4096xi1>, vector<8x4096xf32>
    %broadcast_in_dim3A_1261 = vector.broadcast %get3A_179 : f32 to vector<8x4096xf32>
    %select_n3A_1262 = arith.select %eq3A_1254, %broadcast_in_dim3A_1261, %select_n3A_1249 : vector<8x4096xi1>, vector<8x4096xf32>
    %broadcast_in_dim3A_1263 = vector.broadcast %get3A_183 : f32 to vector<8x4096xf32>
    %select_n3A_1264 = arith.select %eq3A_1254, %broadcast_in_dim3A_1263, %select_n3A_1251 : vector<8x4096xi1>, vector<8x4096xf32>
    %eq3A_1265 = arith.constant 3 : i32
    %eq3A_1266 = vector.broadcast %eq3A_1265 : i32 to vector<8x4096xi32>
    %eq3A_1267 = arith.cmpi eq, %select_n3A_1212, %eq3A_1266 : vector<8x4096xi32>
    %broadcast_in_dim3A_1268 = vector.broadcast %get3A_233 : f32 to vector<8x4096xf32>
    %select_n3A_1269 = arith.select %eq3A_1267, %broadcast_in_dim3A_1268, %select_n3A_1256 : vector<8x4096xi1>, vector<8x4096xf32>
    %broadcast_in_dim3A_1270 = vector.broadcast %get3A_237 : f32 to vector<8x4096xf32>
    %select_n3A_1271 = arith.select %eq3A_1267, %broadcast_in_dim3A_1270, %select_n3A_1258 : vector<8x4096xi1>, vector<8x4096xf32>
    %broadcast_in_dim3A_1272 = vector.broadcast %get3A_241 : f32 to vector<8x4096xf32>
    %select_n3A_1273 = arith.select %eq3A_1267, %broadcast_in_dim3A_1272, %select_n3A_1260 : vector<8x4096xi1>, vector<8x4096xf32>
    %broadcast_in_dim3A_1274 = vector.broadcast %get3A_245 : f32 to vector<8x4096xf32>
    %select_n3A_1275 = arith.select %eq3A_1267, %broadcast_in_dim3A_1274, %select_n3A_1262 : vector<8x4096xi1>, vector<8x4096xf32>
    %broadcast_in_dim3A_1276 = vector.broadcast %get3A_249 : f32 to vector<8x4096xf32>
    %select_n3A_1277 = arith.select %eq3A_1267, %broadcast_in_dim3A_1276, %select_n3A_1264 : vector<8x4096xi1>, vector<8x4096xf32>
    %eq3A_1278 = arith.constant 4 : i32
    %eq3A_1279 = vector.broadcast %eq3A_1278 : i32 to vector<8x4096xi32>
    %eq3A_1280 = arith.cmpi eq, %select_n3A_1212, %eq3A_1279 : vector<8x4096xi32>
    %broadcast_in_dim3A_1281 = vector.broadcast %get3A_299 : f32 to vector<8x4096xf32>
    %select_n3A_1282 = arith.select %eq3A_1280, %broadcast_in_dim3A_1281, %select_n3A_1269 : vector<8x4096xi1>, vector<8x4096xf32>
    %broadcast_in_dim3A_1283 = vector.broadcast %get3A_303 : f32 to vector<8x4096xf32>
    %select_n3A_1284 = arith.select %eq3A_1280, %broadcast_in_dim3A_1283, %select_n3A_1271 : vector<8x4096xi1>, vector<8x4096xf32>
    %broadcast_in_dim3A_1285 = vector.broadcast %get3A_307 : f32 to vector<8x4096xf32>
    %select_n3A_1286 = arith.select %eq3A_1280, %broadcast_in_dim3A_1285, %select_n3A_1273 : vector<8x4096xi1>, vector<8x4096xf32>
    %broadcast_in_dim3A_1287 = vector.broadcast %get3A_311 : f32 to vector<8x4096xf32>
    %select_n3A_1288 = arith.select %eq3A_1280, %broadcast_in_dim3A_1287, %select_n3A_1275 : vector<8x4096xi1>, vector<8x4096xf32>
    %broadcast_in_dim3A_1289 = vector.broadcast %get3A_315 : f32 to vector<8x4096xf32>
    %select_n3A_1290 = arith.select %eq3A_1280, %broadcast_in_dim3A_1289, %select_n3A_1277 : vector<8x4096xi1>, vector<8x4096xf32>
    %eq3A_1291 = arith.constant 5 : i32
    %eq3A_1292 = vector.broadcast %eq3A_1291 : i32 to vector<8x4096xi32>
    %eq3A_1293 = arith.cmpi eq, %select_n3A_1212, %eq3A_1292 : vector<8x4096xi32>
    %broadcast_in_dim3A_1294 = vector.broadcast %get3A_365 : f32 to vector<8x4096xf32>
    %select_n3A_1295 = arith.select %eq3A_1293, %broadcast_in_dim3A_1294, %select_n3A_1282 : vector<8x4096xi1>, vector<8x4096xf32>
    %broadcast_in_dim3A_1296 = vector.broadcast %get3A_369 : f32 to vector<8x4096xf32>
    %select_n3A_1297 = arith.select %eq3A_1293, %broadcast_in_dim3A_1296, %select_n3A_1284 : vector<8x4096xi1>, vector<8x4096xf32>
    %broadcast_in_dim3A_1298 = vector.broadcast %get3A_373 : f32 to vector<8x4096xf32>
    %select_n3A_1299 = arith.select %eq3A_1293, %broadcast_in_dim3A_1298, %select_n3A_1286 : vector<8x4096xi1>, vector<8x4096xf32>
    %broadcast_in_dim3A_1300 = vector.broadcast %get3A_377 : f32 to vector<8x4096xf32>
    %select_n3A_1301 = arith.select %eq3A_1293, %broadcast_in_dim3A_1300, %select_n3A_1288 : vector<8x4096xi1>, vector<8x4096xf32>
    %broadcast_in_dim3A_1302 = vector.broadcast %get3A_381 : f32 to vector<8x4096xf32>
    %select_n3A_1303 = arith.select %eq3A_1293, %broadcast_in_dim3A_1302, %select_n3A_1290 : vector<8x4096xi1>, vector<8x4096xf32>
    %eq3A_1304 = arith.constant 6 : i32
    %eq3A_1305 = vector.broadcast %eq3A_1304 : i32 to vector<8x4096xi32>
    %eq3A_1306 = arith.cmpi eq, %select_n3A_1212, %eq3A_1305 : vector<8x4096xi32>
    %broadcast_in_dim3A_1307 = vector.broadcast %get3A_431 : f32 to vector<8x4096xf32>
    %select_n3A_1308 = arith.select %eq3A_1306, %broadcast_in_dim3A_1307, %select_n3A_1295 : vector<8x4096xi1>, vector<8x4096xf32>
    %broadcast_in_dim3A_1309 = vector.broadcast %get3A_435 : f32 to vector<8x4096xf32>
    %select_n3A_1310 = arith.select %eq3A_1306, %broadcast_in_dim3A_1309, %select_n3A_1297 : vector<8x4096xi1>, vector<8x4096xf32>
    %broadcast_in_dim3A_1311 = vector.broadcast %get3A_439 : f32 to vector<8x4096xf32>
    %select_n3A_1312 = arith.select %eq3A_1306, %broadcast_in_dim3A_1311, %select_n3A_1299 : vector<8x4096xi1>, vector<8x4096xf32>
    %broadcast_in_dim3A_1313 = vector.broadcast %get3A_443 : f32 to vector<8x4096xf32>
    %select_n3A_1314 = arith.select %eq3A_1306, %broadcast_in_dim3A_1313, %select_n3A_1301 : vector<8x4096xi1>, vector<8x4096xf32>
    %broadcast_in_dim3A_1315 = vector.broadcast %get3A_447 : f32 to vector<8x4096xf32>
    %select_n3A_1316 = arith.select %eq3A_1306, %broadcast_in_dim3A_1315, %select_n3A_1303 : vector<8x4096xi1>, vector<8x4096xf32>
    %eq3A_1317 = arith.constant 7 : i32
    %eq3A_1318 = vector.broadcast %eq3A_1317 : i32 to vector<8x4096xi32>
    %eq3A_1319 = arith.cmpi eq, %select_n3A_1212, %eq3A_1318 : vector<8x4096xi32>
    %broadcast_in_dim3A_1320 = vector.broadcast %get3A_497 : f32 to vector<8x4096xf32>
    %select_n3A_1321 = arith.select %eq3A_1319, %broadcast_in_dim3A_1320, %select_n3A_1308 : vector<8x4096xi1>, vector<8x4096xf32>
    %broadcast_in_dim3A_1322 = vector.broadcast %get3A_501 : f32 to vector<8x4096xf32>
    %select_n3A_1323 = arith.select %eq3A_1319, %broadcast_in_dim3A_1322, %select_n3A_1310 : vector<8x4096xi1>, vector<8x4096xf32>
    %broadcast_in_dim3A_1324 = vector.broadcast %get3A_505 : f32 to vector<8x4096xf32>
    %select_n3A_1325 = arith.select %eq3A_1319, %broadcast_in_dim3A_1324, %select_n3A_1312 : vector<8x4096xi1>, vector<8x4096xf32>
    %broadcast_in_dim3A_1326 = vector.broadcast %get3A_509 : f32 to vector<8x4096xf32>
    %select_n3A_1327 = arith.select %eq3A_1319, %broadcast_in_dim3A_1326, %select_n3A_1314 : vector<8x4096xi1>, vector<8x4096xf32>
    %broadcast_in_dim3A_1328 = vector.broadcast %get3A_513 : f32 to vector<8x4096xf32>
    %select_n3A_1329 = arith.select %eq3A_1319, %broadcast_in_dim3A_1328, %select_n3A_1316 : vector<8x4096xi1>, vector<8x4096xf32>
    %eq3A_1330 = arith.constant 8 : i32
    %eq3A_1331 = vector.broadcast %eq3A_1330 : i32 to vector<8x4096xi32>
    %eq3A_1332 = arith.cmpi eq, %select_n3A_1212, %eq3A_1331 : vector<8x4096xi32>
    %broadcast_in_dim3A_1333 = vector.broadcast %get3A_563 : f32 to vector<8x4096xf32>
    %select_n3A_1334 = arith.select %eq3A_1332, %broadcast_in_dim3A_1333, %select_n3A_1321 : vector<8x4096xi1>, vector<8x4096xf32>
    %broadcast_in_dim3A_1335 = vector.broadcast %get3A_567 : f32 to vector<8x4096xf32>
    %select_n3A_1336 = arith.select %eq3A_1332, %broadcast_in_dim3A_1335, %select_n3A_1323 : vector<8x4096xi1>, vector<8x4096xf32>
    %broadcast_in_dim3A_1337 = vector.broadcast %get3A_571 : f32 to vector<8x4096xf32>
    %select_n3A_1338 = arith.select %eq3A_1332, %broadcast_in_dim3A_1337, %select_n3A_1325 : vector<8x4096xi1>, vector<8x4096xf32>
    %broadcast_in_dim3A_1339 = vector.broadcast %get3A_575 : f32 to vector<8x4096xf32>
    %select_n3A_1340 = arith.select %eq3A_1332, %broadcast_in_dim3A_1339, %select_n3A_1327 : vector<8x4096xi1>, vector<8x4096xf32>
    %broadcast_in_dim3A_1341 = vector.broadcast %get3A_579 : f32 to vector<8x4096xf32>
    %select_n3A_1342 = arith.select %eq3A_1332, %broadcast_in_dim3A_1341, %select_n3A_1329 : vector<8x4096xi1>, vector<8x4096xf32>
    %eq3A_1343 = arith.constant 9 : i32
    %eq3A_1344 = vector.broadcast %eq3A_1343 : i32 to vector<8x4096xi32>
    %eq3A_1345 = arith.cmpi eq, %select_n3A_1212, %eq3A_1344 : vector<8x4096xi32>
    %broadcast_in_dim3A_1346 = vector.broadcast %get3A_629 : f32 to vector<8x4096xf32>
    %select_n3A_1347 = arith.select %eq3A_1345, %broadcast_in_dim3A_1346, %select_n3A_1334 : vector<8x4096xi1>, vector<8x4096xf32>
    %broadcast_in_dim3A_1348 = vector.broadcast %get3A_633 : f32 to vector<8x4096xf32>
    %select_n3A_1349 = arith.select %eq3A_1345, %broadcast_in_dim3A_1348, %select_n3A_1336 : vector<8x4096xi1>, vector<8x4096xf32>
    %broadcast_in_dim3A_1350 = vector.broadcast %get3A_637 : f32 to vector<8x4096xf32>
    %select_n3A_1351 = arith.select %eq3A_1345, %broadcast_in_dim3A_1350, %select_n3A_1338 : vector<8x4096xi1>, vector<8x4096xf32>
    %broadcast_in_dim3A_1352 = vector.broadcast %get3A_641 : f32 to vector<8x4096xf32>
    %select_n3A_1353 = arith.select %eq3A_1345, %broadcast_in_dim3A_1352, %select_n3A_1340 : vector<8x4096xi1>, vector<8x4096xf32>
    %broadcast_in_dim3A_1354 = vector.broadcast %get3A_645 : f32 to vector<8x4096xf32>
    %select_n3A_1355 = arith.select %eq3A_1345, %broadcast_in_dim3A_1354, %select_n3A_1342 : vector<8x4096xi1>, vector<8x4096xf32>
    %eq3A_1356 = arith.constant 10 : i32
    %eq3A_1357 = vector.broadcast %eq3A_1356 : i32 to vector<8x4096xi32>
    %eq3A_1358 = arith.cmpi eq, %select_n3A_1212, %eq3A_1357 : vector<8x4096xi32>
    %broadcast_in_dim3A_1359 = vector.broadcast %get3A_695 : f32 to vector<8x4096xf32>
    %select_n3A_1360 = arith.select %eq3A_1358, %broadcast_in_dim3A_1359, %select_n3A_1347 : vector<8x4096xi1>, vector<8x4096xf32>
    %broadcast_in_dim3A_1361 = vector.broadcast %get3A_699 : f32 to vector<8x4096xf32>
    %select_n3A_1362 = arith.select %eq3A_1358, %broadcast_in_dim3A_1361, %select_n3A_1349 : vector<8x4096xi1>, vector<8x4096xf32>
    %broadcast_in_dim3A_1363 = vector.broadcast %get3A_703 : f32 to vector<8x4096xf32>
    %select_n3A_1364 = arith.select %eq3A_1358, %broadcast_in_dim3A_1363, %select_n3A_1351 : vector<8x4096xi1>, vector<8x4096xf32>
    %broadcast_in_dim3A_1365 = vector.broadcast %get3A_707 : f32 to vector<8x4096xf32>
    %select_n3A_1366 = arith.select %eq3A_1358, %broadcast_in_dim3A_1365, %select_n3A_1353 : vector<8x4096xi1>, vector<8x4096xf32>
    %broadcast_in_dim3A_1367 = vector.broadcast %get3A_711 : f32 to vector<8x4096xf32>
    %select_n3A_1368 = arith.select %eq3A_1358, %broadcast_in_dim3A_1367, %select_n3A_1355 : vector<8x4096xi1>, vector<8x4096xf32>
    %eq3A_1369 = arith.constant 11 : i32
    %eq3A_1370 = vector.broadcast %eq3A_1369 : i32 to vector<8x4096xi32>
    %eq3A_1371 = arith.cmpi eq, %select_n3A_1212, %eq3A_1370 : vector<8x4096xi32>
    %broadcast_in_dim3A_1372 = vector.broadcast %get3A_761 : f32 to vector<8x4096xf32>
    %select_n3A_1373 = arith.select %eq3A_1371, %broadcast_in_dim3A_1372, %select_n3A_1360 : vector<8x4096xi1>, vector<8x4096xf32>
    %broadcast_in_dim3A_1374 = vector.broadcast %get3A_765 : f32 to vector<8x4096xf32>
    %select_n3A_1375 = arith.select %eq3A_1371, %broadcast_in_dim3A_1374, %select_n3A_1362 : vector<8x4096xi1>, vector<8x4096xf32>
    %broadcast_in_dim3A_1376 = vector.broadcast %get3A_769 : f32 to vector<8x4096xf32>
    %select_n3A_1377 = arith.select %eq3A_1371, %broadcast_in_dim3A_1376, %select_n3A_1364 : vector<8x4096xi1>, vector<8x4096xf32>
    %broadcast_in_dim3A_1378 = vector.broadcast %get3A_773 : f32 to vector<8x4096xf32>
    %select_n3A_1379 = arith.select %eq3A_1371, %broadcast_in_dim3A_1378, %select_n3A_1366 : vector<8x4096xi1>, vector<8x4096xf32>
    %broadcast_in_dim3A_1380 = vector.broadcast %get3A_777 : f32 to vector<8x4096xf32>
    %select_n3A_1381 = arith.select %eq3A_1371, %broadcast_in_dim3A_1380, %select_n3A_1368 : vector<8x4096xi1>, vector<8x4096xf32>
    %eq3A_1382 = arith.constant 12 : i32
    %eq3A_1383 = vector.broadcast %eq3A_1382 : i32 to vector<8x4096xi32>
    %eq3A_1384 = arith.cmpi eq, %select_n3A_1212, %eq3A_1383 : vector<8x4096xi32>
    %broadcast_in_dim3A_1385 = vector.broadcast %get3A_827 : f32 to vector<8x4096xf32>
    %select_n3A_1386 = arith.select %eq3A_1384, %broadcast_in_dim3A_1385, %select_n3A_1373 : vector<8x4096xi1>, vector<8x4096xf32>
    %broadcast_in_dim3A_1387 = vector.broadcast %get3A_831 : f32 to vector<8x4096xf32>
    %select_n3A_1388 = arith.select %eq3A_1384, %broadcast_in_dim3A_1387, %select_n3A_1375 : vector<8x4096xi1>, vector<8x4096xf32>
    %broadcast_in_dim3A_1389 = vector.broadcast %get3A_835 : f32 to vector<8x4096xf32>
    %select_n3A_1390 = arith.select %eq3A_1384, %broadcast_in_dim3A_1389, %select_n3A_1377 : vector<8x4096xi1>, vector<8x4096xf32>
    %broadcast_in_dim3A_1391 = vector.broadcast %get3A_839 : f32 to vector<8x4096xf32>
    %select_n3A_1392 = arith.select %eq3A_1384, %broadcast_in_dim3A_1391, %select_n3A_1379 : vector<8x4096xi1>, vector<8x4096xf32>
    %broadcast_in_dim3A_1393 = vector.broadcast %get3A_843 : f32 to vector<8x4096xf32>
    %select_n3A_1394 = arith.select %eq3A_1384, %broadcast_in_dim3A_1393, %select_n3A_1381 : vector<8x4096xi1>, vector<8x4096xf32>
    %eq3A_1395 = arith.constant 13 : i32
    %eq3A_1396 = vector.broadcast %eq3A_1395 : i32 to vector<8x4096xi32>
    %eq3A_1397 = arith.cmpi eq, %select_n3A_1212, %eq3A_1396 : vector<8x4096xi32>
    %broadcast_in_dim3A_1398 = vector.broadcast %get3A_893 : f32 to vector<8x4096xf32>
    %select_n3A_1399 = arith.select %eq3A_1397, %broadcast_in_dim3A_1398, %select_n3A_1386 : vector<8x4096xi1>, vector<8x4096xf32>
    %broadcast_in_dim3A_1400 = vector.broadcast %get3A_897 : f32 to vector<8x4096xf32>
    %select_n3A_1401 = arith.select %eq3A_1397, %broadcast_in_dim3A_1400, %select_n3A_1388 : vector<8x4096xi1>, vector<8x4096xf32>
    %broadcast_in_dim3A_1402 = vector.broadcast %get3A_901 : f32 to vector<8x4096xf32>
    %select_n3A_1403 = arith.select %eq3A_1397, %broadcast_in_dim3A_1402, %select_n3A_1390 : vector<8x4096xi1>, vector<8x4096xf32>
    %broadcast_in_dim3A_1404 = vector.broadcast %get3A_905 : f32 to vector<8x4096xf32>
    %select_n3A_1405 = arith.select %eq3A_1397, %broadcast_in_dim3A_1404, %select_n3A_1392 : vector<8x4096xi1>, vector<8x4096xf32>
    %broadcast_in_dim3A_1406 = vector.broadcast %get3A_909 : f32 to vector<8x4096xf32>
    %select_n3A_1407 = arith.select %eq3A_1397, %broadcast_in_dim3A_1406, %select_n3A_1394 : vector<8x4096xi1>, vector<8x4096xf32>
    %eq3A_1408 = arith.constant 14 : i32
    %eq3A_1409 = vector.broadcast %eq3A_1408 : i32 to vector<8x4096xi32>
    %eq3A_1410 = arith.cmpi eq, %select_n3A_1212, %eq3A_1409 : vector<8x4096xi32>
    %broadcast_in_dim3A_1411 = vector.broadcast %get3A_959 : f32 to vector<8x4096xf32>
    %select_n3A_1412 = arith.select %eq3A_1410, %broadcast_in_dim3A_1411, %select_n3A_1399 : vector<8x4096xi1>, vector<8x4096xf32>
    %broadcast_in_dim3A_1413 = vector.broadcast %get3A_963 : f32 to vector<8x4096xf32>
    %select_n3A_1414 = arith.select %eq3A_1410, %broadcast_in_dim3A_1413, %select_n3A_1401 : vector<8x4096xi1>, vector<8x4096xf32>
    %broadcast_in_dim3A_1415 = vector.broadcast %get3A_967 : f32 to vector<8x4096xf32>
    %select_n3A_1416 = arith.select %eq3A_1410, %broadcast_in_dim3A_1415, %select_n3A_1403 : vector<8x4096xi1>, vector<8x4096xf32>
    %broadcast_in_dim3A_1417 = vector.broadcast %get3A_971 : f32 to vector<8x4096xf32>
    %select_n3A_1418 = arith.select %eq3A_1410, %broadcast_in_dim3A_1417, %select_n3A_1405 : vector<8x4096xi1>, vector<8x4096xf32>
    %broadcast_in_dim3A_1419 = vector.broadcast %get3A_975 : f32 to vector<8x4096xf32>
    %select_n3A_1420 = arith.select %eq3A_1410, %broadcast_in_dim3A_1419, %select_n3A_1407 : vector<8x4096xi1>, vector<8x4096xf32>
    %eq3A_1421 = arith.constant 15 : i32
    %eq3A_1422 = vector.broadcast %eq3A_1421 : i32 to vector<8x4096xi32>
    %eq3A_1423 = arith.cmpi eq, %select_n3A_1212, %eq3A_1422 : vector<8x4096xi32>
    %broadcast_in_dim3A_1424 = vector.broadcast %get3A_1025 : f32 to vector<8x4096xf32>
    %select_n3A_1425 = arith.select %eq3A_1423, %broadcast_in_dim3A_1424, %select_n3A_1412 : vector<8x4096xi1>, vector<8x4096xf32>
    %broadcast_in_dim3A_1426 = vector.broadcast %get3A_1029 : f32 to vector<8x4096xf32>
    %select_n3A_1427 = arith.select %eq3A_1423, %broadcast_in_dim3A_1426, %select_n3A_1414 : vector<8x4096xi1>, vector<8x4096xf32>
    %broadcast_in_dim3A_1428 = vector.broadcast %get3A_1033 : f32 to vector<8x4096xf32>
    %select_n3A_1429 = arith.select %eq3A_1423, %broadcast_in_dim3A_1428, %select_n3A_1416 : vector<8x4096xi1>, vector<8x4096xf32>
    %broadcast_in_dim3A_1430 = vector.broadcast %get3A_1037 : f32 to vector<8x4096xf32>
    %select_n3A_1431 = arith.select %eq3A_1423, %broadcast_in_dim3A_1430, %select_n3A_1418 : vector<8x4096xi1>, vector<8x4096xf32>
    %broadcast_in_dim3A_1432 = vector.broadcast %get3A_1041 : f32 to vector<8x4096xf32>
    %select_n3A_1433 = arith.select %eq3A_1423, %broadcast_in_dim3A_1432, %select_n3A_1420 : vector<8x4096xi1>, vector<8x4096xf32>
    %gt3A_1434 = arith.constant 5.000000e-01 : f32
    %gt3A_1435 = vector.broadcast %gt3A_1434 : f32 to vector<8x4096xf32>
    %gt3A_1436 = arith.cmpf ogt, %select_n3A_1215, %gt3A_1435 : vector<8x4096xf32>
    %convert_element_type3A = arith.fptosi %select_n3A_1433 : vector<8x4096xf32> to vector<8x4096xi32>
    %jit3A_1437 = arith.constant 0 : i32
    %broadcast_in_dim3A_1438 = vector.broadcast %jit3A_1437 : i32 to vector<8x4096xi32>
    %select_n3A_1439 = arith.select %gt3A_1436, %convert_element_type3A, %broadcast_in_dim3A_1438 : vector<8x4096xi1>, vector<8x4096xi32>
    %gt3A_1440 = arith.constant 0 : i32
    %gt3A_1441 = vector.broadcast %gt3A_1440 : i32 to vector<8x4096xi32>
    %gt3A_1442 = arith.cmpi sgt, %select_n3A_1439, %gt3A_1441 : vector<8x4096xi32>
    %add3A_1443 = arith.addf %select_n3A_1425, %select_n3A_1429 : vector<8x4096xf32>
    %mul3A_1444 = arith.constant 5.000000e-01 : f32
    %mul3A_1445 = vector.broadcast %mul3A_1444 : f32 to vector<8x4096xf32>
    %mul3A_1446 = arith.mulf %add3A_1443, %mul3A_1445 : vector<8x4096xf32>
    %sub3A_1447 = arith.subf %mul3A_1446, %get3A_3 : vector<8x4096xf32>
    %mul3A_1448 = arith.constant 1.000000e-01 : f32
    %mul3A_1449 = vector.broadcast %mul3A_1448 : f32 to vector<8x4096xf32>
    %mul3A_1450 = arith.mulf %mul3A_1449, %get3A_13 : vector<8x4096xf32>
    %div3A_1451 = arith.divf %sub3A_1447, %mul3A_1450 : vector<8x4096xf32>
    %add3A_1452 = arith.addf %select_n3A_1427, %select_n3A_1431 : vector<8x4096xf32>
    %mul3A_1453 = arith.constant 5.000000e-01 : f32
    %mul3A_1454 = vector.broadcast %mul3A_1453 : f32 to vector<8x4096xf32>
    %mul3A_1455 = arith.mulf %add3A_1452, %mul3A_1454 : vector<8x4096xf32>
    %sub3A_1456 = arith.subf %mul3A_1455, %get3A_8 : vector<8x4096xf32>
    %mul3A_1457 = arith.constant 1.000000e-01 : f32
    %mul3A_1458 = vector.broadcast %mul3A_1457 : f32 to vector<8x4096xf32>
    %mul3A_1459 = arith.mulf %mul3A_1458, %get3A_18 : vector<8x4096xf32>
    %div3A_1460 = arith.divf %sub3A_1456, %mul3A_1459 : vector<8x4096xf32>
    %sub3A_1461 = arith.subf %select_n3A_1429, %select_n3A_1425 : vector<8x4096xf32>
    %div3A_1462 = arith.divf %sub3A_1461, %get3A_13 : vector<8x4096xf32>
    %log3A = math.log %div3A_1462 : vector<8x4096xf32>
    %div3A_1463 = arith.constant 2.000000e-01 : f32
    %div3A_1464 = vector.broadcast %div3A_1463 : f32 to vector<8x4096xf32>
    %div3A_1465 = arith.divf %log3A, %div3A_1464 : vector<8x4096xf32>
    %sub3A_1466 = arith.subf %select_n3A_1431, %select_n3A_1427 : vector<8x4096xf32>
    %div3A_1467 = arith.divf %sub3A_1466, %get3A_18 : vector<8x4096xf32>
    %log3A_1468 = math.log %div3A_1467 : vector<8x4096xf32>
    %div3A_1469 = arith.constant 2.000000e-01 : f32
    %div3A_1470 = vector.broadcast %div3A_1469 : f32 to vector<8x4096xf32>
    %div3A_1471 = arith.divf %log3A_1468, %div3A_1470 : vector<8x4096xf32>
    %get3A_1472 = arith.constant 0 : index
    %get3A_1473 = arith.constant 0 : index
    %get3A_1474 = arith.constant 0 : index
    %get3A_1475 = arith.constant 0 : index
    %get3A_1476 = vector.load %arg4[%get3A_1472, %get3A_1473, %get3A_1474, %get3A_1475] : memref<1x4x8x4096xf32, #tpu.memory_space<vmem>>, vector<1x4x8x4096xf32>
    %get3A_1477 = vector.shape_cast %get3A_1476 : vector<1x4x8x4096xf32> to vector<4x8x4096xf32>
    %stack3A = vector.shape_cast %div3A_1451 : vector<8x4096xf32> to vector<1x8x4096xf32>
    %stack3A_1478 = vector.shape_cast %div3A_1460 : vector<8x4096xf32> to vector<1x8x4096xf32>
    %stack3A_1479 = vector.shape_cast %div3A_1465 : vector<8x4096xf32> to vector<1x8x4096xf32>
    %stack3A_1480 = vector.shape_cast %div3A_1471 : vector<8x4096xf32> to vector<1x8x4096xf32>
    %stack3A_1481 = tpu.concatenate %stack3A, %stack3A_1478, %stack3A_1479, %stack3A_1480 in 0 : vector<1x8x4096xf32>, vector<1x8x4096xf32>, vector<1x8x4096xf32>, vector<1x8x4096xf32> -> vector<4x8x4096xf32>
    %sub3A_1482 = arith.subf %get3A_1477, %stack3A_1481 : vector<4x8x4096xf32>
    %abs3A = math.absf %sub3A_1482 : vector<4x8x4096xf32>
    %lt3A = arith.constant 1.000000e+00 : f32
    %lt3A_1483 = vector.broadcast %lt3A : f32 to vector<4x8x4096xf32>
    %lt3A_1484 = arith.cmpf olt, %abs3A, %lt3A_1483 : vector<4x8x4096xf32>
    %mul3A_1485 = arith.constant 5.000000e-01 : f32
    %mul3A_1486 = vector.broadcast %mul3A_1485 : f32 to vector<4x8x4096xf32>
    %mul3A_1487 = arith.mulf %mul3A_1486, %sub3A_1482 : vector<4x8x4096xf32>
    %mul3A_1488 = arith.mulf %mul3A_1487, %sub3A_1482 : vector<4x8x4096xf32>
    %sub3A_1489 = arith.constant 5.000000e-01 : f32
    %sub3A_1490 = vector.broadcast %sub3A_1489 : f32 to vector<4x8x4096xf32>
    %sub3A_1491 = arith.subf %abs3A, %sub3A_1490 : vector<4x8x4096xf32>
    %select_n3A_1492 = arith.select %lt3A_1484, %mul3A_1488, %sub3A_1491 : vector<4x8x4096xi1>, vector<4x8x4096xf32>
    %reduce_sum3A = arith.constant dense<0.000000e+00> : vector<8x4096xf32>
    %reduce_sum3A_1493 = vector.multi_reduction <add>, %select_n3A_1492, %reduce_sum3A [0] : vector<4x8x4096xf32> to vector<8x4096xf32>
    %jit3A_1494 = arith.constant 0.000000e+00 : f32
    %broadcast_in_dim3A_1495 = vector.broadcast %jit3A_1494 : f32 to vector<8x4096xf32>
    %select_n3A_1496 = arith.select %gt3A_1442, %reduce_sum3A_1493, %broadcast_in_dim3A_1495 : vector<8x4096xi1>, vector<8x4096xf32>
    %reduce_sum3A_1497 = vector.shape_cast %select_n3A_1496 : vector<8x4096xf32> to vector<1x8x4096xf32>
    %reduce_sum3A_1498 = arith.constant dense<0.000000e+00> : vector<1xf32>
    %reduce_sum3A_1499 = vector.multi_reduction <add>, %reduce_sum3A_1497, %reduce_sum3A_1498 [1, 2] : vector<1x8x4096xf32> to vector<1xf32>
    %reduce_sum3A_1500 = vector.shape_cast %reduce_sum3A_1499 : vector<1xf32> to vector<1x1x1xf32>
    %reduce_sum3A_1501 = vector.extract %reduce_sum3A_1500[0, 0, 0] : f32 from vector<1x1x1xf32>
    %convert_element_type3A_1502 = arith.fptosi %get3A_60 : f32 to i32
    %convert_element_type3A_1503 = arith.fptosi %get3A_117 : f32 to i32
    %convert_element_type3A_1504 = arith.fptosi %get3A_183 : f32 to i32
    %convert_element_type3A_1505 = arith.fptosi %get3A_249 : f32 to i32
    %convert_element_type3A_1506 = arith.fptosi %get3A_315 : f32 to i32
    %convert_element_type3A_1507 = arith.fptosi %get3A_381 : f32 to i32
    %convert_element_type3A_1508 = arith.fptosi %get3A_447 : f32 to i32
    %convert_element_type3A_1509 = arith.fptosi %get3A_513 : f32 to i32
    %convert_element_type3A_1510 = arith.fptosi %get3A_579 : f32 to i32
    %convert_element_type3A_1511 = arith.fptosi %get3A_645 : f32 to i32
    %convert_element_type3A_1512 = arith.fptosi %get3A_711 : f32 to i32
    %convert_element_type3A_1513 = arith.fptosi %get3A_777 : f32 to i32
    %convert_element_type3A_1514 = arith.fptosi %get3A_843 : f32 to i32
    %convert_element_type3A_1515 = arith.fptosi %get3A_909 : f32 to i32
    %convert_element_type3A_1516 = arith.fptosi %get3A_975 : f32 to i32
    %convert_element_type3A_1517 = arith.fptosi %get3A_1041 : f32 to i32
    %get3A_1518 = arith.constant 0 : index
    %get3A_1519 = arith.constant 0 : index
    %get3A_1520 = arith.constant 0 : index
    %get3A_1521 = arith.constant 0 : index
    %get3A_1522 = vector.load %arg3[%get3A_1518, %get3A_1519, %get3A_1520, %get3A_1521] : memref<1x81x8x4096xf32, #tpu.memory_space<vmem>>, vector<1x81x8x512xf32>
    %get3A_1523 = vector.shape_cast %get3A_1522 : vector<1x81x8x512xf32> to vector<81x8x512xf32>
    %exp3A = math.exp %get3A_1523 : vector<81x8x512xf32>
    %reduce_sum3A_1524 = arith.constant dense<0.000000e+00> : vector<8x512xf32>
    %reduce_sum3A_1525 = vector.multi_reduction <add>, %exp3A, %reduce_sum3A_1524 [0] : vector<81x8x512xf32> to vector<8x512xf32>
    %get3A_1526 = arith.constant 0 : index
    %get3A_1527 = arith.constant 0 : index
    %get3A_1528 = arith.constant 0 : index
    %get3A_1529 = arith.constant 0 : index
    %get3A_1530 = vector.load %arg3[%get3A_1526, %get3A_1527, %get3A_1528, %get3A_1529] : memref<1x81x8x4096xf32, #tpu.memory_space<vmem>>, vector<1x1x8x512xf32>
    %get3A_1531 = vector.shape_cast %get3A_1530 : vector<1x1x8x512xf32> to vector<8x512xf32>
    %slice3A = vector.extract_strided_slice %select_n3A_1212 {offsets = [0, 0], sizes = [8, 512], strides = [1, 1]} : vector<8x4096xi32> to vector<8x512xi32>
    %slice3A_1532 = vector.extract_strided_slice %gt3A_1442 {offsets = [0, 0], sizes = [8, 512], strides = [1, 1]} : vector<8x4096xi1> to vector<8x512xi1>
    %get3A_1533 = arith.constant 0 : index
    %get3A_1534 = arith.index_cast %convert_element_type3A_1502 : i32 to index
    %get3A_1535 = arith.constant 0 : index
    %get3A_1536 = arith.constant 0 : index
    %get3A_1537 = vector.load %arg3[%get3A_1533, %get3A_1534, %get3A_1535, %get3A_1536] : memref<1x81x8x4096xf32, #tpu.memory_space<vmem>>, vector<1x1x8x512xf32>
    %get3A_1538 = vector.shape_cast %get3A_1537 : vector<1x1x8x512xf32> to vector<8x512xf32>
    %eq3A_1539 = arith.constant 0 : i32
    %eq3A_1540 = vector.broadcast %eq3A_1539 : i32 to vector<8x512xi32>
    %eq3A_1541 = arith.cmpi eq, %slice3A, %eq3A_1540 : vector<8x512xi32>
    %and3A = arith.andi %slice3A_1532, %eq3A_1541 : vector<8x512xi1>
    %select_n3A_1542 = arith.select %and3A, %get3A_1538, %get3A_1531 : vector<8x512xi1>, vector<8x512xf32>
    %get3A_1543 = arith.constant 0 : index
    %get3A_1544 = arith.index_cast %convert_element_type3A_1503 : i32 to index
    %get3A_1545 = arith.constant 0 : index
    %get3A_1546 = arith.constant 0 : index
    %get3A_1547 = vector.load %arg3[%get3A_1543, %get3A_1544, %get3A_1545, %get3A_1546] : memref<1x81x8x4096xf32, #tpu.memory_space<vmem>>, vector<1x1x8x512xf32>
    %get3A_1548 = vector.shape_cast %get3A_1547 : vector<1x1x8x512xf32> to vector<8x512xf32>
    %eq3A_1549 = arith.constant 1 : i32
    %eq3A_1550 = vector.broadcast %eq3A_1549 : i32 to vector<8x512xi32>
    %eq3A_1551 = arith.cmpi eq, %slice3A, %eq3A_1550 : vector<8x512xi32>
    %and3A_1552 = arith.andi %slice3A_1532, %eq3A_1551 : vector<8x512xi1>
    %select_n3A_1553 = arith.select %and3A_1552, %get3A_1548, %select_n3A_1542 : vector<8x512xi1>, vector<8x512xf32>
    %get3A_1554 = arith.constant 0 : index
    %get3A_1555 = arith.index_cast %convert_element_type3A_1504 : i32 to index
    %get3A_1556 = arith.constant 0 : index
    %get3A_1557 = arith.constant 0 : index
    %get3A_1558 = vector.load %arg3[%get3A_1554, %get3A_1555, %get3A_1556, %get3A_1557] : memref<1x81x8x4096xf32, #tpu.memory_space<vmem>>, vector<1x1x8x512xf32>
    %get3A_1559 = vector.shape_cast %get3A_1558 : vector<1x1x8x512xf32> to vector<8x512xf32>
    %eq3A_1560 = arith.constant 2 : i32
    %eq3A_1561 = vector.broadcast %eq3A_1560 : i32 to vector<8x512xi32>
    %eq3A_1562 = arith.cmpi eq, %slice3A, %eq3A_1561 : vector<8x512xi32>
    %and3A_1563 = arith.andi %slice3A_1532, %eq3A_1562 : vector<8x512xi1>
    %select_n3A_1564 = arith.select %and3A_1563, %get3A_1559, %select_n3A_1553 : vector<8x512xi1>, vector<8x512xf32>
    %get3A_1565 = arith.constant 0 : index
    %get3A_1566 = arith.index_cast %convert_element_type3A_1505 : i32 to index
    %get3A_1567 = arith.constant 0 : index
    %get3A_1568 = arith.constant 0 : index
    %get3A_1569 = vector.load %arg3[%get3A_1565, %get3A_1566, %get3A_1567, %get3A_1568] : memref<1x81x8x4096xf32, #tpu.memory_space<vmem>>, vector<1x1x8x512xf32>
    %get3A_1570 = vector.shape_cast %get3A_1569 : vector<1x1x8x512xf32> to vector<8x512xf32>
    %eq3A_1571 = arith.constant 3 : i32
    %eq3A_1572 = vector.broadcast %eq3A_1571 : i32 to vector<8x512xi32>
    %eq3A_1573 = arith.cmpi eq, %slice3A, %eq3A_1572 : vector<8x512xi32>
    %and3A_1574 = arith.andi %slice3A_1532, %eq3A_1573 : vector<8x512xi1>
    %select_n3A_1575 = arith.select %and3A_1574, %get3A_1570, %select_n3A_1564 : vector<8x512xi1>, vector<8x512xf32>
    %get3A_1576 = arith.constant 0 : index
    %get3A_1577 = arith.index_cast %convert_element_type3A_1506 : i32 to index
    %get3A_1578 = arith.constant 0 : index
    %get3A_1579 = arith.constant 0 : index
    %get3A_1580 = vector.load %arg3[%get3A_1576, %get3A_1577, %get3A_1578, %get3A_1579] : memref<1x81x8x4096xf32, #tpu.memory_space<vmem>>, vector<1x1x8x512xf32>
    %get3A_1581 = vector.shape_cast %get3A_1580 : vector<1x1x8x512xf32> to vector<8x512xf32>
    %eq3A_1582 = arith.constant 4 : i32
    %eq3A_1583 = vector.broadcast %eq3A_1582 : i32 to vector<8x512xi32>
    %eq3A_1584 = arith.cmpi eq, %slice3A, %eq3A_1583 : vector<8x512xi32>
    %and3A_1585 = arith.andi %slice3A_1532, %eq3A_1584 : vector<8x512xi1>
    %select_n3A_1586 = arith.select %and3A_1585, %get3A_1581, %select_n3A_1575 : vector<8x512xi1>, vector<8x512xf32>
    %get3A_1587 = arith.constant 0 : index
    %get3A_1588 = arith.index_cast %convert_element_type3A_1507 : i32 to index
    %get3A_1589 = arith.constant 0 : index
    %get3A_1590 = arith.constant 0 : index
    %get3A_1591 = vector.load %arg3[%get3A_1587, %get3A_1588, %get3A_1589, %get3A_1590] : memref<1x81x8x4096xf32, #tpu.memory_space<vmem>>, vector<1x1x8x512xf32>
    %get3A_1592 = vector.shape_cast %get3A_1591 : vector<1x1x8x512xf32> to vector<8x512xf32>
    %eq3A_1593 = arith.constant 5 : i32
    %eq3A_1594 = vector.broadcast %eq3A_1593 : i32 to vector<8x512xi32>
    %eq3A_1595 = arith.cmpi eq, %slice3A, %eq3A_1594 : vector<8x512xi32>
    %and3A_1596 = arith.andi %slice3A_1532, %eq3A_1595 : vector<8x512xi1>
    %select_n3A_1597 = arith.select %and3A_1596, %get3A_1592, %select_n3A_1586 : vector<8x512xi1>, vector<8x512xf32>
    %get3A_1598 = arith.constant 0 : index
    %get3A_1599 = arith.index_cast %convert_element_type3A_1508 : i32 to index
    %get3A_1600 = arith.constant 0 : index
    %get3A_1601 = arith.constant 0 : index
    %get3A_1602 = vector.load %arg3[%get3A_1598, %get3A_1599, %get3A_1600, %get3A_1601] : memref<1x81x8x4096xf32, #tpu.memory_space<vmem>>, vector<1x1x8x512xf32>
    %get3A_1603 = vector.shape_cast %get3A_1602 : vector<1x1x8x512xf32> to vector<8x512xf32>
    %eq3A_1604 = arith.constant 6 : i32
    %eq3A_1605 = vector.broadcast %eq3A_1604 : i32 to vector<8x512xi32>
    %eq3A_1606 = arith.cmpi eq, %slice3A, %eq3A_1605 : vector<8x512xi32>
    %and3A_1607 = arith.andi %slice3A_1532, %eq3A_1606 : vector<8x512xi1>
    %select_n3A_1608 = arith.select %and3A_1607, %get3A_1603, %select_n3A_1597 : vector<8x512xi1>, vector<8x512xf32>
    %get3A_1609 = arith.constant 0 : index
    %get3A_1610 = arith.index_cast %convert_element_type3A_1509 : i32 to index
    %get3A_1611 = arith.constant 0 : index
    %get3A_1612 = arith.constant 0 : index
    %get3A_1613 = vector.load %arg3[%get3A_1609, %get3A_1610, %get3A_1611, %get3A_1612] : memref<1x81x8x4096xf32, #tpu.memory_space<vmem>>, vector<1x1x8x512xf32>
    %get3A_1614 = vector.shape_cast %get3A_1613 : vector<1x1x8x512xf32> to vector<8x512xf32>
    %eq3A_1615 = arith.constant 7 : i32
    %eq3A_1616 = vector.broadcast %eq3A_1615 : i32 to vector<8x512xi32>
    %eq3A_1617 = arith.cmpi eq, %slice3A, %eq3A_1616 : vector<8x512xi32>
    %and3A_1618 = arith.andi %slice3A_1532, %eq3A_1617 : vector<8x512xi1>
    %select_n3A_1619 = arith.select %and3A_1618, %get3A_1614, %select_n3A_1608 : vector<8x512xi1>, vector<8x512xf32>
    %get3A_1620 = arith.constant 0 : index
    %get3A_1621 = arith.index_cast %convert_element_type3A_1510 : i32 to index
    %get3A_1622 = arith.constant 0 : index
    %get3A_1623 = arith.constant 0 : index
    %get3A_1624 = vector.load %arg3[%get3A_1620, %get3A_1621, %get3A_1622, %get3A_1623] : memref<1x81x8x4096xf32, #tpu.memory_space<vmem>>, vector<1x1x8x512xf32>
    %get3A_1625 = vector.shape_cast %get3A_1624 : vector<1x1x8x512xf32> to vector<8x512xf32>
    %eq3A_1626 = arith.constant 8 : i32
    %eq3A_1627 = vector.broadcast %eq3A_1626 : i32 to vector<8x512xi32>
    %eq3A_1628 = arith.cmpi eq, %slice3A, %eq3A_1627 : vector<8x512xi32>
    %and3A_1629 = arith.andi %slice3A_1532, %eq3A_1628 : vector<8x512xi1>
    %select_n3A_1630 = arith.select %and3A_1629, %get3A_1625, %select_n3A_1619 : vector<8x512xi1>, vector<8x512xf32>
    %get3A_1631 = arith.constant 0 : index
    %get3A_1632 = arith.index_cast %convert_element_type3A_1511 : i32 to index
    %get3A_1633 = arith.constant 0 : index
    %get3A_1634 = arith.constant 0 : index
    %get3A_1635 = vector.load %arg3[%get3A_1631, %get3A_1632, %get3A_1633, %get3A_1634] : memref<1x81x8x4096xf32, #tpu.memory_space<vmem>>, vector<1x1x8x512xf32>
    %get3A_1636 = vector.shape_cast %get3A_1635 : vector<1x1x8x512xf32> to vector<8x512xf32>
    %eq3A_1637 = arith.constant 9 : i32
    %eq3A_1638 = vector.broadcast %eq3A_1637 : i32 to vector<8x512xi32>
    %eq3A_1639 = arith.cmpi eq, %slice3A, %eq3A_1638 : vector<8x512xi32>
    %and3A_1640 = arith.andi %slice3A_1532, %eq3A_1639 : vector<8x512xi1>
    %select_n3A_1641 = arith.select %and3A_1640, %get3A_1636, %select_n3A_1630 : vector<8x512xi1>, vector<8x512xf32>
    %get3A_1642 = arith.constant 0 : index
    %get3A_1643 = arith.index_cast %convert_element_type3A_1512 : i32 to index
    %get3A_1644 = arith.constant 0 : index
    %get3A_1645 = arith.constant 0 : index
    %get3A_1646 = vector.load %arg3[%get3A_1642, %get3A_1643, %get3A_1644, %get3A_1645] : memref<1x81x8x4096xf32, #tpu.memory_space<vmem>>, vector<1x1x8x512xf32>
    %get3A_1647 = vector.shape_cast %get3A_1646 : vector<1x1x8x512xf32> to vector<8x512xf32>
    %eq3A_1648 = arith.constant 10 : i32
    %eq3A_1649 = vector.broadcast %eq3A_1648 : i32 to vector<8x512xi32>
    %eq3A_1650 = arith.cmpi eq, %slice3A, %eq3A_1649 : vector<8x512xi32>
    %and3A_1651 = arith.andi %slice3A_1532, %eq3A_1650 : vector<8x512xi1>
    %select_n3A_1652 = arith.select %and3A_1651, %get3A_1647, %select_n3A_1641 : vector<8x512xi1>, vector<8x512xf32>
    %get3A_1653 = arith.constant 0 : index
    %get3A_1654 = arith.index_cast %convert_element_type3A_1513 : i32 to index
    %get3A_1655 = arith.constant 0 : index
    %get3A_1656 = arith.constant 0 : index
    %get3A_1657 = vector.load %arg3[%get3A_1653, %get3A_1654, %get3A_1655, %get3A_1656] : memref<1x81x8x4096xf32, #tpu.memory_space<vmem>>, vector<1x1x8x512xf32>
    %get3A_1658 = vector.shape_cast %get3A_1657 : vector<1x1x8x512xf32> to vector<8x512xf32>
    %eq3A_1659 = arith.constant 11 : i32
    %eq3A_1660 = vector.broadcast %eq3A_1659 : i32 to vector<8x512xi32>
    %eq3A_1661 = arith.cmpi eq, %slice3A, %eq3A_1660 : vector<8x512xi32>
    %and3A_1662 = arith.andi %slice3A_1532, %eq3A_1661 : vector<8x512xi1>
    %select_n3A_1663 = arith.select %and3A_1662, %get3A_1658, %select_n3A_1652 : vector<8x512xi1>, vector<8x512xf32>
    %get3A_1664 = arith.constant 0 : index
    %get3A_1665 = arith.index_cast %convert_element_type3A_1514 : i32 to index
    %get3A_1666 = arith.constant 0 : index
    %get3A_1667 = arith.constant 0 : index
    %get3A_1668 = vector.load %arg3[%get3A_1664, %get3A_1665, %get3A_1666, %get3A_1667] : memref<1x81x8x4096xf32, #tpu.memory_space<vmem>>, vector<1x1x8x512xf32>
    %get3A_1669 = vector.shape_cast %get3A_1668 : vector<1x1x8x512xf32> to vector<8x512xf32>
    %eq3A_1670 = arith.constant 12 : i32
    %eq3A_1671 = vector.broadcast %eq3A_1670 : i32 to vector<8x512xi32>
    %eq3A_1672 = arith.cmpi eq, %slice3A, %eq3A_1671 : vector<8x512xi32>
    %and3A_1673 = arith.andi %slice3A_1532, %eq3A_1672 : vector<8x512xi1>
    %select_n3A_1674 = arith.select %and3A_1673, %get3A_1669, %select_n3A_1663 : vector<8x512xi1>, vector<8x512xf32>
    %get3A_1675 = arith.constant 0 : index
    %get3A_1676 = arith.index_cast %convert_element_type3A_1515 : i32 to index
    %get3A_1677 = arith.constant 0 : index
    %get3A_1678 = arith.constant 0 : index
    %get3A_1679 = vector.load %arg3[%get3A_1675, %get3A_1676, %get3A_1677, %get3A_1678] : memref<1x81x8x4096xf32, #tpu.memory_space<vmem>>, vector<1x1x8x512xf32>
    %get3A_1680 = vector.shape_cast %get3A_1679 : vector<1x1x8x512xf32> to vector<8x512xf32>
    %eq3A_1681 = arith.constant 13 : i32
    %eq3A_1682 = vector.broadcast %eq3A_1681 : i32 to vector<8x512xi32>
    %eq3A_1683 = arith.cmpi eq, %slice3A, %eq3A_1682 : vector<8x512xi32>
    %and3A_1684 = arith.andi %slice3A_1532, %eq3A_1683 : vector<8x512xi1>
    %select_n3A_1685 = arith.select %and3A_1684, %get3A_1680, %select_n3A_1674 : vector<8x512xi1>, vector<8x512xf32>
    %get3A_1686 = arith.constant 0 : index
    %get3A_1687 = arith.index_cast %convert_element_type3A_1516 : i32 to index
    %get3A_1688 = arith.constant 0 : index
    %get3A_1689 = arith.constant 0 : index
    %get3A_1690 = vector.load %arg3[%get3A_1686, %get3A_1687, %get3A_1688, %get3A_1689] : memref<1x81x8x4096xf32, #tpu.memory_space<vmem>>, vector<1x1x8x512xf32>
    %get3A_1691 = vector.shape_cast %get3A_1690 : vector<1x1x8x512xf32> to vector<8x512xf32>
    %eq3A_1692 = arith.constant 14 : i32
    %eq3A_1693 = vector.broadcast %eq3A_1692 : i32 to vector<8x512xi32>
    %eq3A_1694 = arith.cmpi eq, %slice3A, %eq3A_1693 : vector<8x512xi32>
    %and3A_1695 = arith.andi %slice3A_1532, %eq3A_1694 : vector<8x512xi1>
    %select_n3A_1696 = arith.select %and3A_1695, %get3A_1691, %select_n3A_1685 : vector<8x512xi1>, vector<8x512xf32>
    %get3A_1697 = arith.constant 0 : index
    %get3A_1698 = arith.index_cast %convert_element_type3A_1517 : i32 to index
    %get3A_1699 = arith.constant 0 : index
    %get3A_1700 = arith.constant 0 : index
    %get3A_1701 = vector.load %arg3[%get3A_1697, %get3A_1698, %get3A_1699, %get3A_1700] : memref<1x81x8x4096xf32, #tpu.memory_space<vmem>>, vector<1x1x8x512xf32>
    %get3A_1702 = vector.shape_cast %get3A_1701 : vector<1x1x8x512xf32> to vector<8x512xf32>
    %eq3A_1703 = arith.constant 15 : i32
    %eq3A_1704 = vector.broadcast %eq3A_1703 : i32 to vector<8x512xi32>
    %eq3A_1705 = arith.cmpi eq, %slice3A, %eq3A_1704 : vector<8x512xi32>
    %and3A_1706 = arith.andi %slice3A_1532, %eq3A_1705 : vector<8x512xi1>
    %select_n3A_1707 = arith.select %and3A_1706, %get3A_1702, %select_n3A_1696 : vector<8x512xi1>, vector<8x512xf32>
    %log3A_1708 = math.log %reduce_sum3A_1525 : vector<8x512xf32>
    %sub3A_1709 = arith.subf %log3A_1708, %select_n3A_1707 : vector<8x512xf32>
    %get3A_1710 = arith.constant 0 : index
    %get3A_1711 = arith.constant 0 : index
    %get3A_1712 = arith.constant 0 : index
    %get3A_1713 = arith.constant 512 : index
    %get3A_1714 = vector.load %arg3[%get3A_1710, %get3A_1711, %get3A_1712, %get3A_1713] : memref<1x81x8x4096xf32, #tpu.memory_space<vmem>>, vector<1x81x8x512xf32>
    %get3A_1715 = vector.shape_cast %get3A_1714 : vector<1x81x8x512xf32> to vector<81x8x512xf32>
    %exp3A_1716 = math.exp %get3A_1715 : vector<81x8x512xf32>
    %reduce_sum3A_1717 = arith.constant dense<0.000000e+00> : vector<8x512xf32>
    %reduce_sum3A_1718 = vector.multi_reduction <add>, %exp3A_1716, %reduce_sum3A_1717 [0] : vector<81x8x512xf32> to vector<8x512xf32>
    %get3A_1719 = arith.constant 0 : index
    %get3A_1720 = arith.constant 0 : index
    %get3A_1721 = arith.constant 0 : index
    %get3A_1722 = arith.constant 512 : index
    %get3A_1723 = vector.load %arg3[%get3A_1719, %get3A_1720, %get3A_1721, %get3A_1722] : memref<1x81x8x4096xf32, #tpu.memory_space<vmem>>, vector<1x1x8x512xf32>
    %get3A_1724 = vector.shape_cast %get3A_1723 : vector<1x1x8x512xf32> to vector<8x512xf32>
    %slice3A_1725 = vector.extract_strided_slice %select_n3A_1212 {offsets = [0, 512], sizes = [8, 512], strides = [1, 1]} : vector<8x4096xi32> to vector<8x512xi32>
    %slice3A_1726 = vector.extract_strided_slice %gt3A_1442 {offsets = [0, 512], sizes = [8, 512], strides = [1, 1]} : vector<8x4096xi1> to vector<8x512xi1>
    %get3A_1727 = arith.constant 0 : index
    %get3A_1728 = arith.index_cast %convert_element_type3A_1502 : i32 to index
    %get3A_1729 = arith.constant 0 : index
    %get3A_1730 = arith.constant 512 : index
    %get3A_1731 = vector.load %arg3[%get3A_1727, %get3A_1728, %get3A_1729, %get3A_1730] : memref<1x81x8x4096xf32, #tpu.memory_space<vmem>>, vector<1x1x8x512xf32>
    %get3A_1732 = vector.shape_cast %get3A_1731 : vector<1x1x8x512xf32> to vector<8x512xf32>
    %eq3A_1733 = arith.constant 0 : i32
    %eq3A_1734 = vector.broadcast %eq3A_1733 : i32 to vector<8x512xi32>
    %eq3A_1735 = arith.cmpi eq, %slice3A_1725, %eq3A_1734 : vector<8x512xi32>
    %and3A_1736 = arith.andi %slice3A_1726, %eq3A_1735 : vector<8x512xi1>
    %select_n3A_1737 = arith.select %and3A_1736, %get3A_1732, %get3A_1724 : vector<8x512xi1>, vector<8x512xf32>
    %get3A_1738 = arith.constant 0 : index
    %get3A_1739 = arith.index_cast %convert_element_type3A_1503 : i32 to index
    %get3A_1740 = arith.constant 0 : index
    %get3A_1741 = arith.constant 512 : index
    %get3A_1742 = vector.load %arg3[%get3A_1738, %get3A_1739, %get3A_1740, %get3A_1741] : memref<1x81x8x4096xf32, #tpu.memory_space<vmem>>, vector<1x1x8x512xf32>
    %get3A_1743 = vector.shape_cast %get3A_1742 : vector<1x1x8x512xf32> to vector<8x512xf32>
    %eq3A_1744 = arith.constant 1 : i32
    %eq3A_1745 = vector.broadcast %eq3A_1744 : i32 to vector<8x512xi32>
    %eq3A_1746 = arith.cmpi eq, %slice3A_1725, %eq3A_1745 : vector<8x512xi32>
    %and3A_1747 = arith.andi %slice3A_1726, %eq3A_1746 : vector<8x512xi1>
    %select_n3A_1748 = arith.select %and3A_1747, %get3A_1743, %select_n3A_1737 : vector<8x512xi1>, vector<8x512xf32>
    %get3A_1749 = arith.constant 0 : index
    %get3A_1750 = arith.index_cast %convert_element_type3A_1504 : i32 to index
    %get3A_1751 = arith.constant 0 : index
    %get3A_1752 = arith.constant 512 : index
    %get3A_1753 = vector.load %arg3[%get3A_1749, %get3A_1750, %get3A_1751, %get3A_1752] : memref<1x81x8x4096xf32, #tpu.memory_space<vmem>>, vector<1x1x8x512xf32>
    %get3A_1754 = vector.shape_cast %get3A_1753 : vector<1x1x8x512xf32> to vector<8x512xf32>
    %eq3A_1755 = arith.constant 2 : i32
    %eq3A_1756 = vector.broadcast %eq3A_1755 : i32 to vector<8x512xi32>
    %eq3A_1757 = arith.cmpi eq, %slice3A_1725, %eq3A_1756 : vector<8x512xi32>
    %and3A_1758 = arith.andi %slice3A_1726, %eq3A_1757 : vector<8x512xi1>
    %select_n3A_1759 = arith.select %and3A_1758, %get3A_1754, %select_n3A_1748 : vector<8x512xi1>, vector<8x512xf32>
    %get3A_1760 = arith.constant 0 : index
    %get3A_1761 = arith.index_cast %convert_element_type3A_1505 : i32 to index
    %get3A_1762 = arith.constant 0 : index
    %get3A_1763 = arith.constant 512 : index
    %get3A_1764 = vector.load %arg3[%get3A_1760, %get3A_1761, %get3A_1762, %get3A_1763] : memref<1x81x8x4096xf32, #tpu.memory_space<vmem>>, vector<1x1x8x512xf32>
    %get3A_1765 = vector.shape_cast %get3A_1764 : vector<1x1x8x512xf32> to vector<8x512xf32>
    %eq3A_1766 = arith.constant 3 : i32
    %eq3A_1767 = vector.broadcast %eq3A_1766 : i32 to vector<8x512xi32>
    %eq3A_1768 = arith.cmpi eq, %slice3A_1725, %eq3A_1767 : vector<8x512xi32>
    %and3A_1769 = arith.andi %slice3A_1726, %eq3A_1768 : vector<8x512xi1>
    %select_n3A_1770 = arith.select %and3A_1769, %get3A_1765, %select_n3A_1759 : vector<8x512xi1>, vector<8x512xf32>
    %get3A_1771 = arith.constant 0 : index
    %get3A_1772 = arith.index_cast %convert_element_type3A_1506 : i32 to index
    %get3A_1773 = arith.constant 0 : index
    %get3A_1774 = arith.constant 512 : index
    %get3A_1775 = vector.load %arg3[%get3A_1771, %get3A_1772, %get3A_1773, %get3A_1774] : memref<1x81x8x4096xf32, #tpu.memory_space<vmem>>, vector<1x1x8x512xf32>
    %get3A_1776 = vector.shape_cast %get3A_1775 : vector<1x1x8x512xf32> to vector<8x512xf32>
    %eq3A_1777 = arith.constant 4 : i32
    %eq3A_1778 = vector.broadcast %eq3A_1777 : i32 to vector<8x512xi32>
    %eq3A_1779 = arith.cmpi eq, %slice3A_1725, %eq3A_1778 : vector<8x512xi32>
    %and3A_1780 = arith.andi %slice3A_1726, %eq3A_1779 : vector<8x512xi1>
    %select_n3A_1781 = arith.select %and3A_1780, %get3A_1776, %select_n3A_1770 : vector<8x512xi1>, vector<8x512xf32>
    %get3A_1782 = arith.constant 0 : index
    %get3A_1783 = arith.index_cast %convert_element_type3A_1507 : i32 to index
    %get3A_1784 = arith.constant 0 : index
    %get3A_1785 = arith.constant 512 : index
    %get3A_1786 = vector.load %arg3[%get3A_1782, %get3A_1783, %get3A_1784, %get3A_1785] : memref<1x81x8x4096xf32, #tpu.memory_space<vmem>>, vector<1x1x8x512xf32>
    %get3A_1787 = vector.shape_cast %get3A_1786 : vector<1x1x8x512xf32> to vector<8x512xf32>
    %eq3A_1788 = arith.constant 5 : i32
    %eq3A_1789 = vector.broadcast %eq3A_1788 : i32 to vector<8x512xi32>
    %eq3A_1790 = arith.cmpi eq, %slice3A_1725, %eq3A_1789 : vector<8x512xi32>
    %and3A_1791 = arith.andi %slice3A_1726, %eq3A_1790 : vector<8x512xi1>
    %select_n3A_1792 = arith.select %and3A_1791, %get3A_1787, %select_n3A_1781 : vector<8x512xi1>, vector<8x512xf32>
    %get3A_1793 = arith.constant 0 : index
    %get3A_1794 = arith.index_cast %convert_element_type3A_1508 : i32 to index
    %get3A_1795 = arith.constant 0 : index
    %get3A_1796 = arith.constant 512 : index
    %get3A_1797 = vector.load %arg3[%get3A_1793, %get3A_1794, %get3A_1795, %get3A_1796] : memref<1x81x8x4096xf32, #tpu.memory_space<vmem>>, vector<1x1x8x512xf32>
    %get3A_1798 = vector.shape_cast %get3A_1797 : vector<1x1x8x512xf32> to vector<8x512xf32>
    %eq3A_1799 = arith.constant 6 : i32
    %eq3A_1800 = vector.broadcast %eq3A_1799 : i32 to vector<8x512xi32>
    %eq3A_1801 = arith.cmpi eq, %slice3A_1725, %eq3A_1800 : vector<8x512xi32>
    %and3A_1802 = arith.andi %slice3A_1726, %eq3A_1801 : vector<8x512xi1>
    %select_n3A_1803 = arith.select %and3A_1802, %get3A_1798, %select_n3A_1792 : vector<8x512xi1>, vector<8x512xf32>
    %get3A_1804 = arith.constant 0 : index
    %get3A_1805 = arith.index_cast %convert_element_type3A_1509 : i32 to index
    %get3A_1806 = arith.constant 0 : index
    %get3A_1807 = arith.constant 512 : index
    %get3A_1808 = vector.load %arg3[%get3A_1804, %get3A_1805, %get3A_1806, %get3A_1807] : memref<1x81x8x4096xf32, #tpu.memory_space<vmem>>, vector<1x1x8x512xf32>
    %get3A_1809 = vector.shape_cast %get3A_1808 : vector<1x1x8x512xf32> to vector<8x512xf32>
    %eq3A_1810 = arith.constant 7 : i32
    %eq3A_1811 = vector.broadcast %eq3A_1810 : i32 to vector<8x512xi32>
    %eq3A_1812 = arith.cmpi eq, %slice3A_1725, %eq3A_1811 : vector<8x512xi32>
    %and3A_1813 = arith.andi %slice3A_1726, %eq3A_1812 : vector<8x512xi1>
    %select_n3A_1814 = arith.select %and3A_1813, %get3A_1809, %select_n3A_1803 : vector<8x512xi1>, vector<8x512xf32>
    %get3A_1815 = arith.constant 0 : index
    %get3A_1816 = arith.index_cast %convert_element_type3A_1510 : i32 to index
    %get3A_1817 = arith.constant 0 : index
    %get3A_1818 = arith.constant 512 : index
    %get3A_1819 = vector.load %arg3[%get3A_1815, %get3A_1816, %get3A_1817, %get3A_1818] : memref<1x81x8x4096xf32, #tpu.memory_space<vmem>>, vector<1x1x8x512xf32>
    %get3A_1820 = vector.shape_cast %get3A_1819 : vector<1x1x8x512xf32> to vector<8x512xf32>
    %eq3A_1821 = arith.constant 8 : i32
    %eq3A_1822 = vector.broadcast %eq3A_1821 : i32 to vector<8x512xi32>
    %eq3A_1823 = arith.cmpi eq, %slice3A_1725, %eq3A_1822 : vector<8x512xi32>
    %and3A_1824 = arith.andi %slice3A_1726, %eq3A_1823 : vector<8x512xi1>
    %select_n3A_1825 = arith.select %and3A_1824, %get3A_1820, %select_n3A_1814 : vector<8x512xi1>, vector<8x512xf32>
    %get3A_1826 = arith.constant 0 : index
    %get3A_1827 = arith.index_cast %convert_element_type3A_1511 : i32 to index
    %get3A_1828 = arith.constant 0 : index
    %get3A_1829 = arith.constant 512 : index
    %get3A_1830 = vector.load %arg3[%get3A_1826, %get3A_1827, %get3A_1828, %get3A_1829] : memref<1x81x8x4096xf32, #tpu.memory_space<vmem>>, vector<1x1x8x512xf32>
    %get3A_1831 = vector.shape_cast %get3A_1830 : vector<1x1x8x512xf32> to vector<8x512xf32>
    %eq3A_1832 = arith.constant 9 : i32
    %eq3A_1833 = vector.broadcast %eq3A_1832 : i32 to vector<8x512xi32>
    %eq3A_1834 = arith.cmpi eq, %slice3A_1725, %eq3A_1833 : vector<8x512xi32>
    %and3A_1835 = arith.andi %slice3A_1726, %eq3A_1834 : vector<8x512xi1>
    %select_n3A_1836 = arith.select %and3A_1835, %get3A_1831, %select_n3A_1825 : vector<8x512xi1>, vector<8x512xf32>
    %get3A_1837 = arith.constant 0 : index
    %get3A_1838 = arith.index_cast %convert_element_type3A_1512 : i32 to index
    %get3A_1839 = arith.constant 0 : index
    %get3A_1840 = arith.constant 512 : index
    %get3A_1841 = vector.load %arg3[%get3A_1837, %get3A_1838, %get3A_1839, %get3A_1840] : memref<1x81x8x4096xf32, #tpu.memory_space<vmem>>, vector<1x1x8x512xf32>
    %get3A_1842 = vector.shape_cast %get3A_1841 : vector<1x1x8x512xf32> to vector<8x512xf32>
    %eq3A_1843 = arith.constant 10 : i32
    %eq3A_1844 = vector.broadcast %eq3A_1843 : i32 to vector<8x512xi32>
    %eq3A_1845 = arith.cmpi eq, %slice3A_1725, %eq3A_1844 : vector<8x512xi32>
    %and3A_1846 = arith.andi %slice3A_1726, %eq3A_1845 : vector<8x512xi1>
    %select_n3A_1847 = arith.select %and3A_1846, %get3A_1842, %select_n3A_1836 : vector<8x512xi1>, vector<8x512xf32>
    %get3A_1848 = arith.constant 0 : index
    %get3A_1849 = arith.index_cast %convert_element_type3A_1513 : i32 to index
    %get3A_1850 = arith.constant 0 : index
    %get3A_1851 = arith.constant 512 : index
    %get3A_1852 = vector.load %arg3[%get3A_1848, %get3A_1849, %get3A_1850, %get3A_1851] : memref<1x81x8x4096xf32, #tpu.memory_space<vmem>>, vector<1x1x8x512xf32>
    %get3A_1853 = vector.shape_cast %get3A_1852 : vector<1x1x8x512xf32> to vector<8x512xf32>
    %eq3A_1854 = arith.constant 11 : i32
    %eq3A_1855 = vector.broadcast %eq3A_1854 : i32 to vector<8x512xi32>
    %eq3A_1856 = arith.cmpi eq, %slice3A_1725, %eq3A_1855 : vector<8x512xi32>
    %and3A_1857 = arith.andi %slice3A_1726, %eq3A_1856 : vector<8x512xi1>
    %select_n3A_1858 = arith.select %and3A_1857, %get3A_1853, %select_n3A_1847 : vector<8x512xi1>, vector<8x512xf32>
    %get3A_1859 = arith.constant 0 : index
    %get3A_1860 = arith.index_cast %convert_element_type3A_1514 : i32 to index
    %get3A_1861 = arith.constant 0 : index
    %get3A_1862 = arith.constant 512 : index
    %get3A_1863 = vector.load %arg3[%get3A_1859, %get3A_1860, %get3A_1861, %get3A_1862] : memref<1x81x8x4096xf32, #tpu.memory_space<vmem>>, vector<1x1x8x512xf32>
    %get3A_1864 = vector.shape_cast %get3A_1863 : vector<1x1x8x512xf32> to vector<8x512xf32>
    %eq3A_1865 = arith.constant 12 : i32
    %eq3A_1866 = vector.broadcast %eq3A_1865 : i32 to vector<8x512xi32>
    %eq3A_1867 = arith.cmpi eq, %slice3A_1725, %eq3A_1866 : vector<8x512xi32>
    %and3A_1868 = arith.andi %slice3A_1726, %eq3A_1867 : vector<8x512xi1>
    %select_n3A_1869 = arith.select %and3A_1868, %get3A_1864, %select_n3A_1858 : vector<8x512xi1>, vector<8x512xf32>
    %get3A_1870 = arith.constant 0 : index
    %get3A_1871 = arith.index_cast %convert_element_type3A_1515 : i32 to index
    %get3A_1872 = arith.constant 0 : index
    %get3A_1873 = arith.constant 512 : index
    %get3A_1874 = vector.load %arg3[%get3A_1870, %get3A_1871, %get3A_1872, %get3A_1873] : memref<1x81x8x4096xf32, #tpu.memory_space<vmem>>, vector<1x1x8x512xf32>
    %get3A_1875 = vector.shape_cast %get3A_1874 : vector<1x1x8x512xf32> to vector<8x512xf32>
    %eq3A_1876 = arith.constant 13 : i32
    %eq3A_1877 = vector.broadcast %eq3A_1876 : i32 to vector<8x512xi32>
    %eq3A_1878 = arith.cmpi eq, %slice3A_1725, %eq3A_1877 : vector<8x512xi32>
    %and3A_1879 = arith.andi %slice3A_1726, %eq3A_1878 : vector<8x512xi1>
    %select_n3A_1880 = arith.select %and3A_1879, %get3A_1875, %select_n3A_1869 : vector<8x512xi1>, vector<8x512xf32>
    %get3A_1881 = arith.constant 0 : index
    %get3A_1882 = arith.index_cast %convert_element_type3A_1516 : i32 to index
    %get3A_1883 = arith.constant 0 : index
    %get3A_1884 = arith.constant 512 : index
    %get3A_1885 = vector.load %arg3[%get3A_1881, %get3A_1882, %get3A_1883, %get3A_1884] : memref<1x81x8x4096xf32, #tpu.memory_space<vmem>>, vector<1x1x8x512xf32>
    %get3A_1886 = vector.shape_cast %get3A_1885 : vector<1x1x8x512xf32> to vector<8x512xf32>
    %eq3A_1887 = arith.constant 14 : i32
    %eq3A_1888 = vector.broadcast %eq3A_1887 : i32 to vector<8x512xi32>
    %eq3A_1889 = arith.cmpi eq, %slice3A_1725, %eq3A_1888 : vector<8x512xi32>
    %and3A_1890 = arith.andi %slice3A_1726, %eq3A_1889 : vector<8x512xi1>
    %select_n3A_1891 = arith.select %and3A_1890, %get3A_1886, %select_n3A_1880 : vector<8x512xi1>, vector<8x512xf32>
    %get3A_1892 = arith.constant 0 : index
    %get3A_1893 = arith.index_cast %convert_element_type3A_1517 : i32 to index
    %get3A_1894 = arith.constant 0 : index
    %get3A_1895 = arith.constant 512 : index
    %get3A_1896 = vector.load %arg3[%get3A_1892, %get3A_1893, %get3A_1894, %get3A_1895] : memref<1x81x8x4096xf32, #tpu.memory_space<vmem>>, vector<1x1x8x512xf32>
    %get3A_1897 = vector.shape_cast %get3A_1896 : vector<1x1x8x512xf32> to vector<8x512xf32>
    %eq3A_1898 = arith.constant 15 : i32
    %eq3A_1899 = vector.broadcast %eq3A_1898 : i32 to vector<8x512xi32>
    %eq3A_1900 = arith.cmpi eq, %slice3A_1725, %eq3A_1899 : vector<8x512xi32>
    %and3A_1901 = arith.andi %slice3A_1726, %eq3A_1900 : vector<8x512xi1>
    %select_n3A_1902 = arith.select %and3A_1901, %get3A_1897, %select_n3A_1891 : vector<8x512xi1>, vector<8x512xf32>
    %log3A_1903 = math.log %reduce_sum3A_1718 : vector<8x512xf32>
    %sub3A_1904 = arith.subf %log3A_1903, %select_n3A_1902 : vector<8x512xf32>
    %get3A_1905 = arith.constant 0 : index
    %get3A_1906 = arith.constant 0 : index
    %get3A_1907 = arith.constant 0 : index
    %get3A_1908 = arith.constant 1024 : index
    %get3A_1909 = vector.load %arg3[%get3A_1905, %get3A_1906, %get3A_1907, %get3A_1908] : memref<1x81x8x4096xf32, #tpu.memory_space<vmem>>, vector<1x81x8x512xf32>
    %get3A_1910 = vector.shape_cast %get3A_1909 : vector<1x81x8x512xf32> to vector<81x8x512xf32>
    %exp3A_1911 = math.exp %get3A_1910 : vector<81x8x512xf32>
    %reduce_sum3A_1912 = arith.constant dense<0.000000e+00> : vector<8x512xf32>
    %reduce_sum3A_1913 = vector.multi_reduction <add>, %exp3A_1911, %reduce_sum3A_1912 [0] : vector<81x8x512xf32> to vector<8x512xf32>
    %get3A_1914 = arith.constant 0 : index
    %get3A_1915 = arith.constant 0 : index
    %get3A_1916 = arith.constant 0 : index
    %get3A_1917 = arith.constant 1024 : index
    %get3A_1918 = vector.load %arg3[%get3A_1914, %get3A_1915, %get3A_1916, %get3A_1917] : memref<1x81x8x4096xf32, #tpu.memory_space<vmem>>, vector<1x1x8x512xf32>
    %get3A_1919 = vector.shape_cast %get3A_1918 : vector<1x1x8x512xf32> to vector<8x512xf32>
    %slice3A_1920 = vector.extract_strided_slice %select_n3A_1212 {offsets = [0, 1024], sizes = [8, 512], strides = [1, 1]} : vector<8x4096xi32> to vector<8x512xi32>
    %slice3A_1921 = vector.extract_strided_slice %gt3A_1442 {offsets = [0, 1024], sizes = [8, 512], strides = [1, 1]} : vector<8x4096xi1> to vector<8x512xi1>
    %get3A_1922 = arith.constant 0 : index
    %get3A_1923 = arith.index_cast %convert_element_type3A_1502 : i32 to index
    %get3A_1924 = arith.constant 0 : index
    %get3A_1925 = arith.constant 1024 : index
    %get3A_1926 = vector.load %arg3[%get3A_1922, %get3A_1923, %get3A_1924, %get3A_1925] : memref<1x81x8x4096xf32, #tpu.memory_space<vmem>>, vector<1x1x8x512xf32>
    %get3A_1927 = vector.shape_cast %get3A_1926 : vector<1x1x8x512xf32> to vector<8x512xf32>
    %eq3A_1928 = arith.constant 0 : i32
    %eq3A_1929 = vector.broadcast %eq3A_1928 : i32 to vector<8x512xi32>
    %eq3A_1930 = arith.cmpi eq, %slice3A_1920, %eq3A_1929 : vector<8x512xi32>
    %and3A_1931 = arith.andi %slice3A_1921, %eq3A_1930 : vector<8x512xi1>
    %select_n3A_1932 = arith.select %and3A_1931, %get3A_1927, %get3A_1919 : vector<8x512xi1>, vector<8x512xf32>
    %get3A_1933 = arith.constant 0 : index
    %get3A_1934 = arith.index_cast %convert_element_type3A_1503 : i32 to index
    %get3A_1935 = arith.constant 0 : index
    %get3A_1936 = arith.constant 1024 : index
    %get3A_1937 = vector.load %arg3[%get3A_1933, %get3A_1934, %get3A_1935, %get3A_1936] : memref<1x81x8x4096xf32, #tpu.memory_space<vmem>>, vector<1x1x8x512xf32>
    %get3A_1938 = vector.shape_cast %get3A_1937 : vector<1x1x8x512xf32> to vector<8x512xf32>
    %eq3A_1939 = arith.constant 1 : i32
    %eq3A_1940 = vector.broadcast %eq3A_1939 : i32 to vector<8x512xi32>
    %eq3A_1941 = arith.cmpi eq, %slice3A_1920, %eq3A_1940 : vector<8x512xi32>
    %and3A_1942 = arith.andi %slice3A_1921, %eq3A_1941 : vector<8x512xi1>
    %select_n3A_1943 = arith.select %and3A_1942, %get3A_1938, %select_n3A_1932 : vector<8x512xi1>, vector<8x512xf32>
    %get3A_1944 = arith.constant 0 : index
    %get3A_1945 = arith.index_cast %convert_element_type3A_1504 : i32 to index
    %get3A_1946 = arith.constant 0 : index
    %get3A_1947 = arith.constant 1024 : index
    %get3A_1948 = vector.load %arg3[%get3A_1944, %get3A_1945, %get3A_1946, %get3A_1947] : memref<1x81x8x4096xf32, #tpu.memory_space<vmem>>, vector<1x1x8x512xf32>
    %get3A_1949 = vector.shape_cast %get3A_1948 : vector<1x1x8x512xf32> to vector<8x512xf32>
    %eq3A_1950 = arith.constant 2 : i32
    %eq3A_1951 = vector.broadcast %eq3A_1950 : i32 to vector<8x512xi32>
    %eq3A_1952 = arith.cmpi eq, %slice3A_1920, %eq3A_1951 : vector<8x512xi32>
    %and3A_1953 = arith.andi %slice3A_1921, %eq3A_1952 : vector<8x512xi1>
    %select_n3A_1954 = arith.select %and3A_1953, %get3A_1949, %select_n3A_1943 : vector<8x512xi1>, vector<8x512xf32>
    %get3A_1955 = arith.constant 0 : index
    %get3A_1956 = arith.index_cast %convert_element_type3A_1505 : i32 to index
    %get3A_1957 = arith.constant 0 : index
    %get3A_1958 = arith.constant 1024 : index
    %get3A_1959 = vector.load %arg3[%get3A_1955, %get3A_1956, %get3A_1957, %get3A_1958] : memref<1x81x8x4096xf32, #tpu.memory_space<vmem>>, vector<1x1x8x512xf32>
    %get3A_1960 = vector.shape_cast %get3A_1959 : vector<1x1x8x512xf32> to vector<8x512xf32>
    %eq3A_1961 = arith.constant 3 : i32
    %eq3A_1962 = vector.broadcast %eq3A_1961 : i32 to vector<8x512xi32>
    %eq3A_1963 = arith.cmpi eq, %slice3A_1920, %eq3A_1962 : vector<8x512xi32>
    %and3A_1964 = arith.andi %slice3A_1921, %eq3A_1963 : vector<8x512xi1>
    %select_n3A_1965 = arith.select %and3A_1964, %get3A_1960, %select_n3A_1954 : vector<8x512xi1>, vector<8x512xf32>
    %get3A_1966 = arith.constant 0 : index
    %get3A_1967 = arith.index_cast %convert_element_type3A_1506 : i32 to index
    %get3A_1968 = arith.constant 0 : index
    %get3A_1969 = arith.constant 1024 : index
    %get3A_1970 = vector.load %arg3[%get3A_1966, %get3A_1967, %get3A_1968, %get3A_1969] : memref<1x81x8x4096xf32, #tpu.memory_space<vmem>>, vector<1x1x8x512xf32>
    %get3A_1971 = vector.shape_cast %get3A_1970 : vector<1x1x8x512xf32> to vector<8x512xf32>
    %eq3A_1972 = arith.constant 4 : i32
    %eq3A_1973 = vector.broadcast %eq3A_1972 : i32 to vector<8x512xi32>
    %eq3A_1974 = arith.cmpi eq, %slice3A_1920, %eq3A_1973 : vector<8x512xi32>
    %and3A_1975 = arith.andi %slice3A_1921, %eq3A_1974 : vector<8x512xi1>
    %select_n3A_1976 = arith.select %and3A_1975, %get3A_1971, %select_n3A_1965 : vector<8x512xi1>, vector<8x512xf32>
    %get3A_1977 = arith.constant 0 : index
    %get3A_1978 = arith.index_cast %convert_element_type3A_1507 : i32 to index
    %get3A_1979 = arith.constant 0 : index
    %get3A_1980 = arith.constant 1024 : index
    %get3A_1981 = vector.load %arg3[%get3A_1977, %get3A_1978, %get3A_1979, %get3A_1980] : memref<1x81x8x4096xf32, #tpu.memory_space<vmem>>, vector<1x1x8x512xf32>
    %get3A_1982 = vector.shape_cast %get3A_1981 : vector<1x1x8x512xf32> to vector<8x512xf32>
    %eq3A_1983 = arith.constant 5 : i32
    %eq3A_1984 = vector.broadcast %eq3A_1983 : i32 to vector<8x512xi32>
    %eq3A_1985 = arith.cmpi eq, %slice3A_1920, %eq3A_1984 : vector<8x512xi32>
    %and3A_1986 = arith.andi %slice3A_1921, %eq3A_1985 : vector<8x512xi1>
    %select_n3A_1987 = arith.select %and3A_1986, %get3A_1982, %select_n3A_1976 : vector<8x512xi1>, vector<8x512xf32>
    %get3A_1988 = arith.constant 0 : index
    %get3A_1989 = arith.index_cast %convert_element_type3A_1508 : i32 to index
    %get3A_1990 = arith.constant 0 : index
    %get3A_1991 = arith.constant 1024 : index
    %get3A_1992 = vector.load %arg3[%get3A_1988, %get3A_1989, %get3A_1990, %get3A_1991] : memref<1x81x8x4096xf32, #tpu.memory_space<vmem>>, vector<1x1x8x512xf32>
    %get3A_1993 = vector.shape_cast %get3A_1992 : vector<1x1x8x512xf32> to vector<8x512xf32>
    %eq3A_1994 = arith.constant 6 : i32
    %eq3A_1995 = vector.broadcast %eq3A_1994 : i32 to vector<8x512xi32>
    %eq3A_1996 = arith.cmpi eq, %slice3A_1920, %eq3A_1995 : vector<8x512xi32>
    %and3A_1997 = arith.andi %slice3A_1921, %eq3A_1996 : vector<8x512xi1>
    %select_n3A_1998 = arith.select %and3A_1997, %get3A_1993, %select_n3A_1987 : vector<8x512xi1>, vector<8x512xf32>
    %get3A_1999 = arith.constant 0 : index
    %get3A_2000 = arith.index_cast %convert_element_type3A_1509 : i32 to index
    %get3A_2001 = arith.constant 0 : index
    %get3A_2002 = arith.constant 1024 : index
    %get3A_2003 = vector.load %arg3[%get3A_1999, %get3A_2000, %get3A_2001, %get3A_2002] : memref<1x81x8x4096xf32, #tpu.memory_space<vmem>>, vector<1x1x8x512xf32>
    %get3A_2004 = vector.shape_cast %get3A_2003 : vector<1x1x8x512xf32> to vector<8x512xf32>
    %eq3A_2005 = arith.constant 7 : i32
    %eq3A_2006 = vector.broadcast %eq3A_2005 : i32 to vector<8x512xi32>
    %eq3A_2007 = arith.cmpi eq, %slice3A_1920, %eq3A_2006 : vector<8x512xi32>
    %and3A_2008 = arith.andi %slice3A_1921, %eq3A_2007 : vector<8x512xi1>
    %select_n3A_2009 = arith.select %and3A_2008, %get3A_2004, %select_n3A_1998 : vector<8x512xi1>, vector<8x512xf32>
    %get3A_2010 = arith.constant 0 : index
    %get3A_2011 = arith.index_cast %convert_element_type3A_1510 : i32 to index
    %get3A_2012 = arith.constant 0 : index
    %get3A_2013 = arith.constant 1024 : index
    %get3A_2014 = vector.load %arg3[%get3A_2010, %get3A_2011, %get3A_2012, %get3A_2013] : memref<1x81x8x4096xf32, #tpu.memory_space<vmem>>, vector<1x1x8x512xf32>
    %get3A_2015 = vector.shape_cast %get3A_2014 : vector<1x1x8x512xf32> to vector<8x512xf32>
    %eq3A_2016 = arith.constant 8 : i32
    %eq3A_2017 = vector.broadcast %eq3A_2016 : i32 to vector<8x512xi32>
    %eq3A_2018 = arith.cmpi eq, %slice3A_1920, %eq3A_2017 : vector<8x512xi32>
    %and3A_2019 = arith.andi %slice3A_1921, %eq3A_2018 : vector<8x512xi1>
    %select_n3A_2020 = arith.select %and3A_2019, %get3A_2015, %select_n3A_2009 : vector<8x512xi1>, vector<8x512xf32>
    %get3A_2021 = arith.constant 0 : index
    %get3A_2022 = arith.index_cast %convert_element_type3A_1511 : i32 to index
    %get3A_2023 = arith.constant 0 : index
    %get3A_2024 = arith.constant 1024 : index
    %get3A_2025 = vector.load %arg3[%get3A_2021, %get3A_2022, %get3A_2023, %get3A_2024] : memref<1x81x8x4096xf32, #tpu.memory_space<vmem>>, vector<1x1x8x512xf32>
    %get3A_2026 = vector.shape_cast %get3A_2025 : vector<1x1x8x512xf32> to vector<8x512xf32>
    %eq3A_2027 = arith.constant 9 : i32
    %eq3A_2028 = vector.broadcast %eq3A_2027 : i32 to vector<8x512xi32>
    %eq3A_2029 = arith.cmpi eq, %slice3A_1920, %eq3A_2028 : vector<8x512xi32>
    %and3A_2030 = arith.andi %slice3A_1921, %eq3A_2029 : vector<8x512xi1>
    %select_n3A_2031 = arith.select %and3A_2030, %get3A_2026, %select_n3A_2020 : vector<8x512xi1>, vector<8x512xf32>
    %get3A_2032 = arith.constant 0 : index
    %get3A_2033 = arith.index_cast %convert_element_type3A_1512 : i32 to index
    %get3A_2034 = arith.constant 0 : index
    %get3A_2035 = arith.constant 1024 : index
    %get3A_2036 = vector.load %arg3[%get3A_2032, %get3A_2033, %get3A_2034, %get3A_2035] : memref<1x81x8x4096xf32, #tpu.memory_space<vmem>>, vector<1x1x8x512xf32>
    %get3A_2037 = vector.shape_cast %get3A_2036 : vector<1x1x8x512xf32> to vector<8x512xf32>
    %eq3A_2038 = arith.constant 10 : i32
    %eq3A_2039 = vector.broadcast %eq3A_2038 : i32 to vector<8x512xi32>
    %eq3A_2040 = arith.cmpi eq, %slice3A_1920, %eq3A_2039 : vector<8x512xi32>
    %and3A_2041 = arith.andi %slice3A_1921, %eq3A_2040 : vector<8x512xi1>
    %select_n3A_2042 = arith.select %and3A_2041, %get3A_2037, %select_n3A_2031 : vector<8x512xi1>, vector<8x512xf32>
    %get3A_2043 = arith.constant 0 : index
    %get3A_2044 = arith.index_cast %convert_element_type3A_1513 : i32 to index
    %get3A_2045 = arith.constant 0 : index
    %get3A_2046 = arith.constant 1024 : index
    %get3A_2047 = vector.load %arg3[%get3A_2043, %get3A_2044, %get3A_2045, %get3A_2046] : memref<1x81x8x4096xf32, #tpu.memory_space<vmem>>, vector<1x1x8x512xf32>
    %get3A_2048 = vector.shape_cast %get3A_2047 : vector<1x1x8x512xf32> to vector<8x512xf32>
    %eq3A_2049 = arith.constant 11 : i32
    %eq3A_2050 = vector.broadcast %eq3A_2049 : i32 to vector<8x512xi32>
    %eq3A_2051 = arith.cmpi eq, %slice3A_1920, %eq3A_2050 : vector<8x512xi32>
    %and3A_2052 = arith.andi %slice3A_1921, %eq3A_2051 : vector<8x512xi1>
    %select_n3A_2053 = arith.select %and3A_2052, %get3A_2048, %select_n3A_2042 : vector<8x512xi1>, vector<8x512xf32>
    %get3A_2054 = arith.constant 0 : index
    %get3A_2055 = arith.index_cast %convert_element_type3A_1514 : i32 to index
    %get3A_2056 = arith.constant 0 : index
    %get3A_2057 = arith.constant 1024 : index
    %get3A_2058 = vector.load %arg3[%get3A_2054, %get3A_2055, %get3A_2056, %get3A_2057] : memref<1x81x8x4096xf32, #tpu.memory_space<vmem>>, vector<1x1x8x512xf32>
    %get3A_2059 = vector.shape_cast %get3A_2058 : vector<1x1x8x512xf32> to vector<8x512xf32>
    %eq3A_2060 = arith.constant 12 : i32
    %eq3A_2061 = vector.broadcast %eq3A_2060 : i32 to vector<8x512xi32>
    %eq3A_2062 = arith.cmpi eq, %slice3A_1920, %eq3A_2061 : vector<8x512xi32>
    %and3A_2063 = arith.andi %slice3A_1921, %eq3A_2062 : vector<8x512xi1>
    %select_n3A_2064 = arith.select %and3A_2063, %get3A_2059, %select_n3A_2053 : vector<8x512xi1>, vector<8x512xf32>
    %get3A_2065 = arith.constant 0 : index
    %get3A_2066 = arith.index_cast %convert_element_type3A_1515 : i32 to index
    %get3A_2067 = arith.constant 0 : index
    %get3A_2068 = arith.constant 1024 : index
    %get3A_2069 = vector.load %arg3[%get3A_2065, %get3A_2066, %get3A_2067, %get3A_2068] : memref<1x81x8x4096xf32, #tpu.memory_space<vmem>>, vector<1x1x8x512xf32>
    %get3A_2070 = vector.shape_cast %get3A_2069 : vector<1x1x8x512xf32> to vector<8x512xf32>
    %eq3A_2071 = arith.constant 13 : i32
    %eq3A_2072 = vector.broadcast %eq3A_2071 : i32 to vector<8x512xi32>
    %eq3A_2073 = arith.cmpi eq, %slice3A_1920, %eq3A_2072 : vector<8x512xi32>
    %and3A_2074 = arith.andi %slice3A_1921, %eq3A_2073 : vector<8x512xi1>
    %select_n3A_2075 = arith.select %and3A_2074, %get3A_2070, %select_n3A_2064 : vector<8x512xi1>, vector<8x512xf32>
    %get3A_2076 = arith.constant 0 : index
    %get3A_2077 = arith.index_cast %convert_element_type3A_1516 : i32 to index
    %get3A_2078 = arith.constant 0 : index
    %get3A_2079 = arith.constant 1024 : index
    %get3A_2080 = vector.load %arg3[%get3A_2076, %get3A_2077, %get3A_2078, %get3A_2079] : memref<1x81x8x4096xf32, #tpu.memory_space<vmem>>, vector<1x1x8x512xf32>
    %get3A_2081 = vector.shape_cast %get3A_2080 : vector<1x1x8x512xf32> to vector<8x512xf32>
    %eq3A_2082 = arith.constant 14 : i32
    %eq3A_2083 = vector.broadcast %eq3A_2082 : i32 to vector<8x512xi32>
    %eq3A_2084 = arith.cmpi eq, %slice3A_1920, %eq3A_2083 : vector<8x512xi32>
    %and3A_2085 = arith.andi %slice3A_1921, %eq3A_2084 : vector<8x512xi1>
    %select_n3A_2086 = arith.select %and3A_2085, %get3A_2081, %select_n3A_2075 : vector<8x512xi1>, vector<8x512xf32>
    %get3A_2087 = arith.constant 0 : index
    %get3A_2088 = arith.index_cast %convert_element_type3A_1517 : i32 to index
    %get3A_2089 = arith.constant 0 : index
    %get3A_2090 = arith.constant 1024 : index
    %get3A_2091 = vector.load %arg3[%get3A_2087, %get3A_2088, %get3A_2089, %get3A_2090] : memref<1x81x8x4096xf32, #tpu.memory_space<vmem>>, vector<1x1x8x512xf32>
    %get3A_2092 = vector.shape_cast %get3A_2091 : vector<1x1x8x512xf32> to vector<8x512xf32>
    %eq3A_2093 = arith.constant 15 : i32
    %eq3A_2094 = vector.broadcast %eq3A_2093 : i32 to vector<8x512xi32>
    %eq3A_2095 = arith.cmpi eq, %slice3A_1920, %eq3A_2094 : vector<8x512xi32>
    %and3A_2096 = arith.andi %slice3A_1921, %eq3A_2095 : vector<8x512xi1>
    %select_n3A_2097 = arith.select %and3A_2096, %get3A_2092, %select_n3A_2086 : vector<8x512xi1>, vector<8x512xf32>
    %log3A_2098 = math.log %reduce_sum3A_1913 : vector<8x512xf32>
    %sub3A_2099 = arith.subf %log3A_2098, %select_n3A_2097 : vector<8x512xf32>
    %get3A_2100 = arith.constant 0 : index
    %get3A_2101 = arith.constant 0 : index
    %get3A_2102 = arith.constant 0 : index
    %get3A_2103 = arith.constant 1536 : index
    %get3A_2104 = vector.load %arg3[%get3A_2100, %get3A_2101, %get3A_2102, %get3A_2103] : memref<1x81x8x4096xf32, #tpu.memory_space<vmem>>, vector<1x81x8x512xf32>
    %get3A_2105 = vector.shape_cast %get3A_2104 : vector<1x81x8x512xf32> to vector<81x8x512xf32>
    %exp3A_2106 = math.exp %get3A_2105 : vector<81x8x512xf32>
    %reduce_sum3A_2107 = arith.constant dense<0.000000e+00> : vector<8x512xf32>
    %reduce_sum3A_2108 = vector.multi_reduction <add>, %exp3A_2106, %reduce_sum3A_2107 [0] : vector<81x8x512xf32> to vector<8x512xf32>
    %get3A_2109 = arith.constant 0 : index
    %get3A_2110 = arith.constant 0 : index
    %get3A_2111 = arith.constant 0 : index
    %get3A_2112 = arith.constant 1536 : index
    %get3A_2113 = vector.load %arg3[%get3A_2109, %get3A_2110, %get3A_2111, %get3A_2112] : memref<1x81x8x4096xf32, #tpu.memory_space<vmem>>, vector<1x1x8x512xf32>
    %get3A_2114 = vector.shape_cast %get3A_2113 : vector<1x1x8x512xf32> to vector<8x512xf32>
    %slice3A_2115 = vector.extract_strided_slice %select_n3A_1212 {offsets = [0, 1536], sizes = [8, 512], strides = [1, 1]} : vector<8x4096xi32> to vector<8x512xi32>
    %slice3A_2116 = vector.extract_strided_slice %gt3A_1442 {offsets = [0, 1536], sizes = [8, 512], strides = [1, 1]} : vector<8x4096xi1> to vector<8x512xi1>
    %get3A_2117 = arith.constant 0 : index
    %get3A_2118 = arith.index_cast %convert_element_type3A_1502 : i32 to index
    %get3A_2119 = arith.constant 0 : index
    %get3A_2120 = arith.constant 1536 : index
    %get3A_2121 = vector.load %arg3[%get3A_2117, %get3A_2118, %get3A_2119, %get3A_2120] : memref<1x81x8x4096xf32, #tpu.memory_space<vmem>>, vector<1x1x8x512xf32>
    %get3A_2122 = vector.shape_cast %get3A_2121 : vector<1x1x8x512xf32> to vector<8x512xf32>
    %eq3A_2123 = arith.constant 0 : i32
    %eq3A_2124 = vector.broadcast %eq3A_2123 : i32 to vector<8x512xi32>
    %eq3A_2125 = arith.cmpi eq, %slice3A_2115, %eq3A_2124 : vector<8x512xi32>
    %and3A_2126 = arith.andi %slice3A_2116, %eq3A_2125 : vector<8x512xi1>
    %select_n3A_2127 = arith.select %and3A_2126, %get3A_2122, %get3A_2114 : vector<8x512xi1>, vector<8x512xf32>
    %get3A_2128 = arith.constant 0 : index
    %get3A_2129 = arith.index_cast %convert_element_type3A_1503 : i32 to index
    %get3A_2130 = arith.constant 0 : index
    %get3A_2131 = arith.constant 1536 : index
    %get3A_2132 = vector.load %arg3[%get3A_2128, %get3A_2129, %get3A_2130, %get3A_2131] : memref<1x81x8x4096xf32, #tpu.memory_space<vmem>>, vector<1x1x8x512xf32>
    %get3A_2133 = vector.shape_cast %get3A_2132 : vector<1x1x8x512xf32> to vector<8x512xf32>
    %eq3A_2134 = arith.constant 1 : i32
    %eq3A_2135 = vector.broadcast %eq3A_2134 : i32 to vector<8x512xi32>
    %eq3A_2136 = arith.cmpi eq, %slice3A_2115, %eq3A_2135 : vector<8x512xi32>
    %and3A_2137 = arith.andi %slice3A_2116, %eq3A_2136 : vector<8x512xi1>
    %select_n3A_2138 = arith.select %and3A_2137, %get3A_2133, %select_n3A_2127 : vector<8x512xi1>, vector<8x512xf32>
    %get3A_2139 = arith.constant 0 : index
    %get3A_2140 = arith.index_cast %convert_element_type3A_1504 : i32 to index
    %get3A_2141 = arith.constant 0 : index
    %get3A_2142 = arith.constant 1536 : index
    %get3A_2143 = vector.load %arg3[%get3A_2139, %get3A_2140, %get3A_2141, %get3A_2142] : memref<1x81x8x4096xf32, #tpu.memory_space<vmem>>, vector<1x1x8x512xf32>
    %get3A_2144 = vector.shape_cast %get3A_2143 : vector<1x1x8x512xf32> to vector<8x512xf32>
    %eq3A_2145 = arith.constant 2 : i32
    %eq3A_2146 = vector.broadcast %eq3A_2145 : i32 to vector<8x512xi32>
    %eq3A_2147 = arith.cmpi eq, %slice3A_2115, %eq3A_2146 : vector<8x512xi32>
    %and3A_2148 = arith.andi %slice3A_2116, %eq3A_2147 : vector<8x512xi1>
    %select_n3A_2149 = arith.select %and3A_2148, %get3A_2144, %select_n3A_2138 : vector<8x512xi1>, vector<8x512xf32>
    %get3A_2150 = arith.constant 0 : index
    %get3A_2151 = arith.index_cast %convert_element_type3A_1505 : i32 to index
    %get3A_2152 = arith.constant 0 : index
    %get3A_2153 = arith.constant 1536 : index
    %get3A_2154 = vector.load %arg3[%get3A_2150, %get3A_2151, %get3A_2152, %get3A_2153] : memref<1x81x8x4096xf32, #tpu.memory_space<vmem>>, vector<1x1x8x512xf32>
    %get3A_2155 = vector.shape_cast %get3A_2154 : vector<1x1x8x512xf32> to vector<8x512xf32>
    %eq3A_2156 = arith.constant 3 : i32
    %eq3A_2157 = vector.broadcast %eq3A_2156 : i32 to vector<8x512xi32>
    %eq3A_2158 = arith.cmpi eq, %slice3A_2115, %eq3A_2157 : vector<8x512xi32>
    %and3A_2159 = arith.andi %slice3A_2116, %eq3A_2158 : vector<8x512xi1>
    %select_n3A_2160 = arith.select %and3A_2159, %get3A_2155, %select_n3A_2149 : vector<8x512xi1>, vector<8x512xf32>
    %get3A_2161 = arith.constant 0 : index
    %get3A_2162 = arith.index_cast %convert_element_type3A_1506 : i32 to index
    %get3A_2163 = arith.constant 0 : index
    %get3A_2164 = arith.constant 1536 : index
    %get3A_2165 = vector.load %arg3[%get3A_2161, %get3A_2162, %get3A_2163, %get3A_2164] : memref<1x81x8x4096xf32, #tpu.memory_space<vmem>>, vector<1x1x8x512xf32>
    %get3A_2166 = vector.shape_cast %get3A_2165 : vector<1x1x8x512xf32> to vector<8x512xf32>
    %eq3A_2167 = arith.constant 4 : i32
    %eq3A_2168 = vector.broadcast %eq3A_2167 : i32 to vector<8x512xi32>
    %eq3A_2169 = arith.cmpi eq, %slice3A_2115, %eq3A_2168 : vector<8x512xi32>
    %and3A_2170 = arith.andi %slice3A_2116, %eq3A_2169 : vector<8x512xi1>
    %select_n3A_2171 = arith.select %and3A_2170, %get3A_2166, %select_n3A_2160 : vector<8x512xi1>, vector<8x512xf32>
    %get3A_2172 = arith.constant 0 : index
    %get3A_2173 = arith.index_cast %convert_element_type3A_1507 : i32 to index
    %get3A_2174 = arith.constant 0 : index
    %get3A_2175 = arith.constant 1536 : index
    %get3A_2176 = vector.load %arg3[%get3A_2172, %get3A_2173, %get3A_2174, %get3A_2175] : memref<1x81x8x4096xf32, #tpu.memory_space<vmem>>, vector<1x1x8x512xf32>
    %get3A_2177 = vector.shape_cast %get3A_2176 : vector<1x1x8x512xf32> to vector<8x512xf32>
    %eq3A_2178 = arith.constant 5 : i32
    %eq3A_2179 = vector.broadcast %eq3A_2178 : i32 to vector<8x512xi32>
    %eq3A_2180 = arith.cmpi eq, %slice3A_2115, %eq3A_2179 : vector<8x512xi32>
    %and3A_2181 = arith.andi %slice3A_2116, %eq3A_2180 : vector<8x512xi1>
    %select_n3A_2182 = arith.select %and3A_2181, %get3A_2177, %select_n3A_2171 : vector<8x512xi1>, vector<8x512xf32>
    %get3A_2183 = arith.constant 0 : index
    %get3A_2184 = arith.index_cast %convert_element_type3A_1508 : i32 to index
    %get3A_2185 = arith.constant 0 : index
    %get3A_2186 = arith.constant 1536 : index
    %get3A_2187 = vector.load %arg3[%get3A_2183, %get3A_2184, %get3A_2185, %get3A_2186] : memref<1x81x8x4096xf32, #tpu.memory_space<vmem>>, vector<1x1x8x512xf32>
    %get3A_2188 = vector.shape_cast %get3A_2187 : vector<1x1x8x512xf32> to vector<8x512xf32>
    %eq3A_2189 = arith.constant 6 : i32
    %eq3A_2190 = vector.broadcast %eq3A_2189 : i32 to vector<8x512xi32>
    %eq3A_2191 = arith.cmpi eq, %slice3A_2115, %eq3A_2190 : vector<8x512xi32>
    %and3A_2192 = arith.andi %slice3A_2116, %eq3A_2191 : vector<8x512xi1>
    %select_n3A_2193 = arith.select %and3A_2192, %get3A_2188, %select_n3A_2182 : vector<8x512xi1>, vector<8x512xf32>
    %get3A_2194 = arith.constant 0 : index
    %get3A_2195 = arith.index_cast %convert_element_type3A_1509 : i32 to index
    %get3A_2196 = arith.constant 0 : index
    %get3A_2197 = arith.constant 1536 : index
    %get3A_2198 = vector.load %arg3[%get3A_2194, %get3A_2195, %get3A_2196, %get3A_2197] : memref<1x81x8x4096xf32, #tpu.memory_space<vmem>>, vector<1x1x8x512xf32>
    %get3A_2199 = vector.shape_cast %get3A_2198 : vector<1x1x8x512xf32> to vector<8x512xf32>
    %eq3A_2200 = arith.constant 7 : i32
    %eq3A_2201 = vector.broadcast %eq3A_2200 : i32 to vector<8x512xi32>
    %eq3A_2202 = arith.cmpi eq, %slice3A_2115, %eq3A_2201 : vector<8x512xi32>
    %and3A_2203 = arith.andi %slice3A_2116, %eq3A_2202 : vector<8x512xi1>
    %select_n3A_2204 = arith.select %and3A_2203, %get3A_2199, %select_n3A_2193 : vector<8x512xi1>, vector<8x512xf32>
    %get3A_2205 = arith.constant 0 : index
    %get3A_2206 = arith.index_cast %convert_element_type3A_1510 : i32 to index
    %get3A_2207 = arith.constant 0 : index
    %get3A_2208 = arith.constant 1536 : index
    %get3A_2209 = vector.load %arg3[%get3A_2205, %get3A_2206, %get3A_2207, %get3A_2208] : memref<1x81x8x4096xf32, #tpu.memory_space<vmem>>, vector<1x1x8x512xf32>
    %get3A_2210 = vector.shape_cast %get3A_2209 : vector<1x1x8x512xf32> to vector<8x512xf32>
    %eq3A_2211 = arith.constant 8 : i32
    %eq3A_2212 = vector.broadcast %eq3A_2211 : i32 to vector<8x512xi32>
    %eq3A_2213 = arith.cmpi eq, %slice3A_2115, %eq3A_2212 : vector<8x512xi32>
    %and3A_2214 = arith.andi %slice3A_2116, %eq3A_2213 : vector<8x512xi1>
    %select_n3A_2215 = arith.select %and3A_2214, %get3A_2210, %select_n3A_2204 : vector<8x512xi1>, vector<8x512xf32>
    %get3A_2216 = arith.constant 0 : index
    %get3A_2217 = arith.index_cast %convert_element_type3A_1511 : i32 to index
    %get3A_2218 = arith.constant 0 : index
    %get3A_2219 = arith.constant 1536 : index
    %get3A_2220 = vector.load %arg3[%get3A_2216, %get3A_2217, %get3A_2218, %get3A_2219] : memref<1x81x8x4096xf32, #tpu.memory_space<vmem>>, vector<1x1x8x512xf32>
    %get3A_2221 = vector.shape_cast %get3A_2220 : vector<1x1x8x512xf32> to vector<8x512xf32>
    %eq3A_2222 = arith.constant 9 : i32
    %eq3A_2223 = vector.broadcast %eq3A_2222 : i32 to vector<8x512xi32>
    %eq3A_2224 = arith.cmpi eq, %slice3A_2115, %eq3A_2223 : vector<8x512xi32>
    %and3A_2225 = arith.andi %slice3A_2116, %eq3A_2224 : vector<8x512xi1>
    %select_n3A_2226 = arith.select %and3A_2225, %get3A_2221, %select_n3A_2215 : vector<8x512xi1>, vector<8x512xf32>
    %get3A_2227 = arith.constant 0 : index
    %get3A_2228 = arith.index_cast %convert_element_type3A_1512 : i32 to index
    %get3A_2229 = arith.constant 0 : index
    %get3A_2230 = arith.constant 1536 : index
    %get3A_2231 = vector.load %arg3[%get3A_2227, %get3A_2228, %get3A_2229, %get3A_2230] : memref<1x81x8x4096xf32, #tpu.memory_space<vmem>>, vector<1x1x8x512xf32>
    %get3A_2232 = vector.shape_cast %get3A_2231 : vector<1x1x8x512xf32> to vector<8x512xf32>
    %eq3A_2233 = arith.constant 10 : i32
    %eq3A_2234 = vector.broadcast %eq3A_2233 : i32 to vector<8x512xi32>
    %eq3A_2235 = arith.cmpi eq, %slice3A_2115, %eq3A_2234 : vector<8x512xi32>
    %and3A_2236 = arith.andi %slice3A_2116, %eq3A_2235 : vector<8x512xi1>
    %select_n3A_2237 = arith.select %and3A_2236, %get3A_2232, %select_n3A_2226 : vector<8x512xi1>, vector<8x512xf32>
    %get3A_2238 = arith.constant 0 : index
    %get3A_2239 = arith.index_cast %convert_element_type3A_1513 : i32 to index
    %get3A_2240 = arith.constant 0 : index
    %get3A_2241 = arith.constant 1536 : index
    %get3A_2242 = vector.load %arg3[%get3A_2238, %get3A_2239, %get3A_2240, %get3A_2241] : memref<1x81x8x4096xf32, #tpu.memory_space<vmem>>, vector<1x1x8x512xf32>
    %get3A_2243 = vector.shape_cast %get3A_2242 : vector<1x1x8x512xf32> to vector<8x512xf32>
    %eq3A_2244 = arith.constant 11 : i32
    %eq3A_2245 = vector.broadcast %eq3A_2244 : i32 to vector<8x512xi32>
    %eq3A_2246 = arith.cmpi eq, %slice3A_2115, %eq3A_2245 : vector<8x512xi32>
    %and3A_2247 = arith.andi %slice3A_2116, %eq3A_2246 : vector<8x512xi1>
    %select_n3A_2248 = arith.select %and3A_2247, %get3A_2243, %select_n3A_2237 : vector<8x512xi1>, vector<8x512xf32>
    %get3A_2249 = arith.constant 0 : index
    %get3A_2250 = arith.index_cast %convert_element_type3A_1514 : i32 to index
    %get3A_2251 = arith.constant 0 : index
    %get3A_2252 = arith.constant 1536 : index
    %get3A_2253 = vector.load %arg3[%get3A_2249, %get3A_2250, %get3A_2251, %get3A_2252] : memref<1x81x8x4096xf32, #tpu.memory_space<vmem>>, vector<1x1x8x512xf32>
    %get3A_2254 = vector.shape_cast %get3A_2253 : vector<1x1x8x512xf32> to vector<8x512xf32>
    %eq3A_2255 = arith.constant 12 : i32
    %eq3A_2256 = vector.broadcast %eq3A_2255 : i32 to vector<8x512xi32>
    %eq3A_2257 = arith.cmpi eq, %slice3A_2115, %eq3A_2256 : vector<8x512xi32>
    %and3A_2258 = arith.andi %slice3A_2116, %eq3A_2257 : vector<8x512xi1>
    %select_n3A_2259 = arith.select %and3A_2258, %get3A_2254, %select_n3A_2248 : vector<8x512xi1>, vector<8x512xf32>
    %get3A_2260 = arith.constant 0 : index
    %get3A_2261 = arith.index_cast %convert_element_type3A_1515 : i32 to index
    %get3A_2262 = arith.constant 0 : index
    %get3A_2263 = arith.constant 1536 : index
    %get3A_2264 = vector.load %arg3[%get3A_2260, %get3A_2261, %get3A_2262, %get3A_2263] : memref<1x81x8x4096xf32, #tpu.memory_space<vmem>>, vector<1x1x8x512xf32>
    %get3A_2265 = vector.shape_cast %get3A_2264 : vector<1x1x8x512xf32> to vector<8x512xf32>
    %eq3A_2266 = arith.constant 13 : i32
    %eq3A_2267 = vector.broadcast %eq3A_2266 : i32 to vector<8x512xi32>
    %eq3A_2268 = arith.cmpi eq, %slice3A_2115, %eq3A_2267 : vector<8x512xi32>
    %and3A_2269 = arith.andi %slice3A_2116, %eq3A_2268 : vector<8x512xi1>
    %select_n3A_2270 = arith.select %and3A_2269, %get3A_2265, %select_n3A_2259 : vector<8x512xi1>, vector<8x512xf32>
    %get3A_2271 = arith.constant 0 : index
    %get3A_2272 = arith.index_cast %convert_element_type3A_1516 : i32 to index
    %get3A_2273 = arith.constant 0 : index
    %get3A_2274 = arith.constant 1536 : index
    %get3A_2275 = vector.load %arg3[%get3A_2271, %get3A_2272, %get3A_2273, %get3A_2274] : memref<1x81x8x4096xf32, #tpu.memory_space<vmem>>, vector<1x1x8x512xf32>
    %get3A_2276 = vector.shape_cast %get3A_2275 : vector<1x1x8x512xf32> to vector<8x512xf32>
    %eq3A_2277 = arith.constant 14 : i32
    %eq3A_2278 = vector.broadcast %eq3A_2277 : i32 to vector<8x512xi32>
    %eq3A_2279 = arith.cmpi eq, %slice3A_2115, %eq3A_2278 : vector<8x512xi32>
    %and3A_2280 = arith.andi %slice3A_2116, %eq3A_2279 : vector<8x512xi1>
    %select_n3A_2281 = arith.select %and3A_2280, %get3A_2276, %select_n3A_2270 : vector<8x512xi1>, vector<8x512xf32>
    %get3A_2282 = arith.constant 0 : index
    %get3A_2283 = arith.index_cast %convert_element_type3A_1517 : i32 to index
    %get3A_2284 = arith.constant 0 : index
    %get3A_2285 = arith.constant 1536 : index
    %get3A_2286 = vector.load %arg3[%get3A_2282, %get3A_2283, %get3A_2284, %get3A_2285] : memref<1x81x8x4096xf32, #tpu.memory_space<vmem>>, vector<1x1x8x512xf32>
    %get3A_2287 = vector.shape_cast %get3A_2286 : vector<1x1x8x512xf32> to vector<8x512xf32>
    %eq3A_2288 = arith.constant 15 : i32
    %eq3A_2289 = vector.broadcast %eq3A_2288 : i32 to vector<8x512xi32>
    %eq3A_2290 = arith.cmpi eq, %slice3A_2115, %eq3A_2289 : vector<8x512xi32>
    %and3A_2291 = arith.andi %slice3A_2116, %eq3A_2290 : vector<8x512xi1>
    %select_n3A_2292 = arith.select %and3A_2291, %get3A_2287, %select_n3A_2281 : vector<8x512xi1>, vector<8x512xf32>
    %log3A_2293 = math.log %reduce_sum3A_2108 : vector<8x512xf32>
    %sub3A_2294 = arith.subf %log3A_2293, %select_n3A_2292 : vector<8x512xf32>
    %get3A_2295 = arith.constant 0 : index
    %get3A_2296 = arith.constant 0 : index
    %get3A_2297 = arith.constant 0 : index
    %get3A_2298 = arith.constant 2048 : index
    %get3A_2299 = vector.load %arg3[%get3A_2295, %get3A_2296, %get3A_2297, %get3A_2298] : memref<1x81x8x4096xf32, #tpu.memory_space<vmem>>, vector<1x81x8x512xf32>
    %get3A_2300 = vector.shape_cast %get3A_2299 : vector<1x81x8x512xf32> to vector<81x8x512xf32>
    %exp3A_2301 = math.exp %get3A_2300 : vector<81x8x512xf32>
    %reduce_sum3A_2302 = arith.constant dense<0.000000e+00> : vector<8x512xf32>
    %reduce_sum3A_2303 = vector.multi_reduction <add>, %exp3A_2301, %reduce_sum3A_2302 [0] : vector<81x8x512xf32> to vector<8x512xf32>
    %get3A_2304 = arith.constant 0 : index
    %get3A_2305 = arith.constant 0 : index
    %get3A_2306 = arith.constant 0 : index
    %get3A_2307 = arith.constant 2048 : index
    %get3A_2308 = vector.load %arg3[%get3A_2304, %get3A_2305, %get3A_2306, %get3A_2307] : memref<1x81x8x4096xf32, #tpu.memory_space<vmem>>, vector<1x1x8x512xf32>
    %get3A_2309 = vector.shape_cast %get3A_2308 : vector<1x1x8x512xf32> to vector<8x512xf32>
    %slice3A_2310 = vector.extract_strided_slice %select_n3A_1212 {offsets = [0, 2048], sizes = [8, 512], strides = [1, 1]} : vector<8x4096xi32> to vector<8x512xi32>
    %slice3A_2311 = vector.extract_strided_slice %gt3A_1442 {offsets = [0, 2048], sizes = [8, 512], strides = [1, 1]} : vector<8x4096xi1> to vector<8x512xi1>
    %get3A_2312 = arith.constant 0 : index
    %get3A_2313 = arith.index_cast %convert_element_type3A_1502 : i32 to index
    %get3A_2314 = arith.constant 0 : index
    %get3A_2315 = arith.constant 2048 : index
    %get3A_2316 = vector.load %arg3[%get3A_2312, %get3A_2313, %get3A_2314, %get3A_2315] : memref<1x81x8x4096xf32, #tpu.memory_space<vmem>>, vector<1x1x8x512xf32>
    %get3A_2317 = vector.shape_cast %get3A_2316 : vector<1x1x8x512xf32> to vector<8x512xf32>
    %eq3A_2318 = arith.constant 0 : i32
    %eq3A_2319 = vector.broadcast %eq3A_2318 : i32 to vector<8x512xi32>
    %eq3A_2320 = arith.cmpi eq, %slice3A_2310, %eq3A_2319 : vector<8x512xi32>
    %and3A_2321 = arith.andi %slice3A_2311, %eq3A_2320 : vector<8x512xi1>
    %select_n3A_2322 = arith.select %and3A_2321, %get3A_2317, %get3A_2309 : vector<8x512xi1>, vector<8x512xf32>
    %get3A_2323 = arith.constant 0 : index
    %get3A_2324 = arith.index_cast %convert_element_type3A_1503 : i32 to index
    %get3A_2325 = arith.constant 0 : index
    %get3A_2326 = arith.constant 2048 : index
    %get3A_2327 = vector.load %arg3[%get3A_2323, %get3A_2324, %get3A_2325, %get3A_2326] : memref<1x81x8x4096xf32, #tpu.memory_space<vmem>>, vector<1x1x8x512xf32>
    %get3A_2328 = vector.shape_cast %get3A_2327 : vector<1x1x8x512xf32> to vector<8x512xf32>
    %eq3A_2329 = arith.constant 1 : i32
    %eq3A_2330 = vector.broadcast %eq3A_2329 : i32 to vector<8x512xi32>
    %eq3A_2331 = arith.cmpi eq, %slice3A_2310, %eq3A_2330 : vector<8x512xi32>
    %and3A_2332 = arith.andi %slice3A_2311, %eq3A_2331 : vector<8x512xi1>
    %select_n3A_2333 = arith.select %and3A_2332, %get3A_2328, %select_n3A_2322 : vector<8x512xi1>, vector<8x512xf32>
    %get3A_2334 = arith.constant 0 : index
    %get3A_2335 = arith.index_cast %convert_element_type3A_1504 : i32 to index
    %get3A_2336 = arith.constant 0 : index
    %get3A_2337 = arith.constant 2048 : index
    %get3A_2338 = vector.load %arg3[%get3A_2334, %get3A_2335, %get3A_2336, %get3A_2337] : memref<1x81x8x4096xf32, #tpu.memory_space<vmem>>, vector<1x1x8x512xf32>
    %get3A_2339 = vector.shape_cast %get3A_2338 : vector<1x1x8x512xf32> to vector<8x512xf32>
    %eq3A_2340 = arith.constant 2 : i32
    %eq3A_2341 = vector.broadcast %eq3A_2340 : i32 to vector<8x512xi32>
    %eq3A_2342 = arith.cmpi eq, %slice3A_2310, %eq3A_2341 : vector<8x512xi32>
    %and3A_2343 = arith.andi %slice3A_2311, %eq3A_2342 : vector<8x512xi1>
    %select_n3A_2344 = arith.select %and3A_2343, %get3A_2339, %select_n3A_2333 : vector<8x512xi1>, vector<8x512xf32>
    %get3A_2345 = arith.constant 0 : index
    %get3A_2346 = arith.index_cast %convert_element_type3A_1505 : i32 to index
    %get3A_2347 = arith.constant 0 : index
    %get3A_2348 = arith.constant 2048 : index
    %get3A_2349 = vector.load %arg3[%get3A_2345, %get3A_2346, %get3A_2347, %get3A_2348] : memref<1x81x8x4096xf32, #tpu.memory_space<vmem>>, vector<1x1x8x512xf32>
    %get3A_2350 = vector.shape_cast %get3A_2349 : vector<1x1x8x512xf32> to vector<8x512xf32>
    %eq3A_2351 = arith.constant 3 : i32
    %eq3A_2352 = vector.broadcast %eq3A_2351 : i32 to vector<8x512xi32>
    %eq3A_2353 = arith.cmpi eq, %slice3A_2310, %eq3A_2352 : vector<8x512xi32>
    %and3A_2354 = arith.andi %slice3A_2311, %eq3A_2353 : vector<8x512xi1>
    %select_n3A_2355 = arith.select %and3A_2354, %get3A_2350, %select_n3A_2344 : vector<8x512xi1>, vector<8x512xf32>
    %get3A_2356 = arith.constant 0 : index
    %get3A_2357 = arith.index_cast %convert_element_type3A_1506 : i32 to index
    %get3A_2358 = arith.constant 0 : index
    %get3A_2359 = arith.constant 2048 : index
    %get3A_2360 = vector.load %arg3[%get3A_2356, %get3A_2357, %get3A_2358, %get3A_2359] : memref<1x81x8x4096xf32, #tpu.memory_space<vmem>>, vector<1x1x8x512xf32>
    %get3A_2361 = vector.shape_cast %get3A_2360 : vector<1x1x8x512xf32> to vector<8x512xf32>
    %eq3A_2362 = arith.constant 4 : i32
    %eq3A_2363 = vector.broadcast %eq3A_2362 : i32 to vector<8x512xi32>
    %eq3A_2364 = arith.cmpi eq, %slice3A_2310, %eq3A_2363 : vector<8x512xi32>
    %and3A_2365 = arith.andi %slice3A_2311, %eq3A_2364 : vector<8x512xi1>
    %select_n3A_2366 = arith.select %and3A_2365, %get3A_2361, %select_n3A_2355 : vector<8x512xi1>, vector<8x512xf32>
    %get3A_2367 = arith.constant 0 : index
    %get3A_2368 = arith.index_cast %convert_element_type3A_1507 : i32 to index
    %get3A_2369 = arith.constant 0 : index
    %get3A_2370 = arith.constant 2048 : index
    %get3A_2371 = vector.load %arg3[%get3A_2367, %get3A_2368, %get3A_2369, %get3A_2370] : memref<1x81x8x4096xf32, #tpu.memory_space<vmem>>, vector<1x1x8x512xf32>
    %get3A_2372 = vector.shape_cast %get3A_2371 : vector<1x1x8x512xf32> to vector<8x512xf32>
    %eq3A_2373 = arith.constant 5 : i32
    %eq3A_2374 = vector.broadcast %eq3A_2373 : i32 to vector<8x512xi32>
    %eq3A_2375 = arith.cmpi eq, %slice3A_2310, %eq3A_2374 : vector<8x512xi32>
    %and3A_2376 = arith.andi %slice3A_2311, %eq3A_2375 : vector<8x512xi1>
    %select_n3A_2377 = arith.select %and3A_2376, %get3A_2372, %select_n3A_2366 : vector<8x512xi1>, vector<8x512xf32>
    %get3A_2378 = arith.constant 0 : index
    %get3A_2379 = arith.index_cast %convert_element_type3A_1508 : i32 to index
    %get3A_2380 = arith.constant 0 : index
    %get3A_2381 = arith.constant 2048 : index
    %get3A_2382 = vector.load %arg3[%get3A_2378, %get3A_2379, %get3A_2380, %get3A_2381] : memref<1x81x8x4096xf32, #tpu.memory_space<vmem>>, vector<1x1x8x512xf32>
    %get3A_2383 = vector.shape_cast %get3A_2382 : vector<1x1x8x512xf32> to vector<8x512xf32>
    %eq3A_2384 = arith.constant 6 : i32
    %eq3A_2385 = vector.broadcast %eq3A_2384 : i32 to vector<8x512xi32>
    %eq3A_2386 = arith.cmpi eq, %slice3A_2310, %eq3A_2385 : vector<8x512xi32>
    %and3A_2387 = arith.andi %slice3A_2311, %eq3A_2386 : vector<8x512xi1>
    %select_n3A_2388 = arith.select %and3A_2387, %get3A_2383, %select_n3A_2377 : vector<8x512xi1>, vector<8x512xf32>
    %get3A_2389 = arith.constant 0 : index
    %get3A_2390 = arith.index_cast %convert_element_type3A_1509 : i32 to index
    %get3A_2391 = arith.constant 0 : index
    %get3A_2392 = arith.constant 2048 : index
    %get3A_2393 = vector.load %arg3[%get3A_2389, %get3A_2390, %get3A_2391, %get3A_2392] : memref<1x81x8x4096xf32, #tpu.memory_space<vmem>>, vector<1x1x8x512xf32>
    %get3A_2394 = vector.shape_cast %get3A_2393 : vector<1x1x8x512xf32> to vector<8x512xf32>
    %eq3A_2395 = arith.constant 7 : i32
    %eq3A_2396 = vector.broadcast %eq3A_2395 : i32 to vector<8x512xi32>
    %eq3A_2397 = arith.cmpi eq, %slice3A_2310, %eq3A_2396 : vector<8x512xi32>
    %and3A_2398 = arith.andi %slice3A_2311, %eq3A_2397 : vector<8x512xi1>
    %select_n3A_2399 = arith.select %and3A_2398, %get3A_2394, %select_n3A_2388 : vector<8x512xi1>, vector<8x512xf32>
    %get3A_2400 = arith.constant 0 : index
    %get3A_2401 = arith.index_cast %convert_element_type3A_1510 : i32 to index
    %get3A_2402 = arith.constant 0 : index
    %get3A_2403 = arith.constant 2048 : index
    %get3A_2404 = vector.load %arg3[%get3A_2400, %get3A_2401, %get3A_2402, %get3A_2403] : memref<1x81x8x4096xf32, #tpu.memory_space<vmem>>, vector<1x1x8x512xf32>
    %get3A_2405 = vector.shape_cast %get3A_2404 : vector<1x1x8x512xf32> to vector<8x512xf32>
    %eq3A_2406 = arith.constant 8 : i32
    %eq3A_2407 = vector.broadcast %eq3A_2406 : i32 to vector<8x512xi32>
    %eq3A_2408 = arith.cmpi eq, %slice3A_2310, %eq3A_2407 : vector<8x512xi32>
    %and3A_2409 = arith.andi %slice3A_2311, %eq3A_2408 : vector<8x512xi1>
    %select_n3A_2410 = arith.select %and3A_2409, %get3A_2405, %select_n3A_2399 : vector<8x512xi1>, vector<8x512xf32>
    %get3A_2411 = arith.constant 0 : index
    %get3A_2412 = arith.index_cast %convert_element_type3A_1511 : i32 to index
    %get3A_2413 = arith.constant 0 : index
    %get3A_2414 = arith.constant 2048 : index
    %get3A_2415 = vector.load %arg3[%get3A_2411, %get3A_2412, %get3A_2413, %get3A_2414] : memref<1x81x8x4096xf32, #tpu.memory_space<vmem>>, vector<1x1x8x512xf32>
    %get3A_2416 = vector.shape_cast %get3A_2415 : vector<1x1x8x512xf32> to vector<8x512xf32>
    %eq3A_2417 = arith.constant 9 : i32
    %eq3A_2418 = vector.broadcast %eq3A_2417 : i32 to vector<8x512xi32>
    %eq3A_2419 = arith.cmpi eq, %slice3A_2310, %eq3A_2418 : vector<8x512xi32>
    %and3A_2420 = arith.andi %slice3A_2311, %eq3A_2419 : vector<8x512xi1>
    %select_n3A_2421 = arith.select %and3A_2420, %get3A_2416, %select_n3A_2410 : vector<8x512xi1>, vector<8x512xf32>
    %get3A_2422 = arith.constant 0 : index
    %get3A_2423 = arith.index_cast %convert_element_type3A_1512 : i32 to index
    %get3A_2424 = arith.constant 0 : index
    %get3A_2425 = arith.constant 2048 : index
    %get3A_2426 = vector.load %arg3[%get3A_2422, %get3A_2423, %get3A_2424, %get3A_2425] : memref<1x81x8x4096xf32, #tpu.memory_space<vmem>>, vector<1x1x8x512xf32>
    %get3A_2427 = vector.shape_cast %get3A_2426 : vector<1x1x8x512xf32> to vector<8x512xf32>
    %eq3A_2428 = arith.constant 10 : i32
    %eq3A_2429 = vector.broadcast %eq3A_2428 : i32 to vector<8x512xi32>
    %eq3A_2430 = arith.cmpi eq, %slice3A_2310, %eq3A_2429 : vector<8x512xi32>
    %and3A_2431 = arith.andi %slice3A_2311, %eq3A_2430 : vector<8x512xi1>
    %select_n3A_2432 = arith.select %and3A_2431, %get3A_2427, %select_n3A_2421 : vector<8x512xi1>, vector<8x512xf32>
    %get3A_2433 = arith.constant 0 : index
    %get3A_2434 = arith.index_cast %convert_element_type3A_1513 : i32 to index
    %get3A_2435 = arith.constant 0 : index
    %get3A_2436 = arith.constant 2048 : index
    %get3A_2437 = vector.load %arg3[%get3A_2433, %get3A_2434, %get3A_2435, %get3A_2436] : memref<1x81x8x4096xf32, #tpu.memory_space<vmem>>, vector<1x1x8x512xf32>
    %get3A_2438 = vector.shape_cast %get3A_2437 : vector<1x1x8x512xf32> to vector<8x512xf32>
    %eq3A_2439 = arith.constant 11 : i32
    %eq3A_2440 = vector.broadcast %eq3A_2439 : i32 to vector<8x512xi32>
    %eq3A_2441 = arith.cmpi eq, %slice3A_2310, %eq3A_2440 : vector<8x512xi32>
    %and3A_2442 = arith.andi %slice3A_2311, %eq3A_2441 : vector<8x512xi1>
    %select_n3A_2443 = arith.select %and3A_2442, %get3A_2438, %select_n3A_2432 : vector<8x512xi1>, vector<8x512xf32>
    %get3A_2444 = arith.constant 0 : index
    %get3A_2445 = arith.index_cast %convert_element_type3A_1514 : i32 to index
    %get3A_2446 = arith.constant 0 : index
    %get3A_2447 = arith.constant 2048 : index
    %get3A_2448 = vector.load %arg3[%get3A_2444, %get3A_2445, %get3A_2446, %get3A_2447] : memref<1x81x8x4096xf32, #tpu.memory_space<vmem>>, vector<1x1x8x512xf32>
    %get3A_2449 = vector.shape_cast %get3A_2448 : vector<1x1x8x512xf32> to vector<8x512xf32>
    %eq3A_2450 = arith.constant 12 : i32
    %eq3A_2451 = vector.broadcast %eq3A_2450 : i32 to vector<8x512xi32>
    %eq3A_2452 = arith.cmpi eq, %slice3A_2310, %eq3A_2451 : vector<8x512xi32>
    %and3A_2453 = arith.andi %slice3A_2311, %eq3A_2452 : vector<8x512xi1>
    %select_n3A_2454 = arith.select %and3A_2453, %get3A_2449, %select_n3A_2443 : vector<8x512xi1>, vector<8x512xf32>
    %get3A_2455 = arith.constant 0 : index
    %get3A_2456 = arith.index_cast %convert_element_type3A_1515 : i32 to index
    %get3A_2457 = arith.constant 0 : index
    %get3A_2458 = arith.constant 2048 : index
    %get3A_2459 = vector.load %arg3[%get3A_2455, %get3A_2456, %get3A_2457, %get3A_2458] : memref<1x81x8x4096xf32, #tpu.memory_space<vmem>>, vector<1x1x8x512xf32>
    %get3A_2460 = vector.shape_cast %get3A_2459 : vector<1x1x8x512xf32> to vector<8x512xf32>
    %eq3A_2461 = arith.constant 13 : i32
    %eq3A_2462 = vector.broadcast %eq3A_2461 : i32 to vector<8x512xi32>
    %eq3A_2463 = arith.cmpi eq, %slice3A_2310, %eq3A_2462 : vector<8x512xi32>
    %and3A_2464 = arith.andi %slice3A_2311, %eq3A_2463 : vector<8x512xi1>
    %select_n3A_2465 = arith.select %and3A_2464, %get3A_2460, %select_n3A_2454 : vector<8x512xi1>, vector<8x512xf32>
    %get3A_2466 = arith.constant 0 : index
    %get3A_2467 = arith.index_cast %convert_element_type3A_1516 : i32 to index
    %get3A_2468 = arith.constant 0 : index
    %get3A_2469 = arith.constant 2048 : index
    %get3A_2470 = vector.load %arg3[%get3A_2466, %get3A_2467, %get3A_2468, %get3A_2469] : memref<1x81x8x4096xf32, #tpu.memory_space<vmem>>, vector<1x1x8x512xf32>
    %get3A_2471 = vector.shape_cast %get3A_2470 : vector<1x1x8x512xf32> to vector<8x512xf32>
    %eq3A_2472 = arith.constant 14 : i32
    %eq3A_2473 = vector.broadcast %eq3A_2472 : i32 to vector<8x512xi32>
    %eq3A_2474 = arith.cmpi eq, %slice3A_2310, %eq3A_2473 : vector<8x512xi32>
    %and3A_2475 = arith.andi %slice3A_2311, %eq3A_2474 : vector<8x512xi1>
    %select_n3A_2476 = arith.select %and3A_2475, %get3A_2471, %select_n3A_2465 : vector<8x512xi1>, vector<8x512xf32>
    %get3A_2477 = arith.constant 0 : index
    %get3A_2478 = arith.index_cast %convert_element_type3A_1517 : i32 to index
    %get3A_2479 = arith.constant 0 : index
    %get3A_2480 = arith.constant 2048 : index
    %get3A_2481 = vector.load %arg3[%get3A_2477, %get3A_2478, %get3A_2479, %get3A_2480] : memref<1x81x8x4096xf32, #tpu.memory_space<vmem>>, vector<1x1x8x512xf32>
    %get3A_2482 = vector.shape_cast %get3A_2481 : vector<1x1x8x512xf32> to vector<8x512xf32>
    %eq3A_2483 = arith.constant 15 : i32
    %eq3A_2484 = vector.broadcast %eq3A_2483 : i32 to vector<8x512xi32>
    %eq3A_2485 = arith.cmpi eq, %slice3A_2310, %eq3A_2484 : vector<8x512xi32>
    %and3A_2486 = arith.andi %slice3A_2311, %eq3A_2485 : vector<8x512xi1>
    %select_n3A_2487 = arith.select %and3A_2486, %get3A_2482, %select_n3A_2476 : vector<8x512xi1>, vector<8x512xf32>
    %log3A_2488 = math.log %reduce_sum3A_2303 : vector<8x512xf32>
    %sub3A_2489 = arith.subf %log3A_2488, %select_n3A_2487 : vector<8x512xf32>
    %get3A_2490 = arith.constant 0 : index
    %get3A_2491 = arith.constant 0 : index
    %get3A_2492 = arith.constant 0 : index
    %get3A_2493 = arith.constant 2560 : index
    %get3A_2494 = vector.load %arg3[%get3A_2490, %get3A_2491, %get3A_2492, %get3A_2493] : memref<1x81x8x4096xf32, #tpu.memory_space<vmem>>, vector<1x81x8x512xf32>
    %get3A_2495 = vector.shape_cast %get3A_2494 : vector<1x81x8x512xf32> to vector<81x8x512xf32>
    %exp3A_2496 = math.exp %get3A_2495 : vector<81x8x512xf32>
    %reduce_sum3A_2497 = arith.constant dense<0.000000e+00> : vector<8x512xf32>
    %reduce_sum3A_2498 = vector.multi_reduction <add>, %exp3A_2496, %reduce_sum3A_2497 [0] : vector<81x8x512xf32> to vector<8x512xf32>
    %get3A_2499 = arith.constant 0 : index
    %get3A_2500 = arith.constant 0 : index
    %get3A_2501 = arith.constant 0 : index
    %get3A_2502 = arith.constant 2560 : index
    %get3A_2503 = vector.load %arg3[%get3A_2499, %get3A_2500, %get3A_2501, %get3A_2502] : memref<1x81x8x4096xf32, #tpu.memory_space<vmem>>, vector<1x1x8x512xf32>
    %get3A_2504 = vector.shape_cast %get3A_2503 : vector<1x1x8x512xf32> to vector<8x512xf32>
    %slice3A_2505 = vector.extract_strided_slice %select_n3A_1212 {offsets = [0, 2560], sizes = [8, 512], strides = [1, 1]} : vector<8x4096xi32> to vector<8x512xi32>
    %slice3A_2506 = vector.extract_strided_slice %gt3A_1442 {offsets = [0, 2560], sizes = [8, 512], strides = [1, 1]} : vector<8x4096xi1> to vector<8x512xi1>
    %get3A_2507 = arith.constant 0 : index
    %get3A_2508 = arith.index_cast %convert_element_type3A_1502 : i32 to index
    %get3A_2509 = arith.constant 0 : index
    %get3A_2510 = arith.constant 2560 : index
    %get3A_2511 = vector.load %arg3[%get3A_2507, %get3A_2508, %get3A_2509, %get3A_2510] : memref<1x81x8x4096xf32, #tpu.memory_space<vmem>>, vector<1x1x8x512xf32>
    %get3A_2512 = vector.shape_cast %get3A_2511 : vector<1x1x8x512xf32> to vector<8x512xf32>
    %eq3A_2513 = arith.constant 0 : i32
    %eq3A_2514 = vector.broadcast %eq3A_2513 : i32 to vector<8x512xi32>
    %eq3A_2515 = arith.cmpi eq, %slice3A_2505, %eq3A_2514 : vector<8x512xi32>
    %and3A_2516 = arith.andi %slice3A_2506, %eq3A_2515 : vector<8x512xi1>
    %select_n3A_2517 = arith.select %and3A_2516, %get3A_2512, %get3A_2504 : vector<8x512xi1>, vector<8x512xf32>
    %get3A_2518 = arith.constant 0 : index
    %get3A_2519 = arith.index_cast %convert_element_type3A_1503 : i32 to index
    %get3A_2520 = arith.constant 0 : index
    %get3A_2521 = arith.constant 2560 : index
    %get3A_2522 = vector.load %arg3[%get3A_2518, %get3A_2519, %get3A_2520, %get3A_2521] : memref<1x81x8x4096xf32, #tpu.memory_space<vmem>>, vector<1x1x8x512xf32>
    %get3A_2523 = vector.shape_cast %get3A_2522 : vector<1x1x8x512xf32> to vector<8x512xf32>
    %eq3A_2524 = arith.constant 1 : i32
    %eq3A_2525 = vector.broadcast %eq3A_2524 : i32 to vector<8x512xi32>
    %eq3A_2526 = arith.cmpi eq, %slice3A_2505, %eq3A_2525 : vector<8x512xi32>
    %and3A_2527 = arith.andi %slice3A_2506, %eq3A_2526 : vector<8x512xi1>
    %select_n3A_2528 = arith.select %and3A_2527, %get3A_2523, %select_n3A_2517 : vector<8x512xi1>, vector<8x512xf32>
    %get3A_2529 = arith.constant 0 : index
    %get3A_2530 = arith.index_cast %convert_element_type3A_1504 : i32 to index
    %get3A_2531 = arith.constant 0 : index
    %get3A_2532 = arith.constant 2560 : index
    %get3A_2533 = vector.load %arg3[%get3A_2529, %get3A_2530, %get3A_2531, %get3A_2532] : memref<1x81x8x4096xf32, #tpu.memory_space<vmem>>, vector<1x1x8x512xf32>
    %get3A_2534 = vector.shape_cast %get3A_2533 : vector<1x1x8x512xf32> to vector<8x512xf32>
    %eq3A_2535 = arith.constant 2 : i32
    %eq3A_2536 = vector.broadcast %eq3A_2535 : i32 to vector<8x512xi32>
    %eq3A_2537 = arith.cmpi eq, %slice3A_2505, %eq3A_2536 : vector<8x512xi32>
    %and3A_2538 = arith.andi %slice3A_2506, %eq3A_2537 : vector<8x512xi1>
    %select_n3A_2539 = arith.select %and3A_2538, %get3A_2534, %select_n3A_2528 : vector<8x512xi1>, vector<8x512xf32>
    %get3A_2540 = arith.constant 0 : index
    %get3A_2541 = arith.index_cast %convert_element_type3A_1505 : i32 to index
    %get3A_2542 = arith.constant 0 : index
    %get3A_2543 = arith.constant 2560 : index
    %get3A_2544 = vector.load %arg3[%get3A_2540, %get3A_2541, %get3A_2542, %get3A_2543] : memref<1x81x8x4096xf32, #tpu.memory_space<vmem>>, vector<1x1x8x512xf32>
    %get3A_2545 = vector.shape_cast %get3A_2544 : vector<1x1x8x512xf32> to vector<8x512xf32>
    %eq3A_2546 = arith.constant 3 : i32
    %eq3A_2547 = vector.broadcast %eq3A_2546 : i32 to vector<8x512xi32>
    %eq3A_2548 = arith.cmpi eq, %slice3A_2505, %eq3A_2547 : vector<8x512xi32>
    %and3A_2549 = arith.andi %slice3A_2506, %eq3A_2548 : vector<8x512xi1>
    %select_n3A_2550 = arith.select %and3A_2549, %get3A_2545, %select_n3A_2539 : vector<8x512xi1>, vector<8x512xf32>
    %get3A_2551 = arith.constant 0 : index
    %get3A_2552 = arith.index_cast %convert_element_type3A_1506 : i32 to index
    %get3A_2553 = arith.constant 0 : index
    %get3A_2554 = arith.constant 2560 : index
    %get3A_2555 = vector.load %arg3[%get3A_2551, %get3A_2552, %get3A_2553, %get3A_2554] : memref<1x81x8x4096xf32, #tpu.memory_space<vmem>>, vector<1x1x8x512xf32>
    %get3A_2556 = vector.shape_cast %get3A_2555 : vector<1x1x8x512xf32> to vector<8x512xf32>
    %eq3A_2557 = arith.constant 4 : i32
    %eq3A_2558 = vector.broadcast %eq3A_2557 : i32 to vector<8x512xi32>
    %eq3A_2559 = arith.cmpi eq, %slice3A_2505, %eq3A_2558 : vector<8x512xi32>
    %and3A_2560 = arith.andi %slice3A_2506, %eq3A_2559 : vector<8x512xi1>
    %select_n3A_2561 = arith.select %and3A_2560, %get3A_2556, %select_n3A_2550 : vector<8x512xi1>, vector<8x512xf32>
    %get3A_2562 = arith.constant 0 : index
    %get3A_2563 = arith.index_cast %convert_element_type3A_1507 : i32 to index
    %get3A_2564 = arith.constant 0 : index
    %get3A_2565 = arith.constant 2560 : index
    %get3A_2566 = vector.load %arg3[%get3A_2562, %get3A_2563, %get3A_2564, %get3A_2565] : memref<1x81x8x4096xf32, #tpu.memory_space<vmem>>, vector<1x1x8x512xf32>
    %get3A_2567 = vector.shape_cast %get3A_2566 : vector<1x1x8x512xf32> to vector<8x512xf32>
    %eq3A_2568 = arith.constant 5 : i32
    %eq3A_2569 = vector.broadcast %eq3A_2568 : i32 to vector<8x512xi32>
    %eq3A_2570 = arith.cmpi eq, %slice3A_2505, %eq3A_2569 : vector<8x512xi32>
    %and3A_2571 = arith.andi %slice3A_2506, %eq3A_2570 : vector<8x512xi1>
    %select_n3A_2572 = arith.select %and3A_2571, %get3A_2567, %select_n3A_2561 : vector<8x512xi1>, vector<8x512xf32>
    %get3A_2573 = arith.constant 0 : index
    %get3A_2574 = arith.index_cast %convert_element_type3A_1508 : i32 to index
    %get3A_2575 = arith.constant 0 : index
    %get3A_2576 = arith.constant 2560 : index
    %get3A_2577 = vector.load %arg3[%get3A_2573, %get3A_2574, %get3A_2575, %get3A_2576] : memref<1x81x8x4096xf32, #tpu.memory_space<vmem>>, vector<1x1x8x512xf32>
    %get3A_2578 = vector.shape_cast %get3A_2577 : vector<1x1x8x512xf32> to vector<8x512xf32>
    %eq3A_2579 = arith.constant 6 : i32
    %eq3A_2580 = vector.broadcast %eq3A_2579 : i32 to vector<8x512xi32>
    %eq3A_2581 = arith.cmpi eq, %slice3A_2505, %eq3A_2580 : vector<8x512xi32>
    %and3A_2582 = arith.andi %slice3A_2506, %eq3A_2581 : vector<8x512xi1>
    %select_n3A_2583 = arith.select %and3A_2582, %get3A_2578, %select_n3A_2572 : vector<8x512xi1>, vector<8x512xf32>
    %get3A_2584 = arith.constant 0 : index
    %get3A_2585 = arith.index_cast %convert_element_type3A_1509 : i32 to index
    %get3A_2586 = arith.constant 0 : index
    %get3A_2587 = arith.constant 2560 : index
    %get3A_2588 = vector.load %arg3[%get3A_2584, %get3A_2585, %get3A_2586, %get3A_2587] : memref<1x81x8x4096xf32, #tpu.memory_space<vmem>>, vector<1x1x8x512xf32>
    %get3A_2589 = vector.shape_cast %get3A_2588 : vector<1x1x8x512xf32> to vector<8x512xf32>
    %eq3A_2590 = arith.constant 7 : i32
    %eq3A_2591 = vector.broadcast %eq3A_2590 : i32 to vector<8x512xi32>
    %eq3A_2592 = arith.cmpi eq, %slice3A_2505, %eq3A_2591 : vector<8x512xi32>
    %and3A_2593 = arith.andi %slice3A_2506, %eq3A_2592 : vector<8x512xi1>
    %select_n3A_2594 = arith.select %and3A_2593, %get3A_2589, %select_n3A_2583 : vector<8x512xi1>, vector<8x512xf32>
    %get3A_2595 = arith.constant 0 : index
    %get3A_2596 = arith.index_cast %convert_element_type3A_1510 : i32 to index
    %get3A_2597 = arith.constant 0 : index
    %get3A_2598 = arith.constant 2560 : index
    %get3A_2599 = vector.load %arg3[%get3A_2595, %get3A_2596, %get3A_2597, %get3A_2598] : memref<1x81x8x4096xf32, #tpu.memory_space<vmem>>, vector<1x1x8x512xf32>
    %get3A_2600 = vector.shape_cast %get3A_2599 : vector<1x1x8x512xf32> to vector<8x512xf32>
    %eq3A_2601 = arith.constant 8 : i32
    %eq3A_2602 = vector.broadcast %eq3A_2601 : i32 to vector<8x512xi32>
    %eq3A_2603 = arith.cmpi eq, %slice3A_2505, %eq3A_2602 : vector<8x512xi32>
    %and3A_2604 = arith.andi %slice3A_2506, %eq3A_2603 : vector<8x512xi1>
    %select_n3A_2605 = arith.select %and3A_2604, %get3A_2600, %select_n3A_2594 : vector<8x512xi1>, vector<8x512xf32>
    %get3A_2606 = arith.constant 0 : index
    %get3A_2607 = arith.index_cast %convert_element_type3A_1511 : i32 to index
    %get3A_2608 = arith.constant 0 : index
    %get3A_2609 = arith.constant 2560 : index
    %get3A_2610 = vector.load %arg3[%get3A_2606, %get3A_2607, %get3A_2608, %get3A_2609] : memref<1x81x8x4096xf32, #tpu.memory_space<vmem>>, vector<1x1x8x512xf32>
    %get3A_2611 = vector.shape_cast %get3A_2610 : vector<1x1x8x512xf32> to vector<8x512xf32>
    %eq3A_2612 = arith.constant 9 : i32
    %eq3A_2613 = vector.broadcast %eq3A_2612 : i32 to vector<8x512xi32>
    %eq3A_2614 = arith.cmpi eq, %slice3A_2505, %eq3A_2613 : vector<8x512xi32>
    %and3A_2615 = arith.andi %slice3A_2506, %eq3A_2614 : vector<8x512xi1>
    %select_n3A_2616 = arith.select %and3A_2615, %get3A_2611, %select_n3A_2605 : vector<8x512xi1>, vector<8x512xf32>
    %get3A_2617 = arith.constant 0 : index
    %get3A_2618 = arith.index_cast %convert_element_type3A_1512 : i32 to index
    %get3A_2619 = arith.constant 0 : index
    %get3A_2620 = arith.constant 2560 : index
    %get3A_2621 = vector.load %arg3[%get3A_2617, %get3A_2618, %get3A_2619, %get3A_2620] : memref<1x81x8x4096xf32, #tpu.memory_space<vmem>>, vector<1x1x8x512xf32>
    %get3A_2622 = vector.shape_cast %get3A_2621 : vector<1x1x8x512xf32> to vector<8x512xf32>
    %eq3A_2623 = arith.constant 10 : i32
    %eq3A_2624 = vector.broadcast %eq3A_2623 : i32 to vector<8x512xi32>
    %eq3A_2625 = arith.cmpi eq, %slice3A_2505, %eq3A_2624 : vector<8x512xi32>
    %and3A_2626 = arith.andi %slice3A_2506, %eq3A_2625 : vector<8x512xi1>
    %select_n3A_2627 = arith.select %and3A_2626, %get3A_2622, %select_n3A_2616 : vector<8x512xi1>, vector<8x512xf32>
    %get3A_2628 = arith.constant 0 : index
    %get3A_2629 = arith.index_cast %convert_element_type3A_1513 : i32 to index
    %get3A_2630 = arith.constant 0 : index
    %get3A_2631 = arith.constant 2560 : index
    %get3A_2632 = vector.load %arg3[%get3A_2628, %get3A_2629, %get3A_2630, %get3A_2631] : memref<1x81x8x4096xf32, #tpu.memory_space<vmem>>, vector<1x1x8x512xf32>
    %get3A_2633 = vector.shape_cast %get3A_2632 : vector<1x1x8x512xf32> to vector<8x512xf32>
    %eq3A_2634 = arith.constant 11 : i32
    %eq3A_2635 = vector.broadcast %eq3A_2634 : i32 to vector<8x512xi32>
    %eq3A_2636 = arith.cmpi eq, %slice3A_2505, %eq3A_2635 : vector<8x512xi32>
    %and3A_2637 = arith.andi %slice3A_2506, %eq3A_2636 : vector<8x512xi1>
    %select_n3A_2638 = arith.select %and3A_2637, %get3A_2633, %select_n3A_2627 : vector<8x512xi1>, vector<8x512xf32>
    %get3A_2639 = arith.constant 0 : index
    %get3A_2640 = arith.index_cast %convert_element_type3A_1514 : i32 to index
    %get3A_2641 = arith.constant 0 : index
    %get3A_2642 = arith.constant 2560 : index
    %get3A_2643 = vector.load %arg3[%get3A_2639, %get3A_2640, %get3A_2641, %get3A_2642] : memref<1x81x8x4096xf32, #tpu.memory_space<vmem>>, vector<1x1x8x512xf32>
    %get3A_2644 = vector.shape_cast %get3A_2643 : vector<1x1x8x512xf32> to vector<8x512xf32>
    %eq3A_2645 = arith.constant 12 : i32
    %eq3A_2646 = vector.broadcast %eq3A_2645 : i32 to vector<8x512xi32>
    %eq3A_2647 = arith.cmpi eq, %slice3A_2505, %eq3A_2646 : vector<8x512xi32>
    %and3A_2648 = arith.andi %slice3A_2506, %eq3A_2647 : vector<8x512xi1>
    %select_n3A_2649 = arith.select %and3A_2648, %get3A_2644, %select_n3A_2638 : vector<8x512xi1>, vector<8x512xf32>
    %get3A_2650 = arith.constant 0 : index
    %get3A_2651 = arith.index_cast %convert_element_type3A_1515 : i32 to index
    %get3A_2652 = arith.constant 0 : index
    %get3A_2653 = arith.constant 2560 : index
    %get3A_2654 = vector.load %arg3[%get3A_2650, %get3A_2651, %get3A_2652, %get3A_2653] : memref<1x81x8x4096xf32, #tpu.memory_space<vmem>>, vector<1x1x8x512xf32>
    %get3A_2655 = vector.shape_cast %get3A_2654 : vector<1x1x8x512xf32> to vector<8x512xf32>
    %eq3A_2656 = arith.constant 13 : i32
    %eq3A_2657 = vector.broadcast %eq3A_2656 : i32 to vector<8x512xi32>
    %eq3A_2658 = arith.cmpi eq, %slice3A_2505, %eq3A_2657 : vector<8x512xi32>
    %and3A_2659 = arith.andi %slice3A_2506, %eq3A_2658 : vector<8x512xi1>
    %select_n3A_2660 = arith.select %and3A_2659, %get3A_2655, %select_n3A_2649 : vector<8x512xi1>, vector<8x512xf32>
    %get3A_2661 = arith.constant 0 : index
    %get3A_2662 = arith.index_cast %convert_element_type3A_1516 : i32 to index
    %get3A_2663 = arith.constant 0 : index
    %get3A_2664 = arith.constant 2560 : index
    %get3A_2665 = vector.load %arg3[%get3A_2661, %get3A_2662, %get3A_2663, %get3A_2664] : memref<1x81x8x4096xf32, #tpu.memory_space<vmem>>, vector<1x1x8x512xf32>
    %get3A_2666 = vector.shape_cast %get3A_2665 : vector<1x1x8x512xf32> to vector<8x512xf32>
    %eq3A_2667 = arith.constant 14 : i32
    %eq3A_2668 = vector.broadcast %eq3A_2667 : i32 to vector<8x512xi32>
    %eq3A_2669 = arith.cmpi eq, %slice3A_2505, %eq3A_2668 : vector<8x512xi32>
    %and3A_2670 = arith.andi %slice3A_2506, %eq3A_2669 : vector<8x512xi1>
    %select_n3A_2671 = arith.select %and3A_2670, %get3A_2666, %select_n3A_2660 : vector<8x512xi1>, vector<8x512xf32>
    %get3A_2672 = arith.constant 0 : index
    %get3A_2673 = arith.index_cast %convert_element_type3A_1517 : i32 to index
    %get3A_2674 = arith.constant 0 : index
    %get3A_2675 = arith.constant 2560 : index
    %get3A_2676 = vector.load %arg3[%get3A_2672, %get3A_2673, %get3A_2674, %get3A_2675] : memref<1x81x8x4096xf32, #tpu.memory_space<vmem>>, vector<1x1x8x512xf32>
    %get3A_2677 = vector.shape_cast %get3A_2676 : vector<1x1x8x512xf32> to vector<8x512xf32>
    %eq3A_2678 = arith.constant 15 : i32
    %eq3A_2679 = vector.broadcast %eq3A_2678 : i32 to vector<8x512xi32>
    %eq3A_2680 = arith.cmpi eq, %slice3A_2505, %eq3A_2679 : vector<8x512xi32>
    %and3A_2681 = arith.andi %slice3A_2506, %eq3A_2680 : vector<8x512xi1>
    %select_n3A_2682 = arith.select %and3A_2681, %get3A_2677, %select_n3A_2671 : vector<8x512xi1>, vector<8x512xf32>
    %log3A_2683 = math.log %reduce_sum3A_2498 : vector<8x512xf32>
    %sub3A_2684 = arith.subf %log3A_2683, %select_n3A_2682 : vector<8x512xf32>
    %get3A_2685 = arith.constant 0 : index
    %get3A_2686 = arith.constant 0 : index
    %get3A_2687 = arith.constant 0 : index
    %get3A_2688 = arith.constant 3072 : index
    %get3A_2689 = vector.load %arg3[%get3A_2685, %get3A_2686, %get3A_2687, %get3A_2688] : memref<1x81x8x4096xf32, #tpu.memory_space<vmem>>, vector<1x81x8x512xf32>
    %get3A_2690 = vector.shape_cast %get3A_2689 : vector<1x81x8x512xf32> to vector<81x8x512xf32>
    %exp3A_2691 = math.exp %get3A_2690 : vector<81x8x512xf32>
    %reduce_sum3A_2692 = arith.constant dense<0.000000e+00> : vector<8x512xf32>
    %reduce_sum3A_2693 = vector.multi_reduction <add>, %exp3A_2691, %reduce_sum3A_2692 [0] : vector<81x8x512xf32> to vector<8x512xf32>
    %get3A_2694 = arith.constant 0 : index
    %get3A_2695 = arith.constant 0 : index
    %get3A_2696 = arith.constant 0 : index
    %get3A_2697 = arith.constant 3072 : index
    %get3A_2698 = vector.load %arg3[%get3A_2694, %get3A_2695, %get3A_2696, %get3A_2697] : memref<1x81x8x4096xf32, #tpu.memory_space<vmem>>, vector<1x1x8x512xf32>
    %get3A_2699 = vector.shape_cast %get3A_2698 : vector<1x1x8x512xf32> to vector<8x512xf32>
    %slice3A_2700 = vector.extract_strided_slice %select_n3A_1212 {offsets = [0, 3072], sizes = [8, 512], strides = [1, 1]} : vector<8x4096xi32> to vector<8x512xi32>
    %slice3A_2701 = vector.extract_strided_slice %gt3A_1442 {offsets = [0, 3072], sizes = [8, 512], strides = [1, 1]} : vector<8x4096xi1> to vector<8x512xi1>
    %get3A_2702 = arith.constant 0 : index
    %get3A_2703 = arith.index_cast %convert_element_type3A_1502 : i32 to index
    %get3A_2704 = arith.constant 0 : index
    %get3A_2705 = arith.constant 3072 : index
    %get3A_2706 = vector.load %arg3[%get3A_2702, %get3A_2703, %get3A_2704, %get3A_2705] : memref<1x81x8x4096xf32, #tpu.memory_space<vmem>>, vector<1x1x8x512xf32>
    %get3A_2707 = vector.shape_cast %get3A_2706 : vector<1x1x8x512xf32> to vector<8x512xf32>
    %eq3A_2708 = arith.constant 0 : i32
    %eq3A_2709 = vector.broadcast %eq3A_2708 : i32 to vector<8x512xi32>
    %eq3A_2710 = arith.cmpi eq, %slice3A_2700, %eq3A_2709 : vector<8x512xi32>
    %and3A_2711 = arith.andi %slice3A_2701, %eq3A_2710 : vector<8x512xi1>
    %select_n3A_2712 = arith.select %and3A_2711, %get3A_2707, %get3A_2699 : vector<8x512xi1>, vector<8x512xf32>
    %get3A_2713 = arith.constant 0 : index
    %get3A_2714 = arith.index_cast %convert_element_type3A_1503 : i32 to index
    %get3A_2715 = arith.constant 0 : index
    %get3A_2716 = arith.constant 3072 : index
    %get3A_2717 = vector.load %arg3[%get3A_2713, %get3A_2714, %get3A_2715, %get3A_2716] : memref<1x81x8x4096xf32, #tpu.memory_space<vmem>>, vector<1x1x8x512xf32>
    %get3A_2718 = vector.shape_cast %get3A_2717 : vector<1x1x8x512xf32> to vector<8x512xf32>
    %eq3A_2719 = arith.constant 1 : i32
    %eq3A_2720 = vector.broadcast %eq3A_2719 : i32 to vector<8x512xi32>
    %eq3A_2721 = arith.cmpi eq, %slice3A_2700, %eq3A_2720 : vector<8x512xi32>
    %and3A_2722 = arith.andi %slice3A_2701, %eq3A_2721 : vector<8x512xi1>
    %select_n3A_2723 = arith.select %and3A_2722, %get3A_2718, %select_n3A_2712 : vector<8x512xi1>, vector<8x512xf32>
    %get3A_2724 = arith.constant 0 : index
    %get3A_2725 = arith.index_cast %convert_element_type3A_1504 : i32 to index
    %get3A_2726 = arith.constant 0 : index
    %get3A_2727 = arith.constant 3072 : index
    %get3A_2728 = vector.load %arg3[%get3A_2724, %get3A_2725, %get3A_2726, %get3A_2727] : memref<1x81x8x4096xf32, #tpu.memory_space<vmem>>, vector<1x1x8x512xf32>
    %get3A_2729 = vector.shape_cast %get3A_2728 : vector<1x1x8x512xf32> to vector<8x512xf32>
    %eq3A_2730 = arith.constant 2 : i32
    %eq3A_2731 = vector.broadcast %eq3A_2730 : i32 to vector<8x512xi32>
    %eq3A_2732 = arith.cmpi eq, %slice3A_2700, %eq3A_2731 : vector<8x512xi32>
    %and3A_2733 = arith.andi %slice3A_2701, %eq3A_2732 : vector<8x512xi1>
    %select_n3A_2734 = arith.select %and3A_2733, %get3A_2729, %select_n3A_2723 : vector<8x512xi1>, vector<8x512xf32>
    %get3A_2735 = arith.constant 0 : index
    %get3A_2736 = arith.index_cast %convert_element_type3A_1505 : i32 to index
    %get3A_2737 = arith.constant 0 : index
    %get3A_2738 = arith.constant 3072 : index
    %get3A_2739 = vector.load %arg3[%get3A_2735, %get3A_2736, %get3A_2737, %get3A_2738] : memref<1x81x8x4096xf32, #tpu.memory_space<vmem>>, vector<1x1x8x512xf32>
    %get3A_2740 = vector.shape_cast %get3A_2739 : vector<1x1x8x512xf32> to vector<8x512xf32>
    %eq3A_2741 = arith.constant 3 : i32
    %eq3A_2742 = vector.broadcast %eq3A_2741 : i32 to vector<8x512xi32>
    %eq3A_2743 = arith.cmpi eq, %slice3A_2700, %eq3A_2742 : vector<8x512xi32>
    %and3A_2744 = arith.andi %slice3A_2701, %eq3A_2743 : vector<8x512xi1>
    %select_n3A_2745 = arith.select %and3A_2744, %get3A_2740, %select_n3A_2734 : vector<8x512xi1>, vector<8x512xf32>
    %get3A_2746 = arith.constant 0 : index
    %get3A_2747 = arith.index_cast %convert_element_type3A_1506 : i32 to index
    %get3A_2748 = arith.constant 0 : index
    %get3A_2749 = arith.constant 3072 : index
    %get3A_2750 = vector.load %arg3[%get3A_2746, %get3A_2747, %get3A_2748, %get3A_2749] : memref<1x81x8x4096xf32, #tpu.memory_space<vmem>>, vector<1x1x8x512xf32>
    %get3A_2751 = vector.shape_cast %get3A_2750 : vector<1x1x8x512xf32> to vector<8x512xf32>
    %eq3A_2752 = arith.constant 4 : i32
    %eq3A_2753 = vector.broadcast %eq3A_2752 : i32 to vector<8x512xi32>
    %eq3A_2754 = arith.cmpi eq, %slice3A_2700, %eq3A_2753 : vector<8x512xi32>
    %and3A_2755 = arith.andi %slice3A_2701, %eq3A_2754 : vector<8x512xi1>
    %select_n3A_2756 = arith.select %and3A_2755, %get3A_2751, %select_n3A_2745 : vector<8x512xi1>, vector<8x512xf32>
    %get3A_2757 = arith.constant 0 : index
    %get3A_2758 = arith.index_cast %convert_element_type3A_1507 : i32 to index
    %get3A_2759 = arith.constant 0 : index
    %get3A_2760 = arith.constant 3072 : index
    %get3A_2761 = vector.load %arg3[%get3A_2757, %get3A_2758, %get3A_2759, %get3A_2760] : memref<1x81x8x4096xf32, #tpu.memory_space<vmem>>, vector<1x1x8x512xf32>
    %get3A_2762 = vector.shape_cast %get3A_2761 : vector<1x1x8x512xf32> to vector<8x512xf32>
    %eq3A_2763 = arith.constant 5 : i32
    %eq3A_2764 = vector.broadcast %eq3A_2763 : i32 to vector<8x512xi32>
    %eq3A_2765 = arith.cmpi eq, %slice3A_2700, %eq3A_2764 : vector<8x512xi32>
    %and3A_2766 = arith.andi %slice3A_2701, %eq3A_2765 : vector<8x512xi1>
    %select_n3A_2767 = arith.select %and3A_2766, %get3A_2762, %select_n3A_2756 : vector<8x512xi1>, vector<8x512xf32>
    %get3A_2768 = arith.constant 0 : index
    %get3A_2769 = arith.index_cast %convert_element_type3A_1508 : i32 to index
    %get3A_2770 = arith.constant 0 : index
    %get3A_2771 = arith.constant 3072 : index
    %get3A_2772 = vector.load %arg3[%get3A_2768, %get3A_2769, %get3A_2770, %get3A_2771] : memref<1x81x8x4096xf32, #tpu.memory_space<vmem>>, vector<1x1x8x512xf32>
    %get3A_2773 = vector.shape_cast %get3A_2772 : vector<1x1x8x512xf32> to vector<8x512xf32>
    %eq3A_2774 = arith.constant 6 : i32
    %eq3A_2775 = vector.broadcast %eq3A_2774 : i32 to vector<8x512xi32>
    %eq3A_2776 = arith.cmpi eq, %slice3A_2700, %eq3A_2775 : vector<8x512xi32>
    %and3A_2777 = arith.andi %slice3A_2701, %eq3A_2776 : vector<8x512xi1>
    %select_n3A_2778 = arith.select %and3A_2777, %get3A_2773, %select_n3A_2767 : vector<8x512xi1>, vector<8x512xf32>
    %get3A_2779 = arith.constant 0 : index
    %get3A_2780 = arith.index_cast %convert_element_type3A_1509 : i32 to index
    %get3A_2781 = arith.constant 0 : index
    %get3A_2782 = arith.constant 3072 : index
    %get3A_2783 = vector.load %arg3[%get3A_2779, %get3A_2780, %get3A_2781, %get3A_2782] : memref<1x81x8x4096xf32, #tpu.memory_space<vmem>>, vector<1x1x8x512xf32>
    %get3A_2784 = vector.shape_cast %get3A_2783 : vector<1x1x8x512xf32> to vector<8x512xf32>
    %eq3A_2785 = arith.constant 7 : i32
    %eq3A_2786 = vector.broadcast %eq3A_2785 : i32 to vector<8x512xi32>
    %eq3A_2787 = arith.cmpi eq, %slice3A_2700, %eq3A_2786 : vector<8x512xi32>
    %and3A_2788 = arith.andi %slice3A_2701, %eq3A_2787 : vector<8x512xi1>
    %select_n3A_2789 = arith.select %and3A_2788, %get3A_2784, %select_n3A_2778 : vector<8x512xi1>, vector<8x512xf32>
    %get3A_2790 = arith.constant 0 : index
    %get3A_2791 = arith.index_cast %convert_element_type3A_1510 : i32 to index
    %get3A_2792 = arith.constant 0 : index
    %get3A_2793 = arith.constant 3072 : index
    %get3A_2794 = vector.load %arg3[%get3A_2790, %get3A_2791, %get3A_2792, %get3A_2793] : memref<1x81x8x4096xf32, #tpu.memory_space<vmem>>, vector<1x1x8x512xf32>
    %get3A_2795 = vector.shape_cast %get3A_2794 : vector<1x1x8x512xf32> to vector<8x512xf32>
    %eq3A_2796 = arith.constant 8 : i32
    %eq3A_2797 = vector.broadcast %eq3A_2796 : i32 to vector<8x512xi32>
    %eq3A_2798 = arith.cmpi eq, %slice3A_2700, %eq3A_2797 : vector<8x512xi32>
    %and3A_2799 = arith.andi %slice3A_2701, %eq3A_2798 : vector<8x512xi1>
    %select_n3A_2800 = arith.select %and3A_2799, %get3A_2795, %select_n3A_2789 : vector<8x512xi1>, vector<8x512xf32>
    %get3A_2801 = arith.constant 0 : index
    %get3A_2802 = arith.index_cast %convert_element_type3A_1511 : i32 to index
    %get3A_2803 = arith.constant 0 : index
    %get3A_2804 = arith.constant 3072 : index
    %get3A_2805 = vector.load %arg3[%get3A_2801, %get3A_2802, %get3A_2803, %get3A_2804] : memref<1x81x8x4096xf32, #tpu.memory_space<vmem>>, vector<1x1x8x512xf32>
    %get3A_2806 = vector.shape_cast %get3A_2805 : vector<1x1x8x512xf32> to vector<8x512xf32>
    %eq3A_2807 = arith.constant 9 : i32
    %eq3A_2808 = vector.broadcast %eq3A_2807 : i32 to vector<8x512xi32>
    %eq3A_2809 = arith.cmpi eq, %slice3A_2700, %eq3A_2808 : vector<8x512xi32>
    %and3A_2810 = arith.andi %slice3A_2701, %eq3A_2809 : vector<8x512xi1>
    %select_n3A_2811 = arith.select %and3A_2810, %get3A_2806, %select_n3A_2800 : vector<8x512xi1>, vector<8x512xf32>
    %get3A_2812 = arith.constant 0 : index
    %get3A_2813 = arith.index_cast %convert_element_type3A_1512 : i32 to index
    %get3A_2814 = arith.constant 0 : index
    %get3A_2815 = arith.constant 3072 : index
    %get3A_2816 = vector.load %arg3[%get3A_2812, %get3A_2813, %get3A_2814, %get3A_2815] : memref<1x81x8x4096xf32, #tpu.memory_space<vmem>>, vector<1x1x8x512xf32>
    %get3A_2817 = vector.shape_cast %get3A_2816 : vector<1x1x8x512xf32> to vector<8x512xf32>
    %eq3A_2818 = arith.constant 10 : i32
    %eq3A_2819 = vector.broadcast %eq3A_2818 : i32 to vector<8x512xi32>
    %eq3A_2820 = arith.cmpi eq, %slice3A_2700, %eq3A_2819 : vector<8x512xi32>
    %and3A_2821 = arith.andi %slice3A_2701, %eq3A_2820 : vector<8x512xi1>
    %select_n3A_2822 = arith.select %and3A_2821, %get3A_2817, %select_n3A_2811 : vector<8x512xi1>, vector<8x512xf32>
    %get3A_2823 = arith.constant 0 : index
    %get3A_2824 = arith.index_cast %convert_element_type3A_1513 : i32 to index
    %get3A_2825 = arith.constant 0 : index
    %get3A_2826 = arith.constant 3072 : index
    %get3A_2827 = vector.load %arg3[%get3A_2823, %get3A_2824, %get3A_2825, %get3A_2826] : memref<1x81x8x4096xf32, #tpu.memory_space<vmem>>, vector<1x1x8x512xf32>
    %get3A_2828 = vector.shape_cast %get3A_2827 : vector<1x1x8x512xf32> to vector<8x512xf32>
    %eq3A_2829 = arith.constant 11 : i32
    %eq3A_2830 = vector.broadcast %eq3A_2829 : i32 to vector<8x512xi32>
    %eq3A_2831 = arith.cmpi eq, %slice3A_2700, %eq3A_2830 : vector<8x512xi32>
    %and3A_2832 = arith.andi %slice3A_2701, %eq3A_2831 : vector<8x512xi1>
    %select_n3A_2833 = arith.select %and3A_2832, %get3A_2828, %select_n3A_2822 : vector<8x512xi1>, vector<8x512xf32>
    %get3A_2834 = arith.constant 0 : index
    %get3A_2835 = arith.index_cast %convert_element_type3A_1514 : i32 to index
    %get3A_2836 = arith.constant 0 : index
    %get3A_2837 = arith.constant 3072 : index
    %get3A_2838 = vector.load %arg3[%get3A_2834, %get3A_2835, %get3A_2836, %get3A_2837] : memref<1x81x8x4096xf32, #tpu.memory_space<vmem>>, vector<1x1x8x512xf32>
    %get3A_2839 = vector.shape_cast %get3A_2838 : vector<1x1x8x512xf32> to vector<8x512xf32>
    %eq3A_2840 = arith.constant 12 : i32
    %eq3A_2841 = vector.broadcast %eq3A_2840 : i32 to vector<8x512xi32>
    %eq3A_2842 = arith.cmpi eq, %slice3A_2700, %eq3A_2841 : vector<8x512xi32>
    %and3A_2843 = arith.andi %slice3A_2701, %eq3A_2842 : vector<8x512xi1>
    %select_n3A_2844 = arith.select %and3A_2843, %get3A_2839, %select_n3A_2833 : vector<8x512xi1>, vector<8x512xf32>
    %get3A_2845 = arith.constant 0 : index
    %get3A_2846 = arith.index_cast %convert_element_type3A_1515 : i32 to index
    %get3A_2847 = arith.constant 0 : index
    %get3A_2848 = arith.constant 3072 : index
    %get3A_2849 = vector.load %arg3[%get3A_2845, %get3A_2846, %get3A_2847, %get3A_2848] : memref<1x81x8x4096xf32, #tpu.memory_space<vmem>>, vector<1x1x8x512xf32>
    %get3A_2850 = vector.shape_cast %get3A_2849 : vector<1x1x8x512xf32> to vector<8x512xf32>
    %eq3A_2851 = arith.constant 13 : i32
    %eq3A_2852 = vector.broadcast %eq3A_2851 : i32 to vector<8x512xi32>
    %eq3A_2853 = arith.cmpi eq, %slice3A_2700, %eq3A_2852 : vector<8x512xi32>
    %and3A_2854 = arith.andi %slice3A_2701, %eq3A_2853 : vector<8x512xi1>
    %select_n3A_2855 = arith.select %and3A_2854, %get3A_2850, %select_n3A_2844 : vector<8x512xi1>, vector<8x512xf32>
    %get3A_2856 = arith.constant 0 : index
    %get3A_2857 = arith.index_cast %convert_element_type3A_1516 : i32 to index
    %get3A_2858 = arith.constant 0 : index
    %get3A_2859 = arith.constant 3072 : index
    %get3A_2860 = vector.load %arg3[%get3A_2856, %get3A_2857, %get3A_2858, %get3A_2859] : memref<1x81x8x4096xf32, #tpu.memory_space<vmem>>, vector<1x1x8x512xf32>
    %get3A_2861 = vector.shape_cast %get3A_2860 : vector<1x1x8x512xf32> to vector<8x512xf32>
    %eq3A_2862 = arith.constant 14 : i32
    %eq3A_2863 = vector.broadcast %eq3A_2862 : i32 to vector<8x512xi32>
    %eq3A_2864 = arith.cmpi eq, %slice3A_2700, %eq3A_2863 : vector<8x512xi32>
    %and3A_2865 = arith.andi %slice3A_2701, %eq3A_2864 : vector<8x512xi1>
    %select_n3A_2866 = arith.select %and3A_2865, %get3A_2861, %select_n3A_2855 : vector<8x512xi1>, vector<8x512xf32>
    %get3A_2867 = arith.constant 0 : index
    %get3A_2868 = arith.index_cast %convert_element_type3A_1517 : i32 to index
    %get3A_2869 = arith.constant 0 : index
    %get3A_2870 = arith.constant 3072 : index
    %get3A_2871 = vector.load %arg3[%get3A_2867, %get3A_2868, %get3A_2869, %get3A_2870] : memref<1x81x8x4096xf32, #tpu.memory_space<vmem>>, vector<1x1x8x512xf32>
    %get3A_2872 = vector.shape_cast %get3A_2871 : vector<1x1x8x512xf32> to vector<8x512xf32>
    %eq3A_2873 = arith.constant 15 : i32
    %eq3A_2874 = vector.broadcast %eq3A_2873 : i32 to vector<8x512xi32>
    %eq3A_2875 = arith.cmpi eq, %slice3A_2700, %eq3A_2874 : vector<8x512xi32>
    %and3A_2876 = arith.andi %slice3A_2701, %eq3A_2875 : vector<8x512xi1>
    %select_n3A_2877 = arith.select %and3A_2876, %get3A_2872, %select_n3A_2866 : vector<8x512xi1>, vector<8x512xf32>
    %log3A_2878 = math.log %reduce_sum3A_2693 : vector<8x512xf32>
    %sub3A_2879 = arith.subf %log3A_2878, %select_n3A_2877 : vector<8x512xf32>
    %get3A_2880 = arith.constant 0 : index
    %get3A_2881 = arith.constant 0 : index
    %get3A_2882 = arith.constant 0 : index
    %get3A_2883 = arith.constant 3584 : index
    %get3A_2884 = vector.load %arg3[%get3A_2880, %get3A_2881, %get3A_2882, %get3A_2883] : memref<1x81x8x4096xf32, #tpu.memory_space<vmem>>, vector<1x81x8x512xf32>
    %get3A_2885 = vector.shape_cast %get3A_2884 : vector<1x81x8x512xf32> to vector<81x8x512xf32>
    %exp3A_2886 = math.exp %get3A_2885 : vector<81x8x512xf32>
    %reduce_sum3A_2887 = arith.constant dense<0.000000e+00> : vector<8x512xf32>
    %reduce_sum3A_2888 = vector.multi_reduction <add>, %exp3A_2886, %reduce_sum3A_2887 [0] : vector<81x8x512xf32> to vector<8x512xf32>
    %get3A_2889 = arith.constant 0 : index
    %get3A_2890 = arith.constant 0 : index
    %get3A_2891 = arith.constant 0 : index
    %get3A_2892 = arith.constant 3584 : index
    %get3A_2893 = vector.load %arg3[%get3A_2889, %get3A_2890, %get3A_2891, %get3A_2892] : memref<1x81x8x4096xf32, #tpu.memory_space<vmem>>, vector<1x1x8x512xf32>
    %get3A_2894 = vector.shape_cast %get3A_2893 : vector<1x1x8x512xf32> to vector<8x512xf32>
    %slice3A_2895 = vector.extract_strided_slice %select_n3A_1212 {offsets = [0, 3584], sizes = [8, 512], strides = [1, 1]} : vector<8x4096xi32> to vector<8x512xi32>
    %slice3A_2896 = vector.extract_strided_slice %gt3A_1442 {offsets = [0, 3584], sizes = [8, 512], strides = [1, 1]} : vector<8x4096xi1> to vector<8x512xi1>
    %get3A_2897 = arith.constant 0 : index
    %get3A_2898 = arith.index_cast %convert_element_type3A_1502 : i32 to index
    %get3A_2899 = arith.constant 0 : index
    %get3A_2900 = arith.constant 3584 : index
    %get3A_2901 = vector.load %arg3[%get3A_2897, %get3A_2898, %get3A_2899, %get3A_2900] : memref<1x81x8x4096xf32, #tpu.memory_space<vmem>>, vector<1x1x8x512xf32>
    %get3A_2902 = vector.shape_cast %get3A_2901 : vector<1x1x8x512xf32> to vector<8x512xf32>
    %eq3A_2903 = arith.constant 0 : i32
    %eq3A_2904 = vector.broadcast %eq3A_2903 : i32 to vector<8x512xi32>
    %eq3A_2905 = arith.cmpi eq, %slice3A_2895, %eq3A_2904 : vector<8x512xi32>
    %and3A_2906 = arith.andi %slice3A_2896, %eq3A_2905 : vector<8x512xi1>
    %select_n3A_2907 = arith.select %and3A_2906, %get3A_2902, %get3A_2894 : vector<8x512xi1>, vector<8x512xf32>
    %get3A_2908 = arith.constant 0 : index
    %get3A_2909 = arith.index_cast %convert_element_type3A_1503 : i32 to index
    %get3A_2910 = arith.constant 0 : index
    %get3A_2911 = arith.constant 3584 : index
    %get3A_2912 = vector.load %arg3[%get3A_2908, %get3A_2909, %get3A_2910, %get3A_2911] : memref<1x81x8x4096xf32, #tpu.memory_space<vmem>>, vector<1x1x8x512xf32>
    %get3A_2913 = vector.shape_cast %get3A_2912 : vector<1x1x8x512xf32> to vector<8x512xf32>
    %eq3A_2914 = arith.constant 1 : i32
    %eq3A_2915 = vector.broadcast %eq3A_2914 : i32 to vector<8x512xi32>
    %eq3A_2916 = arith.cmpi eq, %slice3A_2895, %eq3A_2915 : vector<8x512xi32>
    %and3A_2917 = arith.andi %slice3A_2896, %eq3A_2916 : vector<8x512xi1>
    %select_n3A_2918 = arith.select %and3A_2917, %get3A_2913, %select_n3A_2907 : vector<8x512xi1>, vector<8x512xf32>
    %get3A_2919 = arith.constant 0 : index
    %get3A_2920 = arith.index_cast %convert_element_type3A_1504 : i32 to index
    %get3A_2921 = arith.constant 0 : index
    %get3A_2922 = arith.constant 3584 : index
    %get3A_2923 = vector.load %arg3[%get3A_2919, %get3A_2920, %get3A_2921, %get3A_2922] : memref<1x81x8x4096xf32, #tpu.memory_space<vmem>>, vector<1x1x8x512xf32>
    %get3A_2924 = vector.shape_cast %get3A_2923 : vector<1x1x8x512xf32> to vector<8x512xf32>
    %eq3A_2925 = arith.constant 2 : i32
    %eq3A_2926 = vector.broadcast %eq3A_2925 : i32 to vector<8x512xi32>
    %eq3A_2927 = arith.cmpi eq, %slice3A_2895, %eq3A_2926 : vector<8x512xi32>
    %and3A_2928 = arith.andi %slice3A_2896, %eq3A_2927 : vector<8x512xi1>
    %select_n3A_2929 = arith.select %and3A_2928, %get3A_2924, %select_n3A_2918 : vector<8x512xi1>, vector<8x512xf32>
    %get3A_2930 = arith.constant 0 : index
    %get3A_2931 = arith.index_cast %convert_element_type3A_1505 : i32 to index
    %get3A_2932 = arith.constant 0 : index
    %get3A_2933 = arith.constant 3584 : index
    %get3A_2934 = vector.load %arg3[%get3A_2930, %get3A_2931, %get3A_2932, %get3A_2933] : memref<1x81x8x4096xf32, #tpu.memory_space<vmem>>, vector<1x1x8x512xf32>
    %get3A_2935 = vector.shape_cast %get3A_2934 : vector<1x1x8x512xf32> to vector<8x512xf32>
    %eq3A_2936 = arith.constant 3 : i32
    %eq3A_2937 = vector.broadcast %eq3A_2936 : i32 to vector<8x512xi32>
    %eq3A_2938 = arith.cmpi eq, %slice3A_2895, %eq3A_2937 : vector<8x512xi32>
    %and3A_2939 = arith.andi %slice3A_2896, %eq3A_2938 : vector<8x512xi1>
    %select_n3A_2940 = arith.select %and3A_2939, %get3A_2935, %select_n3A_2929 : vector<8x512xi1>, vector<8x512xf32>
    %get3A_2941 = arith.constant 0 : index
    %get3A_2942 = arith.index_cast %convert_element_type3A_1506 : i32 to index
    %get3A_2943 = arith.constant 0 : index
    %get3A_2944 = arith.constant 3584 : index
    %get3A_2945 = vector.load %arg3[%get3A_2941, %get3A_2942, %get3A_2943, %get3A_2944] : memref<1x81x8x4096xf32, #tpu.memory_space<vmem>>, vector<1x1x8x512xf32>
    %get3A_2946 = vector.shape_cast %get3A_2945 : vector<1x1x8x512xf32> to vector<8x512xf32>
    %eq3A_2947 = arith.constant 4 : i32
    %eq3A_2948 = vector.broadcast %eq3A_2947 : i32 to vector<8x512xi32>
    %eq3A_2949 = arith.cmpi eq, %slice3A_2895, %eq3A_2948 : vector<8x512xi32>
    %and3A_2950 = arith.andi %slice3A_2896, %eq3A_2949 : vector<8x512xi1>
    %select_n3A_2951 = arith.select %and3A_2950, %get3A_2946, %select_n3A_2940 : vector<8x512xi1>, vector<8x512xf32>
    %get3A_2952 = arith.constant 0 : index
    %get3A_2953 = arith.index_cast %convert_element_type3A_1507 : i32 to index
    %get3A_2954 = arith.constant 0 : index
    %get3A_2955 = arith.constant 3584 : index
    %get3A_2956 = vector.load %arg3[%get3A_2952, %get3A_2953, %get3A_2954, %get3A_2955] : memref<1x81x8x4096xf32, #tpu.memory_space<vmem>>, vector<1x1x8x512xf32>
    %get3A_2957 = vector.shape_cast %get3A_2956 : vector<1x1x8x512xf32> to vector<8x512xf32>
    %eq3A_2958 = arith.constant 5 : i32
    %eq3A_2959 = vector.broadcast %eq3A_2958 : i32 to vector<8x512xi32>
    %eq3A_2960 = arith.cmpi eq, %slice3A_2895, %eq3A_2959 : vector<8x512xi32>
    %and3A_2961 = arith.andi %slice3A_2896, %eq3A_2960 : vector<8x512xi1>
    %select_n3A_2962 = arith.select %and3A_2961, %get3A_2957, %select_n3A_2951 : vector<8x512xi1>, vector<8x512xf32>
    %get3A_2963 = arith.constant 0 : index
    %get3A_2964 = arith.index_cast %convert_element_type3A_1508 : i32 to index
    %get3A_2965 = arith.constant 0 : index
    %get3A_2966 = arith.constant 3584 : index
    %get3A_2967 = vector.load %arg3[%get3A_2963, %get3A_2964, %get3A_2965, %get3A_2966] : memref<1x81x8x4096xf32, #tpu.memory_space<vmem>>, vector<1x1x8x512xf32>
    %get3A_2968 = vector.shape_cast %get3A_2967 : vector<1x1x8x512xf32> to vector<8x512xf32>
    %eq3A_2969 = arith.constant 6 : i32
    %eq3A_2970 = vector.broadcast %eq3A_2969 : i32 to vector<8x512xi32>
    %eq3A_2971 = arith.cmpi eq, %slice3A_2895, %eq3A_2970 : vector<8x512xi32>
    %and3A_2972 = arith.andi %slice3A_2896, %eq3A_2971 : vector<8x512xi1>
    %select_n3A_2973 = arith.select %and3A_2972, %get3A_2968, %select_n3A_2962 : vector<8x512xi1>, vector<8x512xf32>
    %get3A_2974 = arith.constant 0 : index
    %get3A_2975 = arith.index_cast %convert_element_type3A_1509 : i32 to index
    %get3A_2976 = arith.constant 0 : index
    %get3A_2977 = arith.constant 3584 : index
    %get3A_2978 = vector.load %arg3[%get3A_2974, %get3A_2975, %get3A_2976, %get3A_2977] : memref<1x81x8x4096xf32, #tpu.memory_space<vmem>>, vector<1x1x8x512xf32>
    %get3A_2979 = vector.shape_cast %get3A_2978 : vector<1x1x8x512xf32> to vector<8x512xf32>
    %eq3A_2980 = arith.constant 7 : i32
    %eq3A_2981 = vector.broadcast %eq3A_2980 : i32 to vector<8x512xi32>
    %eq3A_2982 = arith.cmpi eq, %slice3A_2895, %eq3A_2981 : vector<8x512xi32>
    %and3A_2983 = arith.andi %slice3A_2896, %eq3A_2982 : vector<8x512xi1>
    %select_n3A_2984 = arith.select %and3A_2983, %get3A_2979, %select_n3A_2973 : vector<8x512xi1>, vector<8x512xf32>
    %get3A_2985 = arith.constant 0 : index
    %get3A_2986 = arith.index_cast %convert_element_type3A_1510 : i32 to index
    %get3A_2987 = arith.constant 0 : index
    %get3A_2988 = arith.constant 3584 : index
    %get3A_2989 = vector.load %arg3[%get3A_2985, %get3A_2986, %get3A_2987, %get3A_2988] : memref<1x81x8x4096xf32, #tpu.memory_space<vmem>>, vector<1x1x8x512xf32>
    %get3A_2990 = vector.shape_cast %get3A_2989 : vector<1x1x8x512xf32> to vector<8x512xf32>
    %eq3A_2991 = arith.constant 8 : i32
    %eq3A_2992 = vector.broadcast %eq3A_2991 : i32 to vector<8x512xi32>
    %eq3A_2993 = arith.cmpi eq, %slice3A_2895, %eq3A_2992 : vector<8x512xi32>
    %and3A_2994 = arith.andi %slice3A_2896, %eq3A_2993 : vector<8x512xi1>
    %select_n3A_2995 = arith.select %and3A_2994, %get3A_2990, %select_n3A_2984 : vector<8x512xi1>, vector<8x512xf32>
    %get3A_2996 = arith.constant 0 : index
    %get3A_2997 = arith.index_cast %convert_element_type3A_1511 : i32 to index
    %get3A_2998 = arith.constant 0 : index
    %get3A_2999 = arith.constant 3584 : index
    %get3A_3000 = vector.load %arg3[%get3A_2996, %get3A_2997, %get3A_2998, %get3A_2999] : memref<1x81x8x4096xf32, #tpu.memory_space<vmem>>, vector<1x1x8x512xf32>
    %get3A_3001 = vector.shape_cast %get3A_3000 : vector<1x1x8x512xf32> to vector<8x512xf32>
    %eq3A_3002 = arith.constant 9 : i32
    %eq3A_3003 = vector.broadcast %eq3A_3002 : i32 to vector<8x512xi32>
    %eq3A_3004 = arith.cmpi eq, %slice3A_2895, %eq3A_3003 : vector<8x512xi32>
    %and3A_3005 = arith.andi %slice3A_2896, %eq3A_3004 : vector<8x512xi1>
    %select_n3A_3006 = arith.select %and3A_3005, %get3A_3001, %select_n3A_2995 : vector<8x512xi1>, vector<8x512xf32>
    %get3A_3007 = arith.constant 0 : index
    %get3A_3008 = arith.index_cast %convert_element_type3A_1512 : i32 to index
    %get3A_3009 = arith.constant 0 : index
    %get3A_3010 = arith.constant 3584 : index
    %get3A_3011 = vector.load %arg3[%get3A_3007, %get3A_3008, %get3A_3009, %get3A_3010] : memref<1x81x8x4096xf32, #tpu.memory_space<vmem>>, vector<1x1x8x512xf32>
    %get3A_3012 = vector.shape_cast %get3A_3011 : vector<1x1x8x512xf32> to vector<8x512xf32>
    %eq3A_3013 = arith.constant 10 : i32
    %eq3A_3014 = vector.broadcast %eq3A_3013 : i32 to vector<8x512xi32>
    %eq3A_3015 = arith.cmpi eq, %slice3A_2895, %eq3A_3014 : vector<8x512xi32>
    %and3A_3016 = arith.andi %slice3A_2896, %eq3A_3015 : vector<8x512xi1>
    %select_n3A_3017 = arith.select %and3A_3016, %get3A_3012, %select_n3A_3006 : vector<8x512xi1>, vector<8x512xf32>
    %get3A_3018 = arith.constant 0 : index
    %get3A_3019 = arith.index_cast %convert_element_type3A_1513 : i32 to index
    %get3A_3020 = arith.constant 0 : index
    %get3A_3021 = arith.constant 3584 : index
    %get3A_3022 = vector.load %arg3[%get3A_3018, %get3A_3019, %get3A_3020, %get3A_3021] : memref<1x81x8x4096xf32, #tpu.memory_space<vmem>>, vector<1x1x8x512xf32>
    %get3A_3023 = vector.shape_cast %get3A_3022 : vector<1x1x8x512xf32> to vector<8x512xf32>
    %eq3A_3024 = arith.constant 11 : i32
    %eq3A_3025 = vector.broadcast %eq3A_3024 : i32 to vector<8x512xi32>
    %eq3A_3026 = arith.cmpi eq, %slice3A_2895, %eq3A_3025 : vector<8x512xi32>
    %and3A_3027 = arith.andi %slice3A_2896, %eq3A_3026 : vector<8x512xi1>
    %select_n3A_3028 = arith.select %and3A_3027, %get3A_3023, %select_n3A_3017 : vector<8x512xi1>, vector<8x512xf32>
    %get3A_3029 = arith.constant 0 : index
    %get3A_3030 = arith.index_cast %convert_element_type3A_1514 : i32 to index
    %get3A_3031 = arith.constant 0 : index
    %get3A_3032 = arith.constant 3584 : index
    %get3A_3033 = vector.load %arg3[%get3A_3029, %get3A_3030, %get3A_3031, %get3A_3032] : memref<1x81x8x4096xf32, #tpu.memory_space<vmem>>, vector<1x1x8x512xf32>
    %get3A_3034 = vector.shape_cast %get3A_3033 : vector<1x1x8x512xf32> to vector<8x512xf32>
    %eq3A_3035 = arith.constant 12 : i32
    %eq3A_3036 = vector.broadcast %eq3A_3035 : i32 to vector<8x512xi32>
    %eq3A_3037 = arith.cmpi eq, %slice3A_2895, %eq3A_3036 : vector<8x512xi32>
    %and3A_3038 = arith.andi %slice3A_2896, %eq3A_3037 : vector<8x512xi1>
    %select_n3A_3039 = arith.select %and3A_3038, %get3A_3034, %select_n3A_3028 : vector<8x512xi1>, vector<8x512xf32>
    %get3A_3040 = arith.constant 0 : index
    %get3A_3041 = arith.index_cast %convert_element_type3A_1515 : i32 to index
    %get3A_3042 = arith.constant 0 : index
    %get3A_3043 = arith.constant 3584 : index
    %get3A_3044 = vector.load %arg3[%get3A_3040, %get3A_3041, %get3A_3042, %get3A_3043] : memref<1x81x8x4096xf32, #tpu.memory_space<vmem>>, vector<1x1x8x512xf32>
    %get3A_3045 = vector.shape_cast %get3A_3044 : vector<1x1x8x512xf32> to vector<8x512xf32>
    %eq3A_3046 = arith.constant 13 : i32
    %eq3A_3047 = vector.broadcast %eq3A_3046 : i32 to vector<8x512xi32>
    %eq3A_3048 = arith.cmpi eq, %slice3A_2895, %eq3A_3047 : vector<8x512xi32>
    %and3A_3049 = arith.andi %slice3A_2896, %eq3A_3048 : vector<8x512xi1>
    %select_n3A_3050 = arith.select %and3A_3049, %get3A_3045, %select_n3A_3039 : vector<8x512xi1>, vector<8x512xf32>
    %get3A_3051 = arith.constant 0 : index
    %get3A_3052 = arith.index_cast %convert_element_type3A_1516 : i32 to index
    %get3A_3053 = arith.constant 0 : index
    %get3A_3054 = arith.constant 3584 : index
    %get3A_3055 = vector.load %arg3[%get3A_3051, %get3A_3052, %get3A_3053, %get3A_3054] : memref<1x81x8x4096xf32, #tpu.memory_space<vmem>>, vector<1x1x8x512xf32>
    %get3A_3056 = vector.shape_cast %get3A_3055 : vector<1x1x8x512xf32> to vector<8x512xf32>
    %eq3A_3057 = arith.constant 14 : i32
    %eq3A_3058 = vector.broadcast %eq3A_3057 : i32 to vector<8x512xi32>
    %eq3A_3059 = arith.cmpi eq, %slice3A_2895, %eq3A_3058 : vector<8x512xi32>
    %and3A_3060 = arith.andi %slice3A_2896, %eq3A_3059 : vector<8x512xi1>
    %select_n3A_3061 = arith.select %and3A_3060, %get3A_3056, %select_n3A_3050 : vector<8x512xi1>, vector<8x512xf32>
    %get3A_3062 = arith.constant 0 : index
    %get3A_3063 = arith.index_cast %convert_element_type3A_1517 : i32 to index
    %get3A_3064 = arith.constant 0 : index
    %get3A_3065 = arith.constant 3584 : index
    %get3A_3066 = vector.load %arg3[%get3A_3062, %get3A_3063, %get3A_3064, %get3A_3065] : memref<1x81x8x4096xf32, #tpu.memory_space<vmem>>, vector<1x1x8x512xf32>
    %get3A_3067 = vector.shape_cast %get3A_3066 : vector<1x1x8x512xf32> to vector<8x512xf32>
    %eq3A_3068 = arith.constant 15 : i32
    %eq3A_3069 = vector.broadcast %eq3A_3068 : i32 to vector<8x512xi32>
    %eq3A_3070 = arith.cmpi eq, %slice3A_2895, %eq3A_3069 : vector<8x512xi32>
    %and3A_3071 = arith.andi %slice3A_2896, %eq3A_3070 : vector<8x512xi1>
    %select_n3A_3072 = arith.select %and3A_3071, %get3A_3067, %select_n3A_3061 : vector<8x512xi1>, vector<8x512xf32>
    %log3A_3073 = math.log %reduce_sum3A_2888 : vector<8x512xf32>
    %sub3A_3074 = arith.subf %log3A_3073, %select_n3A_3072 : vector<8x512xf32>
    %concatenate3A = tpu.concatenate %sub3A_1709, %sub3A_1904, %sub3A_2099, %sub3A_2294, %sub3A_2489, %sub3A_2684, %sub3A_2879, %sub3A_3074 in 1 : vector<8x512xf32>, vector<8x512xf32>, vector<8x512xf32>, vector<8x512xf32>, vector<8x512xf32>, vector<8x512xf32>, vector<8x512xf32>, vector<8x512xf32> -> vector<8x4096xf32>
    %convert_element_type3A_3075 = arith.extui %gt3A_1442 : vector<8x4096xi1> to vector<8x4096xi32>
    %reduce_sum3A_3076 = vector.shape_cast %convert_element_type3A_3075 : vector<8x4096xi32> to vector<1x8x4096xi32>
    %reduce_sum3A_3077 = arith.constant dense<0> : vector<1xi32>
    %reduce_sum3A_3078 = vector.multi_reduction <add>, %reduce_sum3A_3076, %reduce_sum3A_3077 [1, 2] : vector<1x8x4096xi32> to vector<1xi32>
    %reduce_sum3A_3079 = vector.shape_cast %reduce_sum3A_3078 : vector<1xi32> to vector<1x1x1xi32>
    %reduce_sum3A_3080 = vector.extract %reduce_sum3A_3079[0, 0, 0] : i32 from vector<1x1x1xi32>
    %broadcast_in_dim3A_3081 = vector.broadcast %reduce_sum3A_3080 : i32 to vector<1x1xi32>
    %mul3A_3082 = arith.constant 3 : i32
    %mul3A_3083 = vector.broadcast %mul3A_3082 : i32 to vector<1x1xi32>
    %mul3A_3084 = arith.muli %mul3A_3083, %broadcast_in_dim3A_3081 : vector<1x1xi32>
    %min3A_3085 = arith.constant 32768 : i32
    %min3A_3086 = vector.broadcast %min3A_3085 : i32 to vector<1x1xi32>
    %min3A_3087 = arith.minsi %mul3A_3084, %min3A_3086 : vector<1x1xi32>
    %bitcast_convert_type3A = tpu.bitcast %concatenate3A : vector<8x4096xf32> -> vector<8x4096xi32>
    %jit3A_3088 = arith.constant 0 : i32
    %broadcast_in_dim3A_3089 = vector.broadcast %jit3A_3088 : i32 to vector<8x4096xi32>
    %select_n3A_3090 = arith.select %gt3A_1442, %broadcast_in_dim3A_3089, %bitcast_convert_type3A : vector<8x4096xi1>, vector<8x4096xi32>
    %broadcast_in_dim3A_3091 = arith.constant 0 : i32
    %broadcast_in_dim3A_3092 = vector.broadcast %broadcast_in_dim3A_3091 : i32 to vector<1x1xi32>
    %scan3A = arith.constant 0 : i32
    %scan3A_3093 = arith.constant 20 : i32
    %scan3A_3094 = arith.addi %scan3A, %scan3A_3093 : i32
    %scan3A_3095 = arith.constant 1 : i32
    %scan3A_3096 = scf.for %scan3A_3151 = %scan3A to %scan3A_3094 step %scan3A_3095 iter_args(%scan3A_3152 = %broadcast_in_dim3A_3092) -> (vector<1x1xi32>)  : i32 {
      %sub3A_3153 = arith.constant 30 : i32
      %sub3A_3154 = arith.subi %sub3A_3153, %scan3A_3151 : i32
      %shift_left3A = arith.constant 1 : i32
      %shift_left3A_3155 = arith.shli %shift_left3A, %sub3A_3154 : i32
      %or3A = vector.broadcast %shift_left3A_3155 : i32 to vector<1x1xi32>
      %or3A_3156 = arith.ori %scan3A_3152, %or3A : vector<1x1xi32>
      %ge3A = vector.broadcast %or3A_3156 : vector<1x1xi32> to vector<8x4096xi32>
      %ge3A_3157 = arith.cmpi sge, %select_n3A_3090, %ge3A : vector<8x4096xi32>
      %convert_element_type3A_3158 = arith.extui %ge3A_3157 : vector<8x4096xi1> to vector<8x4096xi32>
      %reduce_sum3A_3159 = vector.shape_cast %convert_element_type3A_3158 : vector<8x4096xi32> to vector<1x8x4096xi32>
      %reduce_sum3A_3160 = arith.constant dense<0> : vector<1xi32>
      %reduce_sum3A_3161 = vector.multi_reduction <add>, %reduce_sum3A_3159, %reduce_sum3A_3160 [1, 2] : vector<1x8x4096xi32> to vector<1xi32>
      %reduce_sum3A_3162 = vector.shape_cast %reduce_sum3A_3161 : vector<1xi32> to vector<1x1x1xi32>
      %reduce_sum3A_3163 = vector.extract %reduce_sum3A_3162[0, 0, 0] : i32 from vector<1x1x1xi32>
      %broadcast_in_dim3A_3164 = vector.broadcast %reduce_sum3A_3163 : i32 to vector<1x1xi32>
      %ge3A_3165 = arith.cmpi sge, %broadcast_in_dim3A_3164, %min3A_3087 : vector<1x1xi32>
      %select_n3A_3166 = arith.select %ge3A_3165, %or3A_3156, %scan3A_3152 : vector<1x1xi1>, vector<1x1xi32>
      scf.yield %select_n3A_3166 : vector<1x1xi32>
    }
    %scan3A_3097 = arith.constant 20 : i32
    %gt3A_3098 = vector.broadcast %scan3A_3096 : vector<1x1xi32> to vector<8x4096xi32>
    %gt3A_3099 = arith.cmpi sgt, %select_n3A_3090, %gt3A_3098 : vector<8x4096xi32>
    %convert_element_type3A_3100 = arith.extui %gt3A_3099 : vector<8x4096xi1> to vector<8x4096xi32>
    %reduce_sum3A_3101 = vector.shape_cast %convert_element_type3A_3100 : vector<8x4096xi32> to vector<1x8x4096xi32>
    %reduce_sum3A_3102 = arith.constant dense<0> : vector<1xi32>
    %reduce_sum3A_3103 = vector.multi_reduction <add>, %reduce_sum3A_3101, %reduce_sum3A_3102 [1, 2] : vector<1x8x4096xi32> to vector<1xi32>
    %reduce_sum3A_3104 = vector.shape_cast %reduce_sum3A_3103 : vector<1xi32> to vector<1x1x1xi32>
    %reduce_sum3A_3105 = vector.extract %reduce_sum3A_3104[0, 0, 0] : i32 from vector<1x1x1xi32>
    %broadcast_in_dim3A_3106 = vector.broadcast %reduce_sum3A_3105 : i32 to vector<1x1xi32>
    %jit3A_3107 = arith.constant 0.000000e+00 : f32
    %broadcast_in_dim3A_3108 = vector.broadcast %jit3A_3107 : f32 to vector<8x4096xf32>
    %select_n3A_3109 = arith.select %gt3A_3099, %concatenate3A, %broadcast_in_dim3A_3108 : vector<8x4096xi1>, vector<8x4096xf32>
    %reduce_sum3A_3110 = vector.shape_cast %select_n3A_3109 : vector<8x4096xf32> to vector<1x8x4096xf32>
    %reduce_sum3A_3111 = arith.constant dense<0.000000e+00> : vector<1xf32>
    %reduce_sum3A_3112 = vector.multi_reduction <add>, %reduce_sum3A_3110, %reduce_sum3A_3111 [1, 2] : vector<1x8x4096xf32> to vector<1xf32>
    %reduce_sum3A_3113 = vector.shape_cast %reduce_sum3A_3112 : vector<1xf32> to vector<1x1x1xf32>
    %reduce_sum3A_3114 = vector.extract %reduce_sum3A_3113[0, 0, 0] : f32 from vector<1x1x1xf32>
    %sub3A_3115 = arith.subi %min3A_3087, %broadcast_in_dim3A_3106 : vector<1x1xi32>
    %bitcast_convert_type3A_3116 = tpu.bitcast %scan3A_3096 : vector<1x1xi32> -> vector<1x1xf32>
    %squeeze3A = vector.extract %scan3A_3096[0, 0] : i32 from vector<1x1xi32>
    %gt3A_3117 = arith.constant 0 : i32
    %gt3A_3118 = arith.cmpi sgt, %squeeze3A, %gt3A_3117 : i32
    %convert_element_type3A_3119 = arith.extui %gt3A_3118 : i1 to i32
    %cond3A = arith.constant 0 : i32
    %cond3A_3120 = arith.cmpi ne, %convert_element_type3A_3119, %cond3A : i32
    %cond3A_3121 = scf.if %cond3A_3120 -> (f32) {
      %convert_element_type3A_3151 = arith.sitofp %sub3A_3115 : vector<1x1xi32> to vector<1x1xf32>
      %mul3A_3152 = arith.mulf %convert_element_type3A_3151, %bitcast_convert_type3A_3116 : vector<1x1xf32>
      %reduce_sum3A_3153 = vector.shape_cast %mul3A_3152 : vector<1x1xf32> to vector<1x1x1xf32>
      %reduce_sum3A_3154 = arith.constant dense<0.000000e+00> : vector<1xf32>
      %reduce_sum3A_3155 = vector.multi_reduction <add>, %reduce_sum3A_3153, %reduce_sum3A_3154 [1, 2] : vector<1x1x1xf32> to vector<1xf32>
      %reduce_sum3A_3156 = vector.shape_cast %reduce_sum3A_3155 : vector<1xf32> to vector<1x1x1xf32>
      %reduce_sum3A_3157 = vector.extract %reduce_sum3A_3156[0, 0, 0] : f32 from vector<1x1x1xf32>
      scf.yield %reduce_sum3A_3157 : f32
    } else {
      %eq3A_3151 = arith.constant 0 : i32
      %eq3A_3152 = vector.broadcast %eq3A_3151 : i32 to vector<8x4096xi32>
      %eq3A_3153 = arith.cmpi eq, %select_n3A_3090, %eq3A_3152 : vector<8x4096xi32>
      %broadcast_in_dim3A_3154 = arith.constant 0 : i32
      %broadcast_in_dim3A_3155 = vector.broadcast %broadcast_in_dim3A_3154 : i32 to vector<1x1xi32>
      %scan3A_3156 = arith.constant 0 : i32
      %scan3A_3157 = arith.constant 16 : i32
      %scan3A_3158 = arith.addi %scan3A_3156, %scan3A_3157 : i32
      %scan3A_3159 = arith.constant 1 : i32
      %scan3A_3160 = scf.for %scan3A_3173 = %scan3A_3156 to %scan3A_3158 step %scan3A_3159 iter_args(%scan3A_3174 = %broadcast_in_dim3A_3155) -> (vector<1x1xi32>)  : i32 {
        %sub3A_3175 = arith.constant 15 : i32
        %sub3A_3176 = arith.subi %sub3A_3175, %scan3A_3173 : i32
        %shift_left3A = arith.constant 1 : i32
        %shift_left3A_3177 = arith.shli %shift_left3A, %sub3A_3176 : i32
        %or3A = vector.broadcast %shift_left3A_3177 : i32 to vector<1x1xi32>
        %or3A_3178 = arith.ori %scan3A_3174, %or3A : vector<1x1xi32>
        %lt3A_3179 = vector.broadcast %or3A_3178 : vector<1x1xi32> to vector<8x4096xi32>
        %lt3A_3180 = arith.cmpi slt, %add3A_37, %lt3A_3179 : vector<8x4096xi32>
        %and3A_3181 = arith.andi %eq3A_3153, %lt3A_3180 : vector<8x4096xi1>
        %convert_element_type3A_3182 = arith.extui %and3A_3181 : vector<8x4096xi1> to vector<8x4096xi32>
        %reduce_sum3A_3183 = vector.shape_cast %convert_element_type3A_3182 : vector<8x4096xi32> to vector<1x8x4096xi32>
        %reduce_sum3A_3184 = arith.constant dense<0> : vector<1xi32>
        %reduce_sum3A_3185 = vector.multi_reduction <add>, %reduce_sum3A_3183, %reduce_sum3A_3184 [1, 2] : vector<1x8x4096xi32> to vector<1xi32>
        %reduce_sum3A_3186 = vector.shape_cast %reduce_sum3A_3185 : vector<1xi32> to vector<1x1x1xi32>
        %reduce_sum3A_3187 = vector.extract %reduce_sum3A_3186[0, 0, 0] : i32 from vector<1x1x1xi32>
        %broadcast_in_dim3A_3188 = vector.broadcast %reduce_sum3A_3187 : i32 to vector<1x1xi32>
        %le3A = arith.cmpi sle, %broadcast_in_dim3A_3188, %sub3A_3115 : vector<1x1xi32>
        %select_n3A_3189 = arith.select %le3A, %or3A_3178, %scan3A_3174 : vector<1x1xi1>, vector<1x1xi32>
        scf.yield %select_n3A_3189 : vector<1x1xi32>
      }
      %scan3A_3161 = arith.constant 16 : i32
      %lt3A_3162 = vector.broadcast %scan3A_3160 : vector<1x1xi32> to vector<8x4096xi32>
      %lt3A_3163 = arith.cmpi slt, %add3A_37, %lt3A_3162 : vector<8x4096xi32>
      %and3A_3164 = arith.andi %eq3A_3153, %lt3A_3163 : vector<8x4096xi1>
      %jit3A_3165 = arith.constant 0.000000e+00 : f32
      %broadcast_in_dim3A_3166 = vector.broadcast %jit3A_3165 : f32 to vector<8x4096xf32>
      %select_n3A_3167 = arith.select %and3A_3164, %concatenate3A, %broadcast_in_dim3A_3166 : vector<8x4096xi1>, vector<8x4096xf32>
      %reduce_sum3A_3168 = vector.shape_cast %select_n3A_3167 : vector<8x4096xf32> to vector<1x8x4096xf32>
      %reduce_sum3A_3169 = arith.constant dense<0.000000e+00> : vector<1xf32>
      %reduce_sum3A_3170 = vector.multi_reduction <add>, %reduce_sum3A_3168, %reduce_sum3A_3169 [1, 2] : vector<1x8x4096xf32> to vector<1xf32>
      %reduce_sum3A_3171 = vector.shape_cast %reduce_sum3A_3170 : vector<1xf32> to vector<1x1x1xf32>
      %reduce_sum3A_3172 = vector.extract %reduce_sum3A_3171[0, 0, 0] : f32 from vector<1x1x1xf32>
      scf.yield %reduce_sum3A_3172 : f32
    }
    %jit3A_3122 = arith.constant 0.000000e+00 : f32
    %broadcast_in_dim3A_3123 = vector.broadcast %jit3A_3122 : f32 to vector<8x4096xf32>
    %select_n3A_3124 = arith.select %gt3A_1442, %concatenate3A, %broadcast_in_dim3A_3123 : vector<8x4096xi1>, vector<8x4096xf32>
    %reduce_sum3A_3125 = vector.shape_cast %select_n3A_3124 : vector<8x4096xf32> to vector<1x8x4096xf32>
    %reduce_sum3A_3126 = arith.constant dense<0.000000e+00> : vector<1xf32>
    %reduce_sum3A_3127 = vector.multi_reduction <add>, %reduce_sum3A_3125, %reduce_sum3A_3126 [1, 2] : vector<1x8x4096xf32> to vector<1xf32>
    %reduce_sum3A_3128 = vector.shape_cast %reduce_sum3A_3127 : vector<1xf32> to vector<1x1x1xf32>
    %reduce_sum3A_3129 = vector.extract %reduce_sum3A_3128[0, 0, 0] : f32 from vector<1x1x1xf32>
    %reshape3A = vector.broadcast %reduce_sum3A_1501 : f32 to vector<1x1xf32>
    %swap3A = arith.constant 0 : index
    %swap3A_3130 = arith.constant 0 : index
    %swap3A_3131 = arith.constant 0 : index
    %swap3A_3132 = vector.load %arg5[%swap3A, %swap3A_3130, %swap3A_3131] : memref<1x1x1xf32, #tpu.memory_space<vmem>>, vector<1x1x1xf32>
    %swap3A_3133 = vector.shape_cast %swap3A_3132 : vector<1x1x1xf32> to vector<1x1xf32>
    %swap3A_3134 = vector.shape_cast %reshape3A : vector<1x1xf32> to vector<1x1x1xf32>
    tpu.vector_store %arg5[%swap3A, %swap3A_3130, %swap3A_3131], %swap3A_3134 {strides = array<i32>} : memref<1x1x1xf32, #tpu.memory_space<vmem>>, vector<1x1x1xf32>,
    %add3A_3135 = arith.addf %reduce_sum3A_3129, %reduce_sum3A_3114 : f32
    %add3A_3136 = arith.addf %add3A_3135, %cond3A_3121 : f32
    %reshape3A_3137 = vector.broadcast %add3A_3136 : f32 to vector<1x1xf32>
    %swap3A_3138 = arith.constant 0 : index
    %swap3A_3139 = arith.constant 0 : index
    %swap3A_3140 = arith.constant 0 : index
    %swap3A_3141 = vector.load %arg6[%swap3A_3138, %swap3A_3139, %swap3A_3140] : memref<1x1x1xf32, #tpu.memory_space<vmem>>, vector<1x1x1xf32>
    %swap3A_3142 = vector.shape_cast %swap3A_3141 : vector<1x1x1xf32> to vector<1x1xf32>
    %swap3A_3143 = vector.shape_cast %reshape3A_3137 : vector<1x1xf32> to vector<1x1x1xf32>
    tpu.vector_store %arg6[%swap3A_3138, %swap3A_3139, %swap3A_3140], %swap3A_3143 {strides = array<i32>} : memref<1x1x1xf32, #tpu.memory_space<vmem>>, vector<1x1x1xf32>,
    %convert_element_type3A_3144 = arith.sitofp %broadcast_in_dim3A_3081 : vector<1x1xi32> to vector<1x1xf32>
    %swap3A_3145 = arith.constant 0 : index
    %swap3A_3146 = arith.constant 0 : index
    %swap3A_3147 = arith.constant 0 : index
    %swap3A_3148 = vector.load %arg7[%swap3A_3145, %swap3A_3146, %swap3A_3147] : memref<1x1x1xf32, #tpu.memory_space<vmem>>, vector<1x1x1xf32>
    %swap3A_3149 = vector.shape_cast %swap3A_3148 : vector<1x1x1xf32> to vector<1x1xf32>
    %swap3A_3150 = vector.shape_cast %convert_element_type3A_3144 : vector<1x1xf32> to vector<1x1x1xf32>
    tpu.vector_store %arg7[%swap3A_3145, %swap3A_3146, %swap3A_3147], %swap3A_3150 {strides = array<i32>} : memref<1x1x1xf32, #tpu.memory_space<vmem>>, vector<1x1x1xf32>,
    return
  }
  func.func @transform_0(%arg0: i32) -> (i32, i32, i32) {
    %c0_i32 = arith.constant 0 : i32
    %c0_i32_0 = arith.constant 0 : i32
    %c0_i32_1 = arith.constant 0 : i32
    return %arg0, %c0_i32, %c0_i32_0 : i32, i32, i32
  }
  func.func @transform_1(%arg0: i32) -> (i32, i32, i32) {
    %c0_i32 = arith.constant 0 : i32
    %c0_i32_0 = arith.constant 0 : i32
    %c0_i32_1 = arith.constant 0 : i32
    %c0_i32_2 = arith.constant 0 : i32
    return %c0_i32, %c0_i32_0, %c0_i32_1 : i32, i32, i32
  }
  func.func @transform_2(%arg0: i32) -> (i32, i32, i32, i32) {
    %c0_i32 = arith.constant 0 : i32
    %c0_i32_0 = arith.constant 0 : i32
    %c0_i32_1 = arith.constant 0 : i32
    %c0_i32_2 = arith.constant 0 : i32
    return %arg0, %c0_i32, %c0_i32_0, %c0_i32_1 : i32, i32, i32, i32
  }
  func.func @transform_3(%arg0: i32) -> (i32, i32, i32, i32) {
    %c0_i32 = arith.constant 0 : i32
    %c0_i32_0 = arith.constant 0 : i32
    %c0_i32_1 = arith.constant 0 : i32
    %c0_i32_2 = arith.constant 0 : i32
    return %arg0, %c0_i32, %c0_i32_0, %c0_i32_1 : i32, i32, i32, i32
  }
  func.func @transform_4(%arg0: i32) -> (i32, i32, i32) {
    %c0_i32 = arith.constant 0 : i32
    %c0_i32_0 = arith.constant 0 : i32
    %c0_i32_1 = arith.constant 0 : i32
    return %arg0, %c0_i32, %c0_i32_0 : i32, i32, i32
  }
  func.func @transform_5(%arg0: i32) -> (i32, i32, i32) {
    %c0_i32 = arith.constant 0 : i32
    %c0_i32_0 = arith.constant 0 : i32
    %c0_i32_1 = arith.constant 0 : i32
    return %arg0, %c0_i32, %c0_i32_0 : i32, i32, i32
  }
  func.func @transform_6(%arg0: i32) -> (i32, i32, i32) {
    %c0_i32 = arith.constant 0 : i32
    %c0_i32_0 = arith.constant 0 : i32
    %c0_i32_1 = arith.constant 0 : i32
    return %arg0, %c0_i32, %c0_i32_0 : i32, i32, i32
  }
}

</mosaic_0001>

<sc_bundles>
// kernel: sparse-core-data-format-call.cloned.1.call-start
scs
called_computation_lowered:
.L_overlay_start_0:
0x0: {  	s2 =	sld [smem:$0x3FD9]  }
0x1: {  	s3 =	sld [smem:$0x3FFE];
	_ =	sdelay $0x1  }
0x2: {  	s1 =	srdreg.scid  }
0x3: {  	s0 =	sand.u32 $0x1, s1  }
0x4: {  	s18 =	sshll.u32 s0, $0xA;
	s2 =	sadd.s32 s3, s2  }
0x5: {  	s2 =	sadd.s32 s2, s18  }
0x6: {  	[smem:$0x3FC4] =	sst s2  }
0x7: {  	_ = 	snop  }
0x8: {  	s2 =	sld [smem:$0x3FC8];
	(tm) =	ssettm $0x1  }
0x9: {  	s19 =	sld [smem:$0x3FFB];
	_ =	sdelay $0x3  }
0xa: {  	_ =	strace s19  }
0xb: {  	s3 =	sld [smem:$0x3FFC];
	_ =	sdelay $0x3  }
0xc: {  	_ =	strace s3  }
0xd: {  	s3 =	sld [smem:$0x3FFD];
	_ =	sdelay $0x3  }
0xe: {  	_ =	strace s3  }
0xf: {  	_ =	strace $0x8FFFFFFF  }
0x10: {  	s20 =	sld [smem:$0x3FDB];
	_ =	sdelay $0x1  }
0x11: {  	s4 =	simm.s32 $_scs_section_size  }
0x12: {  	s5 =	simm.s32 $_size__tile_overlayer_lowered;
	s6 =	simm.s32 $_tile_overlayer_lowered  }
0x13: {  	s23 =	simm.s32 $0x1BFF;
	s22 =	sshll.u32 s6, $0x1;
	s3 =	sadd.s32 s4, s20  }
0x14: {  	s7 =	simm.s32 $0x0;
	s21 =	sshll.u32 s5, $0x1;
	s5 =	sadd.s32 s22, s3  }
0x15: {  	[timem:s7], [sflag:s23] =	dma.local [hbm:s5], s21  }
0x16: {  	_ =	swait.ge [sflag:s23], s21  }
0x17: {  	s4 =	ssub.s32 $0x0, s21;
	[sflag:s23] =	ssyncset.done $0x0  }
0x18: {  	[sflag:s23] =	ssyncadd.s32 s4;
	_ =	sdelay $0x1  }
0x19: {  	s24 =	simm.s32 $0x1B8B  }
0x1a: {  	_ =	swait.ge [sflag:s24], $0x1  }
0x1b: {  	[sflag:s24] =	ssyncset.done $0x0  }
0x1c: {  	s26 =	simm.s32 $0x1B8E;
	s25 =	sld [smem:$0x3FFE];
	[sflag:s24] =	ssyncadd.s32 $0xFFFFFFFF  }
0x1d: {  	s27 =	simm.s32 $execute0_lowered;
	[smem:$0x3FD2] =	sst s26  }
0x1e: {  	s5 =	sshll.u32 s27, $0x1;
	_ =	strace $0x80000046;
	[dreg:$0x1] =	wrdreg $0xFFFFFFFF  }
0x1f: {  	s28 =	simm.s32 $_size_execute0_lowered;
	s3 =	sadd.s32 s3, s5;
	[dreg:$0x0] =	wrdreg $0x0  }
0x20: {  	s5 =	sshll.u32 s28, $0x1;
	[dreg:$0x2] =	wrdreg s3  }
0x21: {  	[dreg:$0x3] =	wrdreg s5  }
0x22: {  	[dreg:$0x4] =	wrdreg $0xC0  }
0x23: {  	_ =	task [dreg:s7], $0x5FFFF  }
0x24: {  	[dreg:$0x1] =	wrdreg $0xFFFFFFFF  }
0x25: {  	[dreg:$0x0] =	wrdreg $0x60  }
0x26: {  	[dreg:$0x2] =	wrdreg s2  }
0x27: {  	[dreg:$0x3] =	wrdreg s25  }
0x28: {  	[dreg:$0x4] =	wrdreg $0x9  }
0x29: {  	_ =	task.clear_ibuf [dreg:s7], $0x5FFFF;
	_ =	strace $0x90000046  }
0x2a: {  	s29 =	simm.s32 $0x9;
	_ =	strace $0x80000048  }
0x2b: {  	_ =	swait.ge [sflag:s29], $0x1  }
0x2c: {  	[sflag:s29] =	ssyncadd.s32 $0xFFFFFFFF  }
0x2d: {  	_ =	strace $0x90000048  }
0x2e: {  	_ =	sfence  }
0x2f: {  	s30 =	sld [smem:$0x0];
	_ =	sdelay $0x2  }
0x30: {  	s31 =	sshll.u32 s1, $0xD;
	s1 =	sshrl.u32 s1, $0x2  }
0x31: {  	s3 =	sand.u32 $0x4000, s31;
	s1 =	sadd.s32 s1, s30  }
0x32: {  	s0 =	sor.u32 s3, s0;
	s1 =	sshll.u32 s1, $0x11  }
0x33: {  	s0 =	sor.u32 s1, s0  }
0x34: {  	s0 =	sadd.s32 $0x8F2B, s0  }
0x35: {  	[sflag:s0] =	ssyncadd.remote.s32 $0x1  }
0x36: {  	_ =	sfence.sel $0xFFFF  }
0x37: {  	[dreg:$0x0] =	wrdreg $0xFFFFFFFF;
	(pc) =	sbr.abs _section_cstart, $3  }
0x38: {  	[dreg:$0x1] =	wrdreg $0xFFFFFFFF  }
0x39: {  	_ =	task.clear_ibuf [dreg:s7], $0x2FFFF;
	_ =	strace $0x9FFFFFFF  }
0x3a: {  	(tm) =	ssettm $0x7FFFFFFF  }
0x3b: {  	_ =	shalt  }
tec
execute0_lowered:
.L_overlay_start_1:
0x0: {  	(tag) =	ssettag $0x1  }
0x1: {  	s0 =	stileid.u32  }
0x2: {  	s1 =	srdreg.scid;
	s7 =	rddreg [dreg:$0x0]  }
0x3: {  	s6 =	rddreg [dreg:$0x1];
	s31 =	simm.s32 $0x2;
	s14 =	simm.s32 $0x0  }
0x4: {  	s10 =	simm.s32 $0x8000;
	s2 =	sshll.u32 s0, $0x7;
	s1 =	sshll.u32 s1, $0xB  }
0x5: {  	s11 =	simm.s32 $0x0;
	s15 =	simm.s32 $0x0;
	s1 =	sor.u32 s2, s1  }
0x6: {  	s13 =	simm.s32 $0x0;
	s2 =	sand.u32 $0x1, s0;
	s1 =	sand.u32 $0xF00, s1  }
0x7: {  	s21 =	simm.s32 $0x0;
	s4 =	ssub.s32 $0x144, s2;
	s3 =	ssub.s32 $0x1000, s1  }
0x8: {  	s6 =	sadd.s32 $0x200, s6;
	s8 =	sshrl.u32 s4, $0x1;
	s5 =	sand.u32 $0xF00, s3  }
0x9: {  	s4 =	sand.u32 $0x1, s4;
	p0 =	sne.s32 s5, $0x0;
	s5 =	simm.s32 $0x1  }
.Ltmp0:
0xa: {  	s9 =	sshrl.u32 s3, $0xC;
	s5 =	simm.s32 @!p0 $0x0;
	(pc) =	sbr.rel .LBB1_1-.Ltmp0, $4  }
0xb: {  	s3 =	rddreg [dreg:$0x2];
	s8 =	sadd.s32 s4, s8;
	s5 =	sadd.s32 s5, s9  }
0xc: {  	_ =	strace $0x80000047;
	s4 =	simm.s32 $0x1;
	s5 =	smul.u32 s8, s5  }
0xd: {  	s12 =	smov.u32 s2;
	s7 =	sadd.s32 s7, s1;
	[sflag:s4] =	ssyncpa.u1 $0x0  }
0xe: {  	[sflag:s31] =	ssyncpa.u1 $0x0;
	s9 =	simm.s32 $0x800;
	s8 =	sadd.s32 $0x1, s5  }
.LBB1_7:
0xf: {  	s16 =	sadd.s32 $0x2, s12  }
0x10: {  	p1 =	sgt.s32 s16, $0x143  }
0x11: {  	s16 =	smov.u32 @p1 s2;
	p1 =	sne.s32 s13, s8  }
.Ltmp1:
0x12: {  	p0 =	slt.u32 s13, $0x2;
	(pc) =	sbr.rel @!p1 .LBB1_8-.Ltmp1, $4  }
0x13: {  	s14 =	simm.s32 @!p0 $0x2  }
0x14: {  	s17 =	sadd.s32 $0x1, s13;
	s15 =	smov.u32 s12;
	_ =	swait.ge @!p0 [sflag:s14], $0x4000  }
0x15: {  	s11 =	sadd.s32 $0x4000, s11;
	s13 =	smov.u32 s17;
	[sflag:s14] =	ssyncset.done @!p0 $0x0  }
0x16: {  	s12 =	smov.u32 s16;
	[sflag:s14] =	ssyncadd.s32 @!p0 $0xFFFFC000;
	s14 =	smov.u32 s1  }
.LBB1_1:
0x17: {  	p0 =	sge.u32 s13, s5  }
0x18: {  	s31 =	sadd.s32 $0xFFFFFFFF, s13;
	s16 =	sxor.u32 @!p0 $0xFFFFFFFF, s13  }
0x19: {  	s17 =	sshll.u32 @!p0 s12, $0xF;
	s18 =	simm.s32 @!p0 $0x800;
	s16 =	sshll.u32 @!p0 s16, $0xE  }
0x1a: {  	s19 =	simm.s32 @!p0 $0x8000;
	s17 =	sadd.s32 @!p0 s17, s7;
	s16 =	sand.u32 @!p0 $0x4000, s16  }
0x1b: {  	[tilespmem:s16], [sflag:$0x1] =	stream.strided.gather @!p0 [hbm4b:s17+s18], $0x4000, s19, s18, $0x38;
	[tilespmem:$0x10000] =	vst v63  }
0x1c: {  	p0 =	sge.u32 s31, s5  }
.Ltmp2:
0x1d: {  	_ = 	snop;
	(pc) =	sbr.rel @p0 .LBB1_7-.Ltmp2, $1  }
0x1e: {  	_ =	sdelay $0x3  }
0x1f: {  	s16 =	sshll.u32 s11, $0x2;
	_ =	swait.ge [sflag:s4], $0x4000;
	s17 =	sshll.u32 s13, $0xE  }
0x20: {  	p0 =	por $0x0, $0x0;
	s22 =	simm.s32 $0x0;
	s23 =	simm.s32 $0x0  }
0x21: {  	s16 =	sand.u32 $0x10000, s16;
	[sflag:s4] =	ssyncset.done $0x0;
	s19 =	sand.u32 $0x4000, s17  }
0x22: {  	s20 =	sshrl.u32 s16, $0x2;
	[sflag:s4] =	ssyncadd.s32 $0xFFFFC000;
	s17 =	sor.u32 $0x8000, s19  }
0x23: {  	s16 =	sor.u32 $0x40, s20;
	s18 =	sor.u32 $0x8410, s20;
	s20 =	sadd.s32 $0x8400, s20  }
.LBB1_3:
0x24: {  	v1 =	vld [tilespmem:s16+$0xFFFFFFD0]  }
0x25: {  	v2 =	vld [tilespmem:s16+$0x430]  }
0x26: {  	s24 =	sshll.u32 s23, $0xB;
	v4 =	vld [tilespmem:s16+$0xFFFFFFE0]  }
0x27: {  	v7 =	vld [tilespmem:s16+$0xFFFFFFF0];
	v0 =	vmov s24  }
0x28: {  	v8 =	vld [tilespmem:s16+$0x0]  }
0x29: {  	s30 =	sand.u32 $0x300, s21;
	v9 =	vld [tilespmem:s16+$0x10]  }
0x2a: {  	s25 =	sand.u32 $0x80, s21;
	v10 =	vld [tilespmem:s16+$0x20];
	s24 =	sadd.s32 s30, s19  }
0x2b: {  	v11 =	vld [tilespmem:s16+$0x30];
	s24 =	sadd.s32 s25, s24;
	s25 =	simm.s32 $0x1;
	[tilespmem:s18+$0x60] =	vst v2  }
0x2c: {  	s31 =	sshll.u32 s22, $0x2;
	s25 =	simm.s32 @!p0 $0x0;
	[tilespmem:s18+$0xFFFFFC00] =	vst v1;
	v3 =	vld.idx.msk [tilespmem:v0+s24+$0x400 ss:$0x1], $0xffff  }
0x2d: {  	v6 =	vld [tilespmem:s16+$0x3D0];
	s25 =	sshll.u32 s25, $0x9;
	[tilespmem:s18+$0xFFFFFC10] =	vst v4;
	s24 =	sand.u32 $0xFFFFFC00, s31  }
0x2e: {  	v5 =	vld [tilespmem:s16+$0x3E0];
	[tilespmem:s18+$0xFFFFFC20] =	vst v7;
	s24 =	sor.u32 s25, s24  }
0x2f: {  	[tilespmem:s18+$0xFFFFFC30] =	vst v8;
	v4 =	vld [tilespmem:s16+$0x400];
	s24 =	sshrl.u32 s24, $0x2  }
0x30: {  	[tilespmem:s18+$0xFFFFFC40] =	vst v9;
	v1 =	vld [tilespmem:s16+$0x410];
	s24 =	sadd.s32 s24, s20  }
0x31: {  	[tilespmem:s24+$0x0] =	vst v3;
	v3 =	vld [tilespmem:s16+$0x3F0]  }
0x32: {  	s28 =	simm.s32 $0x80;
	s27 =	simm.s32 $0x100;
	[tilespmem:s18+$0xFFFFFC50] =	vst v10;
	v2 =	vld [tilespmem:s16+$0x420]  }
0x33: {  	s26 =	smov.u32 s18;
	s29 =	sand.u32 $0x300, s28;
	v7 =	vld [tilespmem:s16+$0xFFFFFFC0];
	[tilespmem:s18+$0xFFFFFC60] =	vst v11;
	s25 =	sadd.s32 $0x80, s16  }
.LBB1_4:
0x34: {  	p1 =	sne.s32 s27, $0x380;
	v8 =	vld [tilespmem:s25+$0xFFFFFFD0];
	s28 =	sand.u32 $0x80, s28;
	s29 =	sadd.s32 s29, s19;
	[tilespmem:s26+$0x0] =	vst v6  }
0x35: {  	s29 =	sadd.s32 s28, s29;
	v6 =	vld [tilespmem:s25+$0x430];
	[tilespmem:s26+$0x10] =	vst v5;
	s28 =	smov.u32 s27  }
0x36: {  	v5 =	vld.idx.msk [tilespmem:v0+s29+$0x400 ss:$0x1], $0xffff;
	[tilespmem:s26+$0x20] =	vst v3  }
0x37: {  	v3 =	vld [tilespmem:s25+$0xFFFFFFE0];
	[tilespmem:s26+$0x30] =	vst v4  }
0x38: {  	v4 =	vld [tilespmem:s25+$0xFFFFFFF0];
	[tilespmem:s26+$0xFFFFFBF0] =	vst v7  }
0x39: {  	v7 =	vld [tilespmem:s25+$0x0];
	[tilespmem:s26+$0x40] =	vst v1  }
0x3a: {  	v1 =	vld [tilespmem:s25+$0x10];
	[tilespmem:s26+$0x50] =	vst v2;
	s26 =	sadd.s32 $0x800, s26  }
0x3b: {  	s24 =	sadd.s32 $0x800, s24;
	v2 =	vld [tilespmem:s25+$0x20];
	[tilespmem:s26+$0x60] =	vst v6  }
0x3c: {  	v9 =	vld [tilespmem:s25+$0x30];
	[tilespmem:s24+$0x0] =	vst v5  }
0x3d: {  	[tilespmem:s26+$0xFFFFFC00] =	vst v8;
	v6 =	vld [tilespmem:s25+$0x3D0]  }
0x3e: {  	[tilespmem:s26+$0xFFFFFC10] =	vst v3;
	v5 =	vld [tilespmem:s25+$0x3E0]  }
.Ltmp3:
0x3f: {  	[tilespmem:s26+$0xFFFFFC20] =	vst v4;
	v3 =	vld [tilespmem:s25+$0x3F0];
	(pc) =	sbr.rel @p1 .LBB1_4-.Ltmp3, $4  }
0x40: {  	[tilespmem:s26+$0xFFFFFC30] =	vst v7;
	v4 =	vld [tilespmem:s25+$0x400]  }
0x41: {  	[tilespmem:s26+$0xFFFFFC40] =	vst v1;
	v1 =	vld [tilespmem:s25+$0x410]  }
0x42: {  	[tilespmem:s26+$0xFFFFFC50] =	vst v2;
	v2 =	vld [tilespmem:s25+$0x420]  }
0x43: {  	s27 =	sadd.s32 $0x80, s27;
	s29 =	sand.u32 $0x300, s28;
	v7 =	vld [tilespmem:s25+$0xFFFFFFC0];
	[tilespmem:s26+$0xFFFFFC60] =	vst v9;
	s25 =	sadd.s32 $0x80, s25  }
0x44: {  	[tilespmem:s26+$0x0] =	vst v6  }
0x45: {  	[tilespmem:s26+$0x10] =	vst v5  }
0x46: {  	v49 =	vld [tilespmem:s25+$0x430];
	[tilespmem:s26+$0x20] =	vst v3  }
0x47: {  	v50 =	vld [tilespmem:s25+$0xFFFFFFD0];
	[tilespmem:s26+$0x30] =	vst v4  }
0x48: {  	v51 =	vld [tilespmem:s25+$0xFFFFFFE0];
	[tilespmem:s26+$0x40] =	vst v1  }
0x49: {  	v52 =	vld [tilespmem:s25+$0xFFFFFFF0];
	[tilespmem:s26+$0x50] =	vst v2  }
0x4a: {  	s31 =	sadd.s32 $0x800, s26;
	v53 =	vld [tilespmem:s25+$0x0];
	[tilespmem:s26+$0xFFFFFBF0] =	vst v7  }
0x4b: {  	v54 =	vld [tilespmem:s25+$0x10];
	[tilespmem:s31+$0x60] =	vst v49  }
0x4c: {  	v55 =	vld [tilespmem:s25+$0x20];
	[tilespmem:s31+$0xFFFFFC00] =	vst v50  }
0x4d: {  	v56 =	vld [tilespmem:s25+$0x30];
	[tilespmem:s31+$0xFFFFFC10] =	vst v51  }
0x4e: {  	v57 =	vld [tilespmem:s25+$0x3D0];
	[tilespmem:s31+$0xFFFFFC20] =	vst v52  }
0x4f: {  	v58 =	vld [tilespmem:s25+$0x3E0];
	[tilespmem:s31+$0xFFFFFC30] =	vst v53  }
0x50: {  	v59 =	vld [tilespmem:s25+$0x3F0];
	[tilespmem:s31+$0xFFFFFC40] =	vst v54  }
0x51: {  	v60 =	vld [tilespmem:s25+$0x400];
	[tilespmem:s31+$0xFFFFFC50] =	vst v55  }
0x52: {  	v61 =	vld [tilespmem:s25+$0xFFFFFFC0];
	[tilespmem:s31+$0xFFFFFC60] =	vst v56  }
0x53: {  	s27 =	sand.u32 $0x80, s28;
	s30 =	sadd.s32 s29, s19;
	v62 =	vld [tilespmem:s25+$0x410];
	[tilespmem:s31+$0x0] =	vst v57  }
0x54: {  	v63 =	vld [tilespmem:s25+$0x420];
	s23 =	sadd.s32 $0x1, s23;
	s27 =	sadd.s32 s27, s30;
	[tilespmem:s31+$0x10] =	vst v58  }
0x55: {  	p1 =	sne.s32 s23, $0x8;
	v0 =	vld.idx.msk [tilespmem:v0+s27+$0x400 ss:$0x1], $0xffff;
	[tilespmem:s31+$0x20] =	vst v59  }
.Ltmp4:
0x56: {  	[tilespmem:s31+$0x30] =	vst v60;
	(pc) =	sbr.rel @p1 .LBB1_3-.Ltmp4, $4  }
0x57: {  	[tilespmem:s31+$0xFFFFFBF0] =	vst v61  }
0x58: {  	[tilespmem:s31+$0x40] =	vst v62  }
0x59: {  	s24 =	sadd.s32 $0x800, s24;
	s16 =	sadd.s32 $0x800, s16;
	[tilespmem:s31+$0x50] =	vst v63  }
0x5a: {  	s22 =	sadd.s32 $0x80, s22;
	p0 =	por !p0, !p0;
	s18 =	sadd.s32 $0x80, s18;
	[tilespmem:s24+$0x0] =	vst v0  }
.Ltmp5:
0x5b: {  	(pc) =	sbr.rel .LBB1_7-.Ltmp5, $4  }
0x5c: {  	_ = 	snop  }
0x5d: {  	s15 =	sshll.u32 s15, $0xF;
	s14 =	sadd.s32 s6, s14  }
0x5e: {  	s14 =	sadd.s32 s15, s14  }
0x5f: {  	[hbm4b:s14+s9] =	stream.strided.scatter [tilespmem:s17], [sflag:$0x2], $0x4000, s10, s9, $0x38;
	[tilespmem:$0x10000] =	vst v63  }
.LBB1_8:
0x60: {  	_ =	sfence.sel $0x180000  }
0x61: {  	s1 =	simm.s32 $0x1;
	[bflag:$0x0] =	sbarrier.arrive $0xFFFF  }
0x62: {  	s31 =	simm.s32 $0x2;
	[sflag:s1] =	ssyncpa.u1 $0x1  }
0x63: {  	[sflag:s31] =	ssyncpa.u1 $0x1  }
0x64: {  	p0 =	sne.s32 s0, $0x0;
	_ =	strace $0x90000047  }
0x65: {  	s0 =	sadd.s32 @!p0 $0x100000, s3;
	[bflag:$0x2] =	sbarrier.arrive $0xFFFF  }
0x66: {  	[sflag:s0] =	ssyncadd.tile.s32 @!p0 $0x1;
	_ =	shalt  }
.Lfunc_end1:
_tile_overlayer_lowered:
.L_overlay_start_2:
0x67: {  	(tag) =	ssettag $0x2  }
0x68: {  	s0 =	rddreg [dreg:$0x0];
	s2 =	stileid.u32  }
0x69: {  	s1 =	rddreg [dreg:$0x1];
	p0 =	sne.s32 s2, $0x0  }
0x6a: {  	s3 =	rddreg [dreg:$0x2];
	[bflag:$0x3] =	sbarrier.arrive $0xFFFF;
	s2 =	simm.s32 @!p0 $0x1C01  }
0x6b: {  	[timem:s3], [sflag:s2] =	dma.local @!p0 [hbm:s0], s1  }
0x6c: {  	s0 =	simm.s32 @!p0 $0x1  }
0x6d: {  	_ =	swait.ge @!p0 [sflag:s0], s1  }
0x6e: {  	s1 =	ssub.s32 @!p0 $0x0, s1;
	[sflag:s0] =	ssyncset.done @!p0 $0x0  }
0x6f: {  	[sflag:s0] =	ssyncadd.s32 @!p0 s1  }
0x70: {  	[bflag:$0x3] =	sbarrier.arrive $0xFFFF  }
0x71: {  	_ =	shalt  }

</sc_bundles>
